<compile_context>
chip_gen: v7x
topology: tpu7x:2x2x1
jax: 0.10.2.dev20260603
libtpu: 0.0.44.dev20260713+nightly
codegen_flags: <defaults>
</compile_context>

<pallas_src>
import functools

import jax
import jax.numpy as jnp
from jax import lax
from jax.experimental import pallas as pl
from jax.experimental.pallas import tpu as pltpu
from jax.experimental.pallas import tpu_sc as plsc

_LANES = 16
_NUM_WORKERS = 32
_F = 4
_TILE = 128


def _pick_chunk_tiles(base_tiles: int) -> int:
    for d in range(min(64, base_tiles), 0, -1):
        if base_tiles % d == 0:
            return d
    return 1


def _compute_tiles(x_ref, out_ref, params, n_tiles):
    lo = params[0:4]
    hi = params[4:8]
    flip = tuple(params[8 + f] != 0.0 for f in range(4))

    groups_per_tile = _TILE // _LANES

    @plsc.parallel_loop(0, n_tiles * groups_per_tile, unroll=4)
    def _(v):
        t = v // groups_per_tile
        j = v % groups_per_tile
        p = None
        for f in range(4):
            a = x_ref[t, f, pl.ds(j * _LANES, _LANES)]
            pf = jnp.logical_xor((a >= lo[f]) & (a <= hi[f]), flip[f])
            p = pf if p is None else (p & pf)
        out_ref[pl.ds(v * _LANES, _LANES)] = jnp.where(
            p, 1.0, 0.0).astype(jnp.float32)


def _make_sc_kernel(n_rows: int):
    total_t = n_rows // _TILE
    base_t = total_t // _NUM_WORKERS
    rem_t = total_t % _NUM_WORKERS
    chunk_t = _pick_chunk_tiles(base_t)
    n_chunks = base_t // chunk_t
    chunk_out = chunk_t * _TILE

    mesh = plsc.VectorSubcoreMesh(core_axis_name="c", subcore_axis_name="s")

    @functools.partial(
        pl.kernel,
        mesh=mesh,
        out_type=jax.ShapeDtypeStruct((n_rows,), jnp.float32),
        compiler_params=pltpu.CompilerParams(needs_layout_passes=False,
                                             skip_device_barrier=True),
        scratch_types=[
            pltpu.VMEM((chunk_t, _F, _TILE), jnp.float32),
            pltpu.VMEM((chunk_t, _F, _TILE), jnp.float32),
            pltpu.VMEM((chunk_t, _F, _TILE), jnp.float32),
            pltpu.VMEM((chunk_out,), jnp.float32),
            pltpu.VMEM((chunk_out,), jnp.float32),
            pltpu.VMEM((12, _LANES), jnp.float32),
            pltpu.VMEM((1, _F, _TILE), jnp.float32),
            pltpu.VMEM((_TILE,), jnp.float32),
            pltpu.SemaphoreType.DMA,
            pltpu.SemaphoreType.DMA,
            pltpu.SemaphoreType.DMA,
            pltpu.SemaphoreType.DMA,
            pltpu.SemaphoreType.DMA,
            pltpu.SemaphoreType.DMA,
        ],
    )
    def sc_kernel(x_hbm, par_hbm, out_hbm, xb0, xb1, xb2, yb0, yb1, pbuf,
                  xbt, ybt, si0, si1, si2, so0, so1, st):
        wid = lax.axis_index("s") * 2 + lax.axis_index("c")
        my_t0 = wid * base_t + jnp.minimum(wid, rem_t)

        xbufs = (xb0, xb1, xb2)
        ybufs = (yb0, yb1)
        in_sems = (si0, si1, si2)
        out_sems = (so0, so1)

        def in_copy(k, slot):
            t = my_t0 + k * chunk_t
            return pltpu.async_copy(
                x_hbm.at[pl.ds(t, chunk_t), :, :], xbufs[slot], in_sems[slot])

        def out_copy(k, slot):
            w = (my_t0 + k * chunk_t) * _TILE
            return pltpu.async_copy(
                ybufs[slot], out_hbm.at[pl.ds(w, chunk_out)], out_sems[slot])

        t_extra = my_t0 + base_t
        if rem_t:
            @pl.when(wid < rem_t)
            def _():
                pltpu.async_copy(x_hbm.at[pl.ds(t_extra, 1), :, :], xbt, st)

        in_flight = {k: in_copy(k, k) for k in range(min(2, n_chunks))}
        pltpu.sync_copy(par_hbm, pbuf)
        params = tuple(pbuf[i, :] for i in range(12))
        out_flight = {}
        for k in range(n_chunks):
            if k + 2 < n_chunks:
                in_flight[k + 2] = in_copy(k + 2, (k + 2) % 3)
            in_flight.pop(k).wait()
            yslot = k % 2
            if k >= 2:
                out_flight.pop(k - 2).wait()
            _compute_tiles(xbufs[k % 3], ybufs[yslot], params, chunk_t)
            out_flight[k] = out_copy(k, yslot)

        if rem_t:
            @pl.when(wid < rem_t)
            def _():
                pltpu.make_async_copy(
                    x_hbm.at[pl.ds(t_extra, 1), :, :], xbt, st).wait()
                _compute_tiles(xbt, ybt, params, 1)
                pltpu.async_copy(
                    ybt, out_hbm.at[pl.ds(t_extra * _TILE, _TILE)], st)

        for k in sorted(out_flight):
            out_flight.pop(k).wait()

        if rem_t:
            @pl.when(wid < rem_t)
            def _():
                pltpu.make_async_copy(
                    ybt, out_hbm.at[pl.ds(t_extra * _TILE, _TILE)], st).wait()

    return sc_kernel


def kernel(x, cuts, cases):
    n, f = x.shape
    assert f == _F and n % _TILE == 0
    c0 = cuts[:, 0]
    c1 = cuts[:, 1]
    inf = jnp.float32(jnp.inf)
    lo = jnp.where(cases == 0, -inf,
                   jnp.where(cases == 3, jnp.nextafter(c0, inf), c0))
    hi = jnp.where(cases == 0, c0,
                   jnp.where(cases == 1, inf,
                             jnp.where(cases == 2, c1,
                                       jnp.nextafter(c1, -inf))))
    flip = (cases == 3).astype(jnp.float32)
    params = jnp.concatenate(
        [jnp.broadcast_to(lo[:, None], (4, _LANES)),
         jnp.broadcast_to(hi[:, None], (4, _LANES)),
         jnp.broadcast_to(flip[:, None], (4, _LANES))], axis=0)

    x_tiles = jnp.swapaxes(x.reshape(n // _TILE, _TILE, _F), 1, 2)

    sc = _make_sc_kernel(n)
    return sc(x_tiles, params)

# --- scband reference (transcript-rebuilt; emitter-appended) ---
"""Pipeline reference for scband-new-cut-and-count-47880295416450 (READ-ONLY COPY).

The authoritative reference and input builder live on the scoring server;
editing this copy changes nothing except your own understanding.
"""

import jax, jax.numpy as jnp
import numpy as np

N = 2000000
N_FEATURES = 4


def setup_inputs(seed: int = 0) -> dict:
    key = jax.random.key(seed)
    k1, k2, k3 = jax.random.split(key, 3)
    x = jax.random.normal(k1, (N, N_FEATURES), dtype=jnp.float32)
    # non-trainable weights of the keras model: cuts (n_features, 2) and cases (n_features,)
    cuts = jnp.sort(jax.random.normal(k2, (N_FEATURES, 2), dtype=jnp.float32), axis=1)
    cases = jax.random.randint(k3, (N_FEATURES,), 0, 4, dtype=jnp.int32)
    return {"x": x, "cuts": cuts, "cases": cases}


def reference(x, cuts, cases):
    # Faithful translation of NewCutAndCount.call
    left = x <= cuts[:, 0]                                   # [N, F]
    right = x >= cuts[:, 0]                                  # [N, F]
    middle = jnp.logical_and(cuts[:, 0] <= x, x <= cuts[:, 1])  # [N, F]
    both_sides = jnp.logical_or(x <= cuts[:, 0], x >= cuts[:, 1])  # [N, F]
    conditions = jnp.stack([left, right, middle, both_sides], axis=-1)  # [N, F, 4]
    # original: feature_indices = range(4); gather conditions[:, f, cases[f]] per feature
    feature_indices = jnp.arange(N_FEATURES)
    y_pred_per_feature = conditions[:, feature_indices, cases]  # [N, F]
    y_pred = jnp.all(y_pred_per_feature, axis=-1)
    y_pred = y_pred.astype(jnp.float32)
    return y_pred

if __name__ == "__main__":
    import jax
    _d = setup_inputs()
    print(jax.jit(kernel)(*tuple(_d.values())))

</pallas_src>

<mosaic_0001>
#map = affine_map<(d0, d1) -> (0, 0, 0)>
#map1 = affine_map<(d0, d1) -> (0, 0)>
#map2 = affine_map<(d0, d1) -> (0)>
module attributes {stable_mosaic.version = 14 : i64} {
  func.func @sc_kernel(%arg0: i32, %arg1: i32, %arg2: memref<15625x4x128xf32, #tpu.memory_space<hbm>>, %arg3: memref<12x16xf32, #tpu.memory_space<hbm>>, %arg4: memref<2000000xf32, #tpu.memory_space<hbm>>, %arg5: memref<61x4x128xf32, #tpu.memory_space<vmem>>, %arg6: memref<61x4x128xf32, #tpu.memory_space<vmem>>, %arg7: memref<61x4x128xf32, #tpu.memory_space<vmem>>, %arg8: memref<7808xf32, #tpu.memory_space<vmem>>, %arg9: memref<7808xf32, #tpu.memory_space<vmem>>, %arg10: memref<12x16xf32, #tpu.memory_space<vmem>>, %arg11: memref<1x4x128xf32, #tpu.memory_space<vmem>>, %arg12: memref<128xf32, #tpu.memory_space<vmem>>, %arg13: memref<!tpu.dma_semaphore, #tpu.memory_space<semaphore_mem>>, %arg14: memref<!tpu.dma_semaphore, #tpu.memory_space<semaphore_mem>>, %arg15: memref<!tpu.dma_semaphore, #tpu.memory_space<semaphore_mem>>, %arg16: memref<!tpu.dma_semaphore, #tpu.memory_space<semaphore_mem>>, %arg17: memref<!tpu.dma_semaphore, #tpu.memory_space<semaphore_mem>>, %arg18: memref<!tpu.dma_semaphore, #tpu.memory_space<semaphore_mem>>) attributes {dimension_semantics = [#tpu.dimension_semantics<core_parallel>, #tpu.dimension_semantics<subcore_parallel>], iteration_bounds = array<i64: 2, 16>, scalar_prefetch = 0 : i64, scratch_operands = 14 : i64, tpu.core_type = #tpu.core_type<sc_vector_subcore>, window_params = [{transform_indices = #map}, {transform_indices = #map1}, {transform_indices = #map2}]} {
    %mul3A = arith.constant 2 : i32
    %mul3A_0 = arith.muli %arg1, %mul3A : i32
    %add3A = arith.addi %mul3A_0, %arg0 : i32
    %mul3A_1 = arith.constant 488 : i32
    %mul3A_2 = arith.muli %add3A, %mul3A_1 : i32
    %min3A = arith.constant 9 : i32
    %min3A_3 = arith.minsi %add3A, %min3A : i32
    %add3A_4 = arith.addi %mul3A_2, %min3A_3 : i32
    %add3A_5 = arith.constant 488 : i32
    %add3A_6 = arith.addi %add3A_4, %add3A_5 : i32
    %lt3A = arith.constant 9 : i32
    %lt3A_7 = arith.cmpi slt, %add3A, %lt3A : i32
    %convert_element_type3A = arith.extui %lt3A_7 : i1 to i32
    %cond3A = arith.constant 0 : i32
    %cond3A_8 = arith.cmpi ne, %convert_element_type3A, %cond3A : i32
    scf.if %cond3A_8 {
      %dma_start3A_358 = arith.constant 0 : i32
      %dma_start3A_359 = arith.constant 0 : i32
      %dma_start3A_360 = tpu.memref_slice %arg2[%add3A_6, %dma_start3A_358, %dma_start3A_359] : memref<15625x4x128xf32, #tpu.memory_space<hbm>> -> memref<1x4x128xf32, #tpu.memory_space<hbm>>
      %dma_start3A_361 = arith.constant 0 : i32
      %dma_start3A_362 = arith.constant 0 : i32
      %dma_start3A_363 = tpu.memref_slice %arg2[%add3A_6, %dma_start3A_361, %dma_start3A_362] : memref<15625x4x128xf32, #tpu.memory_space<hbm>> -> memref<1x4x128xf32, #tpu.memory_space<hbm>>
      tpu.enqueue_dma source(%dma_start3A_363 : memref<1x4x128xf32, #tpu.memory_space<hbm>>) target(%arg11 : memref<1x4x128xf32, #tpu.memory_space<vmem>>) target_semaphore(%arg18 : memref<!tpu.dma_semaphore, #tpu.memory_space<semaphore_mem>>)
    } else {
    }
    %add3A_9 = arith.constant 0 : i32
    %add3A_10 = arith.addi %add3A_4, %add3A_9 : i32
    %dma_start3A = arith.constant 0 : i32
    %dma_start3A_11 = arith.constant 0 : i32
    %dma_start3A_12 = tpu.memref_slice %arg2[%add3A_10, %dma_start3A, %dma_start3A_11] : memref<15625x4x128xf32, #tpu.memory_space<hbm>> -> memref<61x4x128xf32, #tpu.memory_space<hbm>>
    %dma_start3A_13 = arith.constant 0 : i32
    %dma_start3A_14 = arith.constant 0 : i32
    %dma_start3A_15 = tpu.memref_slice %arg2[%add3A_10, %dma_start3A_13, %dma_start3A_14] : memref<15625x4x128xf32, #tpu.memory_space<hbm>> -> memref<61x4x128xf32, #tpu.memory_space<hbm>>
    tpu.enqueue_dma source(%dma_start3A_15 : memref<61x4x128xf32, #tpu.memory_space<hbm>>) target(%arg5 : memref<61x4x128xf32, #tpu.memory_space<vmem>>) target_semaphore(%arg13 : memref<!tpu.dma_semaphore, #tpu.memory_space<semaphore_mem>>)
    %add3A_16 = arith.constant 61 : i32
    %add3A_17 = arith.addi %add3A_4, %add3A_16 : i32
    %dma_start3A_18 = arith.constant 0 : i32
    %dma_start3A_19 = arith.constant 0 : i32
    %dma_start3A_20 = tpu.memref_slice %arg2[%add3A_17, %dma_start3A_18, %dma_start3A_19] : memref<15625x4x128xf32, #tpu.memory_space<hbm>> -> memref<61x4x128xf32, #tpu.memory_space<hbm>>
    %dma_start3A_21 = arith.constant 0 : i32
    %dma_start3A_22 = arith.constant 0 : i32
    %dma_start3A_23 = tpu.memref_slice %arg2[%add3A_17, %dma_start3A_21, %dma_start3A_22] : memref<15625x4x128xf32, #tpu.memory_space<hbm>> -> memref<61x4x128xf32, #tpu.memory_space<hbm>>
    tpu.enqueue_dma source(%dma_start3A_23 : memref<61x4x128xf32, #tpu.memory_space<hbm>>) target(%arg6 : memref<61x4x128xf32, #tpu.memory_space<vmem>>) target_semaphore(%arg14 : memref<!tpu.dma_semaphore, #tpu.memory_space<semaphore_mem>>)
    "tpu.region"() ({
      %run_scoped3A = tpu.sem_alloc : memref<!tpu.dma_semaphore, #tpu.memory_space<semaphore_mem>>
      tpu.enqueue_dma source(%arg3 : memref<12x16xf32, #tpu.memory_space<hbm>>) target(%arg10 : memref<12x16xf32, #tpu.memory_space<vmem>>) target_semaphore(%run_scoped3A : memref<!tpu.dma_semaphore, #tpu.memory_space<semaphore_mem>>)
      tpu.wait_dma2 semaphore(%run_scoped3A : memref<!tpu.dma_semaphore, #tpu.memory_space<semaphore_mem>>) src(%arg3 : memref<12x16xf32, #tpu.memory_space<hbm>>) dst(%arg10 : memref<12x16xf32, #tpu.memory_space<vmem>>)
      tpu.yield
    }) : () -> ()
    %get3A = arith.constant 0 : i32
    %get3A_24 = arith.index_cast %get3A : i32 to index
    %get3A_25 = arith.constant 0 : index
    %get3A_26 = tpu.vector_load %arg10[%get3A_24, %get3A_25] {strides = array<i32>} : memref<12x16xf32, #tpu.memory_space<vmem>>, vector<16xf32>,
    %get3A_27 = arith.constant 1 : i32
    %get3A_28 = arith.index_cast %get3A_27 : i32 to index
    %get3A_29 = arith.constant 0 : index
    %get3A_30 = tpu.vector_load %arg10[%get3A_28, %get3A_29] {strides = array<i32>} : memref<12x16xf32, #tpu.memory_space<vmem>>, vector<16xf32>,
    %get3A_31 = arith.constant 2 : i32
    %get3A_32 = arith.index_cast %get3A_31 : i32 to index
    %get3A_33 = arith.constant 0 : index
    %get3A_34 = tpu.vector_load %arg10[%get3A_32, %get3A_33] {strides = array<i32>} : memref<12x16xf32, #tpu.memory_space<vmem>>, vector<16xf32>,
    %get3A_35 = arith.constant 3 : i32
    %get3A_36 = arith.index_cast %get3A_35 : i32 to index
    %get3A_37 = arith.constant 0 : index
    %get3A_38 = tpu.vector_load %arg10[%get3A_36, %get3A_37] {strides = array<i32>} : memref<12x16xf32, #tpu.memory_space<vmem>>, vector<16xf32>,
    %get3A_39 = arith.constant 4 : i32
    %get3A_40 = arith.index_cast %get3A_39 : i32 to index
    %get3A_41 = arith.constant 0 : index
    %get3A_42 = tpu.vector_load %arg10[%get3A_40, %get3A_41] {strides = array<i32>} : memref<12x16xf32, #tpu.memory_space<vmem>>, vector<16xf32>,
    %get3A_43 = arith.constant 5 : i32
    %get3A_44 = arith.index_cast %get3A_43 : i32 to index
    %get3A_45 = arith.constant 0 : index
    %get3A_46 = tpu.vector_load %arg10[%get3A_44, %get3A_45] {strides = array<i32>} : memref<12x16xf32, #tpu.memory_space<vmem>>, vector<16xf32>,
    %get3A_47 = arith.constant 6 : i32
    %get3A_48 = arith.index_cast %get3A_47 : i32 to index
    %get3A_49 = arith.constant 0 : index
    %get3A_50 = tpu.vector_load %arg10[%get3A_48, %get3A_49] {strides = array<i32>} : memref<12x16xf32, #tpu.memory_space<vmem>>, vector<16xf32>,
    %get3A_51 = arith.constant 7 : i32
    %get3A_52 = arith.index_cast %get3A_51 : i32 to index
    %get3A_53 = arith.constant 0 : index
    %get3A_54 = tpu.vector_load %arg10[%get3A_52, %get3A_53] {strides = array<i32>} : memref<12x16xf32, #tpu.memory_space<vmem>>, vector<16xf32>,
    %get3A_55 = arith.constant 8 : i32
    %get3A_56 = arith.index_cast %get3A_55 : i32 to index
    %get3A_57 = arith.constant 0 : index
    %get3A_58 = tpu.vector_load %arg10[%get3A_56, %get3A_57] {strides = array<i32>} : memref<12x16xf32, #tpu.memory_space<vmem>>, vector<16xf32>,
    %get3A_59 = arith.constant 9 : i32
    %get3A_60 = arith.index_cast %get3A_59 : i32 to index
    %get3A_61 = arith.constant 0 : index
    %get3A_62 = tpu.vector_load %arg10[%get3A_60, %get3A_61] {strides = array<i32>} : memref<12x16xf32, #tpu.memory_space<vmem>>, vector<16xf32>,
    %get3A_63 = arith.constant 10 : i32
    %get3A_64 = arith.index_cast %get3A_63 : i32 to index
    %get3A_65 = arith.constant 0 : index
    %get3A_66 = tpu.vector_load %arg10[%get3A_64, %get3A_65] {strides = array<i32>} : memref<12x16xf32, #tpu.memory_space<vmem>>, vector<16xf32>,
    %get3A_67 = arith.constant 11 : i32
    %get3A_68 = arith.index_cast %get3A_67 : i32 to index
    %get3A_69 = arith.constant 0 : index
    %get3A_70 = tpu.vector_load %arg10[%get3A_68, %get3A_69] {strides = array<i32>} : memref<12x16xf32, #tpu.memory_space<vmem>>, vector<16xf32>,
    %add3A_71 = arith.constant 122 : i32
    %add3A_72 = arith.addi %add3A_4, %add3A_71 : i32
    %dma_start3A_73 = arith.constant 0 : i32
    %dma_start3A_74 = arith.constant 0 : i32
    %dma_start3A_75 = tpu.memref_slice %arg2[%add3A_72, %dma_start3A_73, %dma_start3A_74] : memref<15625x4x128xf32, #tpu.memory_space<hbm>> -> memref<61x4x128xf32, #tpu.memory_space<hbm>>
    %dma_start3A_76 = arith.constant 0 : i32
    %dma_start3A_77 = arith.constant 0 : i32
    %dma_start3A_78 = tpu.memref_slice %arg2[%add3A_72, %dma_start3A_76, %dma_start3A_77] : memref<15625x4x128xf32, #tpu.memory_space<hbm>> -> memref<61x4x128xf32, #tpu.memory_space<hbm>>
    tpu.enqueue_dma source(%dma_start3A_78 : memref<61x4x128xf32, #tpu.memory_space<hbm>>) target(%arg7 : memref<61x4x128xf32, #tpu.memory_space<vmem>>) target_semaphore(%arg15 : memref<!tpu.dma_semaphore, #tpu.memory_space<semaphore_mem>>)
    %dma_wait3A = arith.constant 0 : i32
    %dma_wait3A_79 = arith.constant 0 : i32
    %dma_wait3A_80 = tpu.memref_slice %arg2[%add3A_10, %dma_wait3A, %dma_wait3A_79] : memref<15625x4x128xf32, #tpu.memory_space<hbm>> -> memref<61x4x128xf32, #tpu.memory_space<hbm>>
    %dma_wait3A_81 = arith.constant 0 : i32
    %dma_wait3A_82 = arith.constant 0 : i32
    %dma_wait3A_83 = tpu.memref_slice %arg2[%add3A_10, %dma_wait3A_81, %dma_wait3A_82] : memref<15625x4x128xf32, #tpu.memory_space<hbm>> -> memref<61x4x128xf32, #tpu.memory_space<hbm>>
    tpu.wait_dma2 semaphore(%arg13 : memref<!tpu.dma_semaphore, #tpu.memory_space<semaphore_mem>>) src(%dma_wait3A_83 : memref<61x4x128xf32, #tpu.memory_space<hbm>>) dst(%arg5 : memref<61x4x128xf32, #tpu.memory_space<vmem>>)
    %ne3A = arith.constant 0.000000e+00 : f32
    %ne3A_84 = vector.broadcast %ne3A : f32 to vector<16xf32>
    %ne3A_85 = arith.cmpf one, %get3A_58, %ne3A_84 : vector<16xf32>
    %ne3A_86 = arith.constant 0.000000e+00 : f32
    %ne3A_87 = vector.broadcast %ne3A_86 : f32 to vector<16xf32>
    %ne3A_88 = arith.cmpf one, %get3A_62, %ne3A_87 : vector<16xf32>
    %ne3A_89 = arith.constant 0.000000e+00 : f32
    %ne3A_90 = vector.broadcast %ne3A_89 : f32 to vector<16xf32>
    %ne3A_91 = arith.cmpf one, %get3A_66, %ne3A_90 : vector<16xf32>
    %ne3A_92 = arith.constant 0.000000e+00 : f32
    %ne3A_93 = vector.broadcast %ne3A_92 : f32 to vector<16xf32>
    %ne3A_94 = arith.cmpf one, %get3A_70, %ne3A_93 : vector<16xf32>
    %parallel_loop3A = arith.constant 0 : i32
    %parallel_loop3A_95 = arith.constant 488 : i32
    %parallel_loop3A_96 = arith.constant 1 : i32
    scf.for %parallel_loop3A_358 = %parallel_loop3A to %parallel_loop3A_95 step %parallel_loop3A_96  : i32 {
      %parallel_loop3A_359 = arith.constant 8 : i32
      %parallel_loop3A_360 = arith.divsi %parallel_loop3A_358, %parallel_loop3A_359 : i32
      %parallel_loop3A_361 = arith.constant 0 : i32
      %parallel_loop3A_362 = arith.cmpi sgt, %parallel_loop3A_358, %parallel_loop3A_361 : i32
      %parallel_loop3A_363 = arith.extui %parallel_loop3A_362 : i1 to i32
      %parallel_loop3A_364 = arith.constant 0 : i32
      %parallel_loop3A_365 = arith.cmpi slt, %parallel_loop3A_358, %parallel_loop3A_364 : i32
      %parallel_loop3A_366 = arith.extui %parallel_loop3A_365 : i1 to i32
      %parallel_loop3A_367 = arith.subi %parallel_loop3A_363, %parallel_loop3A_366 : i32
      %parallel_loop3A_368 = arith.constant 0 : i32
      %parallel_loop3A_369 = arith.cmpi sgt, %parallel_loop3A_359, %parallel_loop3A_368 : i32
      %parallel_loop3A_370 = arith.extui %parallel_loop3A_369 : i1 to i32
      %parallel_loop3A_371 = arith.constant 0 : i32
      %parallel_loop3A_372 = arith.cmpi slt, %parallel_loop3A_359, %parallel_loop3A_371 : i32
      %parallel_loop3A_373 = arith.extui %parallel_loop3A_372 : i1 to i32
      %parallel_loop3A_374 = arith.subi %parallel_loop3A_370, %parallel_loop3A_373 : i32
      %parallel_loop3A_375 = arith.cmpi ne, %parallel_loop3A_367, %parallel_loop3A_374 : i32
      %parallel_loop3A_376 = arith.remsi %parallel_loop3A_358, %parallel_loop3A_359 : i32
      %parallel_loop3A_377 = arith.constant 0 : i32
      %parallel_loop3A_378 = arith.cmpi ne, %parallel_loop3A_376, %parallel_loop3A_377 : i32
      %parallel_loop3A_379 = arith.andi %parallel_loop3A_375, %parallel_loop3A_378 : i1
      %parallel_loop3A_380 = arith.constant 1 : i32
      %parallel_loop3A_381 = arith.subi %parallel_loop3A_360, %parallel_loop3A_380 : i32
      %parallel_loop3A_382 = arith.select %parallel_loop3A_379, %parallel_loop3A_381, %parallel_loop3A_360 : i32
      %parallel_loop3A_383 = arith.constant 8 : i32
      %parallel_loop3A_384 = arith.constant 0 : i32
      %parallel_loop3A_385 = arith.cmpi eq, %parallel_loop3A_383, %parallel_loop3A_384 : i32
      %parallel_loop3A_386 = arith.constant 1 : i32
      %parallel_loop3A_387 = arith.select %parallel_loop3A_385, %parallel_loop3A_386, %parallel_loop3A_383 : i32
      %parallel_loop3A_388 = arith.remsi %parallel_loop3A_358, %parallel_loop3A_387 : i32
      %parallel_loop3A_389 = arith.constant 0 : i32
      %parallel_loop3A_390 = arith.cmpi ne, %parallel_loop3A_388, %parallel_loop3A_389 : i32
      %parallel_loop3A_391 = arith.constant 0 : i32
      %parallel_loop3A_392 = arith.cmpi slt, %parallel_loop3A_388, %parallel_loop3A_391 : i32
      %parallel_loop3A_393 = arith.constant 0 : i32
      %parallel_loop3A_394 = arith.cmpi slt, %parallel_loop3A_387, %parallel_loop3A_393 : i32
      %parallel_loop3A_395 = arith.xori %parallel_loop3A_392, %parallel_loop3A_394 : i1
      %parallel_loop3A_396 = arith.andi %parallel_loop3A_395, %parallel_loop3A_390 : i1
      %parallel_loop3A_397 = arith.addi %parallel_loop3A_388, %parallel_loop3A_387 : i32
      %parallel_loop3A_398 = arith.select %parallel_loop3A_396, %parallel_loop3A_397, %parallel_loop3A_388 : i32
      %parallel_loop3A_399 = arith.constant 16 : i32
      %parallel_loop3A_400 = arith.muli %parallel_loop3A_398, %parallel_loop3A_399 : i32
      %parallel_loop3A_401 = arith.constant 0 : i32
      %parallel_loop3A_402 = arith.index_cast %parallel_loop3A_382 : i32 to index
      %parallel_loop3A_403 = arith.index_cast %parallel_loop3A_401 : i32 to index
      %parallel_loop3A_404 = arith.index_cast %parallel_loop3A_400 : i32 to index
      %parallel_loop3A_405 = tpu.vector_load %arg5[%parallel_loop3A_402, %parallel_loop3A_403, %parallel_loop3A_404] {strides = array<i32>} : memref<61x4x128xf32, #tpu.memory_space<vmem>>, vector<16xf32>,
      %parallel_loop3A_406 = arith.cmpf oge, %parallel_loop3A_405, %get3A_26 : vector<16xf32>
      %parallel_loop3A_407 = arith.cmpf ole, %parallel_loop3A_405, %get3A_42 : vector<16xf32>
      %parallel_loop3A_408 = arith.andi %parallel_loop3A_406, %parallel_loop3A_407 : vector<16xi1>
      %parallel_loop3A_409 = arith.xori %parallel_loop3A_408, %ne3A_85 : vector<16xi1>
      %parallel_loop3A_410 = arith.constant 16 : i32
      %parallel_loop3A_411 = arith.muli %parallel_loop3A_398, %parallel_loop3A_410 : i32
      %parallel_loop3A_412 = arith.constant 1 : i32
      %parallel_loop3A_413 = arith.index_cast %parallel_loop3A_382 : i32 to index
      %parallel_loop3A_414 = arith.index_cast %parallel_loop3A_412 : i32 to index
      %parallel_loop3A_415 = arith.index_cast %parallel_loop3A_411 : i32 to index
      %parallel_loop3A_416 = tpu.vector_load %arg5[%parallel_loop3A_413, %parallel_loop3A_414, %parallel_loop3A_415] {strides = array<i32>} : memref<61x4x128xf32, #tpu.memory_space<vmem>>, vector<16xf32>,
      %parallel_loop3A_417 = arith.cmpf oge, %parallel_loop3A_416, %get3A_30 : vector<16xf32>
      %parallel_loop3A_418 = arith.cmpf ole, %parallel_loop3A_416, %get3A_46 : vector<16xf32>
      %parallel_loop3A_419 = arith.andi %parallel_loop3A_417, %parallel_loop3A_418 : vector<16xi1>
      %parallel_loop3A_420 = arith.xori %parallel_loop3A_419, %ne3A_88 : vector<16xi1>
      %parallel_loop3A_421 = arith.andi %parallel_loop3A_409, %parallel_loop3A_420 : vector<16xi1>
      %parallel_loop3A_422 = arith.constant 16 : i32
      %parallel_loop3A_423 = arith.muli %parallel_loop3A_398, %parallel_loop3A_422 : i32
      %parallel_loop3A_424 = arith.constant 2 : i32
      %parallel_loop3A_425 = arith.index_cast %parallel_loop3A_382 : i32 to index
      %parallel_loop3A_426 = arith.index_cast %parallel_loop3A_424 : i32 to index
      %parallel_loop3A_427 = arith.index_cast %parallel_loop3A_423 : i32 to index
      %parallel_loop3A_428 = tpu.vector_load %arg5[%parallel_loop3A_425, %parallel_loop3A_426, %parallel_loop3A_427] {strides = array<i32>} : memref<61x4x128xf32, #tpu.memory_space<vmem>>, vector<16xf32>,
      %parallel_loop3A_429 = arith.cmpf oge, %parallel_loop3A_428, %get3A_34 : vector<16xf32>
      %parallel_loop3A_430 = arith.cmpf ole, %parallel_loop3A_428, %get3A_50 : vector<16xf32>
      %parallel_loop3A_431 = arith.andi %parallel_loop3A_429, %parallel_loop3A_430 : vector<16xi1>
      %parallel_loop3A_432 = arith.xori %parallel_loop3A_431, %ne3A_91 : vector<16xi1>
      %parallel_loop3A_433 = arith.andi %parallel_loop3A_421, %parallel_loop3A_432 : vector<16xi1>
      %parallel_loop3A_434 = arith.constant 16 : i32
      %parallel_loop3A_435 = arith.muli %parallel_loop3A_398, %parallel_loop3A_434 : i32
      %parallel_loop3A_436 = arith.constant 3 : i32
      %parallel_loop3A_437 = arith.index_cast %parallel_loop3A_382 : i32 to index
      %parallel_loop3A_438 = arith.index_cast %parallel_loop3A_436 : i32 to index
      %parallel_loop3A_439 = arith.index_cast %parallel_loop3A_435 : i32 to index
      %parallel_loop3A_440 = tpu.vector_load %arg5[%parallel_loop3A_437, %parallel_loop3A_438, %parallel_loop3A_439] {strides = array<i32>} : memref<61x4x128xf32, #tpu.memory_space<vmem>>, vector<16xf32>,
      %parallel_loop3A_441 = arith.cmpf oge, %parallel_loop3A_440, %get3A_38 : vector<16xf32>
      %parallel_loop3A_442 = arith.cmpf ole, %parallel_loop3A_440, %get3A_54 : vector<16xf32>
      %parallel_loop3A_443 = arith.andi %parallel_loop3A_441, %parallel_loop3A_442 : vector<16xi1>
      %parallel_loop3A_444 = arith.xori %parallel_loop3A_443, %ne3A_94 : vector<16xi1>
      %parallel_loop3A_445 = arith.andi %parallel_loop3A_433, %parallel_loop3A_444 : vector<16xi1>
      %parallel_loop3A_446 = arith.constant 1.000000e+00 : f32
      %parallel_loop3A_447 = arith.constant 0.000000e+00 : f32
      %parallel_loop3A_448 = vector.broadcast %parallel_loop3A_446 : f32 to vector<16xf32>
      %parallel_loop3A_449 = vector.broadcast %parallel_loop3A_447 : f32 to vector<16xf32>
      %parallel_loop3A_450 = arith.select %parallel_loop3A_445, %parallel_loop3A_448, %parallel_loop3A_449 : vector<16xi1>, vector<16xf32>
      %parallel_loop3A_451 = arith.constant 16 : i32
      %parallel_loop3A_452 = arith.muli %parallel_loop3A_358, %parallel_loop3A_451 : i32
      %parallel_loop3A_453 = arith.index_cast %parallel_loop3A_452 : i32 to index
      %parallel_loop3A_454 = tpu.vector_load %arg8[%parallel_loop3A_453] {strides = array<i32>} : memref<7808xf32, #tpu.memory_space<vmem>>, vector<16xf32>,
      tpu.vector_store %arg8[%parallel_loop3A_453], %parallel_loop3A_450 {strides = array<i32>} : memref<7808xf32, #tpu.memory_space<vmem>>, vector<16xf32>,
    } {sc.loop_unroll_factor = 4 : i64, sc.parallel_access}
    %add3A_97 = arith.constant 0 : i32
    %add3A_98 = arith.addi %add3A_4, %add3A_97 : i32
    %mul3A_99 = arith.constant 128 : i32
    %mul3A_100 = arith.muli %add3A_98, %mul3A_99 : i32
    %dma_start3A_101 = tpu.memref_slice %arg4[%mul3A_100] : memref<2000000xf32, #tpu.memory_space<hbm>> -> memref<7808xf32, #tpu.memory_space<hbm>>
    %dma_start3A_102 = tpu.memref_slice %arg4[%mul3A_100] : memref<2000000xf32, #tpu.memory_space<hbm>> -> memref<7808xf32, #tpu.memory_space<hbm>>
    tpu.enqueue_dma source(%arg8 : memref<7808xf32, #tpu.memory_space<vmem>>) target(%dma_start3A_102 : memref<7808xf32, #tpu.memory_space<hbm>>) target_semaphore(%arg16 : memref<!tpu.dma_semaphore, #tpu.memory_space<semaphore_mem>>)
    %add3A_103 = arith.constant 183 : i32
    %add3A_104 = arith.addi %add3A_4, %add3A_103 : i32
    %dma_start3A_105 = arith.constant 0 : i32
    %dma_start3A_106 = arith.constant 0 : i32
    %dma_start3A_107 = tpu.memref_slice %arg2[%add3A_104, %dma_start3A_105, %dma_start3A_106] : memref<15625x4x128xf32, #tpu.memory_space<hbm>> -> memref<61x4x128xf32, #tpu.memory_space<hbm>>
    %dma_start3A_108 = arith.constant 0 : i32
    %dma_start3A_109 = arith.constant 0 : i32
    %dma_start3A_110 = tpu.memref_slice %arg2[%add3A_104, %dma_start3A_108, %dma_start3A_109] : memref<15625x4x128xf32, #tpu.memory_space<hbm>> -> memref<61x4x128xf32, #tpu.memory_space<hbm>>
    tpu.enqueue_dma source(%dma_start3A_110 : memref<61x4x128xf32, #tpu.memory_space<hbm>>) target(%arg5 : memref<61x4x128xf32, #tpu.memory_space<vmem>>) target_semaphore(%arg13 : memref<!tpu.dma_semaphore, #tpu.memory_space<semaphore_mem>>)
    %dma_wait3A_111 = arith.constant 0 : i32
    %dma_wait3A_112 = arith.constant 0 : i32
    %dma_wait3A_113 = tpu.memref_slice %arg2[%add3A_17, %dma_wait3A_111, %dma_wait3A_112] : memref<15625x4x128xf32, #tpu.memory_space<hbm>> -> memref<61x4x128xf32, #tpu.memory_space<hbm>>
    %dma_wait3A_114 = arith.constant 0 : i32
    %dma_wait3A_115 = arith.constant 0 : i32
    %dma_wait3A_116 = tpu.memref_slice %arg2[%add3A_17, %dma_wait3A_114, %dma_wait3A_115] : memref<15625x4x128xf32, #tpu.memory_space<hbm>> -> memref<61x4x128xf32, #tpu.memory_space<hbm>>
    tpu.wait_dma2 semaphore(%arg14 : memref<!tpu.dma_semaphore, #tpu.memory_space<semaphore_mem>>) src(%dma_wait3A_116 : memref<61x4x128xf32, #tpu.memory_space<hbm>>) dst(%arg6 : memref<61x4x128xf32, #tpu.memory_space<vmem>>)
    %ne3A_117 = arith.constant 0.000000e+00 : f32
    %ne3A_118 = vector.broadcast %ne3A_117 : f32 to vector<16xf32>
    %ne3A_119 = arith.cmpf one, %get3A_58, %ne3A_118 : vector<16xf32>
    %ne3A_120 = arith.constant 0.000000e+00 : f32
    %ne3A_121 = vector.broadcast %ne3A_120 : f32 to vector<16xf32>
    %ne3A_122 = arith.cmpf one, %get3A_62, %ne3A_121 : vector<16xf32>
    %ne3A_123 = arith.constant 0.000000e+00 : f32
    %ne3A_124 = vector.broadcast %ne3A_123 : f32 to vector<16xf32>
    %ne3A_125 = arith.cmpf one, %get3A_66, %ne3A_124 : vector<16xf32>
    %ne3A_126 = arith.constant 0.000000e+00 : f32
    %ne3A_127 = vector.broadcast %ne3A_126 : f32 to vector<16xf32>
    %ne3A_128 = arith.cmpf one, %get3A_70, %ne3A_127 : vector<16xf32>
    %parallel_loop3A_129 = arith.constant 0 : i32
    %parallel_loop3A_130 = arith.constant 488 : i32
    %parallel_loop3A_131 = arith.constant 1 : i32
    scf.for %parallel_loop3A_358 = %parallel_loop3A_129 to %parallel_loop3A_130 step %parallel_loop3A_131  : i32 {
      %parallel_loop3A_359 = arith.constant 8 : i32
      %parallel_loop3A_360 = arith.divsi %parallel_loop3A_358, %parallel_loop3A_359 : i32
      %parallel_loop3A_361 = arith.constant 0 : i32
      %parallel_loop3A_362 = arith.cmpi sgt, %parallel_loop3A_358, %parallel_loop3A_361 : i32
      %parallel_loop3A_363 = arith.extui %parallel_loop3A_362 : i1 to i32
      %parallel_loop3A_364 = arith.constant 0 : i32
      %parallel_loop3A_365 = arith.cmpi slt, %parallel_loop3A_358, %parallel_loop3A_364 : i32
      %parallel_loop3A_366 = arith.extui %parallel_loop3A_365 : i1 to i32
      %parallel_loop3A_367 = arith.subi %parallel_loop3A_363, %parallel_loop3A_366 : i32
      %parallel_loop3A_368 = arith.constant 0 : i32
      %parallel_loop3A_369 = arith.cmpi sgt, %parallel_loop3A_359, %parallel_loop3A_368 : i32
      %parallel_loop3A_370 = arith.extui %parallel_loop3A_369 : i1 to i32
      %parallel_loop3A_371 = arith.constant 0 : i32
      %parallel_loop3A_372 = arith.cmpi slt, %parallel_loop3A_359, %parallel_loop3A_371 : i32
      %parallel_loop3A_373 = arith.extui %parallel_loop3A_372 : i1 to i32
      %parallel_loop3A_374 = arith.subi %parallel_loop3A_370, %parallel_loop3A_373 : i32
      %parallel_loop3A_375 = arith.cmpi ne, %parallel_loop3A_367, %parallel_loop3A_374 : i32
      %parallel_loop3A_376 = arith.remsi %parallel_loop3A_358, %parallel_loop3A_359 : i32
      %parallel_loop3A_377 = arith.constant 0 : i32
      %parallel_loop3A_378 = arith.cmpi ne, %parallel_loop3A_376, %parallel_loop3A_377 : i32
      %parallel_loop3A_379 = arith.andi %parallel_loop3A_375, %parallel_loop3A_378 : i1
      %parallel_loop3A_380 = arith.constant 1 : i32
      %parallel_loop3A_381 = arith.subi %parallel_loop3A_360, %parallel_loop3A_380 : i32
      %parallel_loop3A_382 = arith.select %parallel_loop3A_379, %parallel_loop3A_381, %parallel_loop3A_360 : i32
      %parallel_loop3A_383 = arith.constant 8 : i32
      %parallel_loop3A_384 = arith.constant 0 : i32
      %parallel_loop3A_385 = arith.cmpi eq, %parallel_loop3A_383, %parallel_loop3A_384 : i32
      %parallel_loop3A_386 = arith.constant 1 : i32
      %parallel_loop3A_387 = arith.select %parallel_loop3A_385, %parallel_loop3A_386, %parallel_loop3A_383 : i32
      %parallel_loop3A_388 = arith.remsi %parallel_loop3A_358, %parallel_loop3A_387 : i32
      %parallel_loop3A_389 = arith.constant 0 : i32
      %parallel_loop3A_390 = arith.cmpi ne, %parallel_loop3A_388, %parallel_loop3A_389 : i32
      %parallel_loop3A_391 = arith.constant 0 : i32
      %parallel_loop3A_392 = arith.cmpi slt, %parallel_loop3A_388, %parallel_loop3A_391 : i32
      %parallel_loop3A_393 = arith.constant 0 : i32
      %parallel_loop3A_394 = arith.cmpi slt, %parallel_loop3A_387, %parallel_loop3A_393 : i32
      %parallel_loop3A_395 = arith.xori %parallel_loop3A_392, %parallel_loop3A_394 : i1
      %parallel_loop3A_396 = arith.andi %parallel_loop3A_395, %parallel_loop3A_390 : i1
      %parallel_loop3A_397 = arith.addi %parallel_loop3A_388, %parallel_loop3A_387 : i32
      %parallel_loop3A_398 = arith.select %parallel_loop3A_396, %parallel_loop3A_397, %parallel_loop3A_388 : i32
      %parallel_loop3A_399 = arith.constant 16 : i32
      %parallel_loop3A_400 = arith.muli %parallel_loop3A_398, %parallel_loop3A_399 : i32
      %parallel_loop3A_401 = arith.constant 0 : i32
      %parallel_loop3A_402 = arith.index_cast %parallel_loop3A_382 : i32 to index
      %parallel_loop3A_403 = arith.index_cast %parallel_loop3A_401 : i32 to index
      %parallel_loop3A_404 = arith.index_cast %parallel_loop3A_400 : i32 to index
      %parallel_loop3A_405 = tpu.vector_load %arg6[%parallel_loop3A_402, %parallel_loop3A_403, %parallel_loop3A_404] {strides = array<i32>} : memref<61x4x128xf32, #tpu.memory_space<vmem>>, vector<16xf32>,
      %parallel_loop3A_406 = arith.cmpf oge, %parallel_loop3A_405, %get3A_26 : vector<16xf32>
      %parallel_loop3A_407 = arith.cmpf ole, %parallel_loop3A_405, %get3A_42 : vector<16xf32>
      %parallel_loop3A_408 = arith.andi %parallel_loop3A_406, %parallel_loop3A_407 : vector<16xi1>
      %parallel_loop3A_409 = arith.xori %parallel_loop3A_408, %ne3A_119 : vector<16xi1>
      %parallel_loop3A_410 = arith.constant 16 : i32
      %parallel_loop3A_411 = arith.muli %parallel_loop3A_398, %parallel_loop3A_410 : i32
      %parallel_loop3A_412 = arith.constant 1 : i32
      %parallel_loop3A_413 = arith.index_cast %parallel_loop3A_382 : i32 to index
      %parallel_loop3A_414 = arith.index_cast %parallel_loop3A_412 : i32 to index
      %parallel_loop3A_415 = arith.index_cast %parallel_loop3A_411 : i32 to index
      %parallel_loop3A_416 = tpu.vector_load %arg6[%parallel_loop3A_413, %parallel_loop3A_414, %parallel_loop3A_415] {strides = array<i32>} : memref<61x4x128xf32, #tpu.memory_space<vmem>>, vector<16xf32>,
      %parallel_loop3A_417 = arith.cmpf oge, %parallel_loop3A_416, %get3A_30 : vector<16xf32>
      %parallel_loop3A_418 = arith.cmpf ole, %parallel_loop3A_416, %get3A_46 : vector<16xf32>
      %parallel_loop3A_419 = arith.andi %parallel_loop3A_417, %parallel_loop3A_418 : vector<16xi1>
      %parallel_loop3A_420 = arith.xori %parallel_loop3A_419, %ne3A_122 : vector<16xi1>
      %parallel_loop3A_421 = arith.andi %parallel_loop3A_409, %parallel_loop3A_420 : vector<16xi1>
      %parallel_loop3A_422 = arith.constant 16 : i32
      %parallel_loop3A_423 = arith.muli %parallel_loop3A_398, %parallel_loop3A_422 : i32
      %parallel_loop3A_424 = arith.constant 2 : i32
      %parallel_loop3A_425 = arith.index_cast %parallel_loop3A_382 : i32 to index
      %parallel_loop3A_426 = arith.index_cast %parallel_loop3A_424 : i32 to index
      %parallel_loop3A_427 = arith.index_cast %parallel_loop3A_423 : i32 to index
      %parallel_loop3A_428 = tpu.vector_load %arg6[%parallel_loop3A_425, %parallel_loop3A_426, %parallel_loop3A_427] {strides = array<i32>} : memref<61x4x128xf32, #tpu.memory_space<vmem>>, vector<16xf32>,
      %parallel_loop3A_429 = arith.cmpf oge, %parallel_loop3A_428, %get3A_34 : vector<16xf32>
      %parallel_loop3A_430 = arith.cmpf ole, %parallel_loop3A_428, %get3A_50 : vector<16xf32>
      %parallel_loop3A_431 = arith.andi %parallel_loop3A_429, %parallel_loop3A_430 : vector<16xi1>
      %parallel_loop3A_432 = arith.xori %parallel_loop3A_431, %ne3A_125 : vector<16xi1>
      %parallel_loop3A_433 = arith.andi %parallel_loop3A_421, %parallel_loop3A_432 : vector<16xi1>
      %parallel_loop3A_434 = arith.constant 16 : i32
      %parallel_loop3A_435 = arith.muli %parallel_loop3A_398, %parallel_loop3A_434 : i32
      %parallel_loop3A_436 = arith.constant 3 : i32
      %parallel_loop3A_437 = arith.index_cast %parallel_loop3A_382 : i32 to index
      %parallel_loop3A_438 = arith.index_cast %parallel_loop3A_436 : i32 to index
      %parallel_loop3A_439 = arith.index_cast %parallel_loop3A_435 : i32 to index
      %parallel_loop3A_440 = tpu.vector_load %arg6[%parallel_loop3A_437, %parallel_loop3A_438, %parallel_loop3A_439] {strides = array<i32>} : memref<61x4x128xf32, #tpu.memory_space<vmem>>, vector<16xf32>,
      %parallel_loop3A_441 = arith.cmpf oge, %parallel_loop3A_440, %get3A_38 : vector<16xf32>
      %parallel_loop3A_442 = arith.cmpf ole, %parallel_loop3A_440, %get3A_54 : vector<16xf32>
      %parallel_loop3A_443 = arith.andi %parallel_loop3A_441, %parallel_loop3A_442 : vector<16xi1>
      %parallel_loop3A_444 = arith.xori %parallel_loop3A_443, %ne3A_128 : vector<16xi1>
      %parallel_loop3A_445 = arith.andi %parallel_loop3A_433, %parallel_loop3A_444 : vector<16xi1>
      %parallel_loop3A_446 = arith.constant 1.000000e+00 : f32
      %parallel_loop3A_447 = arith.constant 0.000000e+00 : f32
      %parallel_loop3A_448 = vector.broadcast %parallel_loop3A_446 : f32 to vector<16xf32>
      %parallel_loop3A_449 = vector.broadcast %parallel_loop3A_447 : f32 to vector<16xf32>
      %parallel_loop3A_450 = arith.select %parallel_loop3A_445, %parallel_loop3A_448, %parallel_loop3A_449 : vector<16xi1>, vector<16xf32>
      %parallel_loop3A_451 = arith.constant 16 : i32
      %parallel_loop3A_452 = arith.muli %parallel_loop3A_358, %parallel_loop3A_451 : i32
      %parallel_loop3A_453 = arith.index_cast %parallel_loop3A_452 : i32 to index
      %parallel_loop3A_454 = tpu.vector_load %arg9[%parallel_loop3A_453] {strides = array<i32>} : memref<7808xf32, #tpu.memory_space<vmem>>, vector<16xf32>,
      tpu.vector_store %arg9[%parallel_loop3A_453], %parallel_loop3A_450 {strides = array<i32>} : memref<7808xf32, #tpu.memory_space<vmem>>, vector<16xf32>,
    } {sc.loop_unroll_factor = 4 : i64, sc.parallel_access}
    %add3A_132 = arith.constant 61 : i32
    %add3A_133 = arith.addi %add3A_4, %add3A_132 : i32
    %mul3A_134 = arith.constant 128 : i32
    %mul3A_135 = arith.muli %add3A_133, %mul3A_134 : i32
    %dma_start3A_136 = tpu.memref_slice %arg4[%mul3A_135] : memref<2000000xf32, #tpu.memory_space<hbm>> -> memref<7808xf32, #tpu.memory_space<hbm>>
    %dma_start3A_137 = tpu.memref_slice %arg4[%mul3A_135] : memref<2000000xf32, #tpu.memory_space<hbm>> -> memref<7808xf32, #tpu.memory_space<hbm>>
    tpu.enqueue_dma source(%arg9 : memref<7808xf32, #tpu.memory_space<vmem>>) target(%dma_start3A_137 : memref<7808xf32, #tpu.memory_space<hbm>>) target_semaphore(%arg17 : memref<!tpu.dma_semaphore, #tpu.memory_space<semaphore_mem>>)
    %add3A_138 = arith.constant 244 : i32
    %add3A_139 = arith.addi %add3A_4, %add3A_138 : i32
    %dma_start3A_140 = arith.constant 0 : i32
    %dma_start3A_141 = arith.constant 0 : i32
    %dma_start3A_142 = tpu.memref_slice %arg2[%add3A_139, %dma_start3A_140, %dma_start3A_141] : memref<15625x4x128xf32, #tpu.memory_space<hbm>> -> memref<61x4x128xf32, #tpu.memory_space<hbm>>
    %dma_start3A_143 = arith.constant 0 : i32
    %dma_start3A_144 = arith.constant 0 : i32
    %dma_start3A_145 = tpu.memref_slice %arg2[%add3A_139, %dma_start3A_143, %dma_start3A_144] : memref<15625x4x128xf32, #tpu.memory_space<hbm>> -> memref<61x4x128xf32, #tpu.memory_space<hbm>>
    tpu.enqueue_dma source(%dma_start3A_145 : memref<61x4x128xf32, #tpu.memory_space<hbm>>) target(%arg6 : memref<61x4x128xf32, #tpu.memory_space<vmem>>) target_semaphore(%arg14 : memref<!tpu.dma_semaphore, #tpu.memory_space<semaphore_mem>>)
    %dma_wait3A_146 = arith.constant 0 : i32
    %dma_wait3A_147 = arith.constant 0 : i32
    %dma_wait3A_148 = tpu.memref_slice %arg2[%add3A_72, %dma_wait3A_146, %dma_wait3A_147] : memref<15625x4x128xf32, #tpu.memory_space<hbm>> -> memref<61x4x128xf32, #tpu.memory_space<hbm>>
    %dma_wait3A_149 = arith.constant 0 : i32
    %dma_wait3A_150 = arith.constant 0 : i32
    %dma_wait3A_151 = tpu.memref_slice %arg2[%add3A_72, %dma_wait3A_149, %dma_wait3A_150] : memref<15625x4x128xf32, #tpu.memory_space<hbm>> -> memref<61x4x128xf32, #tpu.memory_space<hbm>>
    tpu.wait_dma2 semaphore(%arg15 : memref<!tpu.dma_semaphore, #tpu.memory_space<semaphore_mem>>) src(%dma_wait3A_151 : memref<61x4x128xf32, #tpu.memory_space<hbm>>) dst(%arg7 : memref<61x4x128xf32, #tpu.memory_space<vmem>>)
    %dma_wait3A_152 = tpu.memref_slice %arg4[%mul3A_100] : memref<2000000xf32, #tpu.memory_space<hbm>> -> memref<7808xf32, #tpu.memory_space<hbm>>
    %dma_wait3A_153 = tpu.memref_slice %arg4[%mul3A_100] : memref<2000000xf32, #tpu.memory_space<hbm>> -> memref<7808xf32, #tpu.memory_space<hbm>>
    tpu.wait_dma2 semaphore(%arg16 : memref<!tpu.dma_semaphore, #tpu.memory_space<semaphore_mem>>) src(%arg8 : memref<7808xf32, #tpu.memory_space<vmem>>) dst(%dma_wait3A_153 : memref<7808xf32, #tpu.memory_space<hbm>>)
    %ne3A_154 = arith.constant 0.000000e+00 : f32
    %ne3A_155 = vector.broadcast %ne3A_154 : f32 to vector<16xf32>
    %ne3A_156 = arith.cmpf one, %get3A_58, %ne3A_155 : vector<16xf32>
    %ne3A_157 = arith.constant 0.000000e+00 : f32
    %ne3A_158 = vector.broadcast %ne3A_157 : f32 to vector<16xf32>
    %ne3A_159 = arith.cmpf one, %get3A_62, %ne3A_158 : vector<16xf32>
    %ne3A_160 = arith.constant 0.000000e+00 : f32
    %ne3A_161 = vector.broadcast %ne3A_160 : f32 to vector<16xf32>
    %ne3A_162 = arith.cmpf one, %get3A_66, %ne3A_161 : vector<16xf32>
    %ne3A_163 = arith.constant 0.000000e+00 : f32
    %ne3A_164 = vector.broadcast %ne3A_163 : f32 to vector<16xf32>
    %ne3A_165 = arith.cmpf one, %get3A_70, %ne3A_164 : vector<16xf32>
    %parallel_loop3A_166 = arith.constant 0 : i32
    %parallel_loop3A_167 = arith.constant 488 : i32
    %parallel_loop3A_168 = arith.constant 1 : i32
    scf.for %parallel_loop3A_358 = %parallel_loop3A_166 to %parallel_loop3A_167 step %parallel_loop3A_168  : i32 {
      %parallel_loop3A_359 = arith.constant 8 : i32
      %parallel_loop3A_360 = arith.divsi %parallel_loop3A_358, %parallel_loop3A_359 : i32
      %parallel_loop3A_361 = arith.constant 0 : i32
      %parallel_loop3A_362 = arith.cmpi sgt, %parallel_loop3A_358, %parallel_loop3A_361 : i32
      %parallel_loop3A_363 = arith.extui %parallel_loop3A_362 : i1 to i32
      %parallel_loop3A_364 = arith.constant 0 : i32
      %parallel_loop3A_365 = arith.cmpi slt, %parallel_loop3A_358, %parallel_loop3A_364 : i32
      %parallel_loop3A_366 = arith.extui %parallel_loop3A_365 : i1 to i32
      %parallel_loop3A_367 = arith.subi %parallel_loop3A_363, %parallel_loop3A_366 : i32
      %parallel_loop3A_368 = arith.constant 0 : i32
      %parallel_loop3A_369 = arith.cmpi sgt, %parallel_loop3A_359, %parallel_loop3A_368 : i32
      %parallel_loop3A_370 = arith.extui %parallel_loop3A_369 : i1 to i32
      %parallel_loop3A_371 = arith.constant 0 : i32
      %parallel_loop3A_372 = arith.cmpi slt, %parallel_loop3A_359, %parallel_loop3A_371 : i32
      %parallel_loop3A_373 = arith.extui %parallel_loop3A_372 : i1 to i32
      %parallel_loop3A_374 = arith.subi %parallel_loop3A_370, %parallel_loop3A_373 : i32
      %parallel_loop3A_375 = arith.cmpi ne, %parallel_loop3A_367, %parallel_loop3A_374 : i32
      %parallel_loop3A_376 = arith.remsi %parallel_loop3A_358, %parallel_loop3A_359 : i32
      %parallel_loop3A_377 = arith.constant 0 : i32
      %parallel_loop3A_378 = arith.cmpi ne, %parallel_loop3A_376, %parallel_loop3A_377 : i32
      %parallel_loop3A_379 = arith.andi %parallel_loop3A_375, %parallel_loop3A_378 : i1
      %parallel_loop3A_380 = arith.constant 1 : i32
      %parallel_loop3A_381 = arith.subi %parallel_loop3A_360, %parallel_loop3A_380 : i32
      %parallel_loop3A_382 = arith.select %parallel_loop3A_379, %parallel_loop3A_381, %parallel_loop3A_360 : i32
      %parallel_loop3A_383 = arith.constant 8 : i32
      %parallel_loop3A_384 = arith.constant 0 : i32
      %parallel_loop3A_385 = arith.cmpi eq, %parallel_loop3A_383, %parallel_loop3A_384 : i32
      %parallel_loop3A_386 = arith.constant 1 : i32
      %parallel_loop3A_387 = arith.select %parallel_loop3A_385, %parallel_loop3A_386, %parallel_loop3A_383 : i32
      %parallel_loop3A_388 = arith.remsi %parallel_loop3A_358, %parallel_loop3A_387 : i32
      %parallel_loop3A_389 = arith.constant 0 : i32
      %parallel_loop3A_390 = arith.cmpi ne, %parallel_loop3A_388, %parallel_loop3A_389 : i32
      %parallel_loop3A_391 = arith.constant 0 : i32
      %parallel_loop3A_392 = arith.cmpi slt, %parallel_loop3A_388, %parallel_loop3A_391 : i32
      %parallel_loop3A_393 = arith.constant 0 : i32
      %parallel_loop3A_394 = arith.cmpi slt, %parallel_loop3A_387, %parallel_loop3A_393 : i32
      %parallel_loop3A_395 = arith.xori %parallel_loop3A_392, %parallel_loop3A_394 : i1
      %parallel_loop3A_396 = arith.andi %parallel_loop3A_395, %parallel_loop3A_390 : i1
      %parallel_loop3A_397 = arith.addi %parallel_loop3A_388, %parallel_loop3A_387 : i32
      %parallel_loop3A_398 = arith.select %parallel_loop3A_396, %parallel_loop3A_397, %parallel_loop3A_388 : i32
      %parallel_loop3A_399 = arith.constant 16 : i32
      %parallel_loop3A_400 = arith.muli %parallel_loop3A_398, %parallel_loop3A_399 : i32
      %parallel_loop3A_401 = arith.constant 0 : i32
      %parallel_loop3A_402 = arith.index_cast %parallel_loop3A_382 : i32 to index
      %parallel_loop3A_403 = arith.index_cast %parallel_loop3A_401 : i32 to index
      %parallel_loop3A_404 = arith.index_cast %parallel_loop3A_400 : i32 to index
      %parallel_loop3A_405 = tpu.vector_load %arg7[%parallel_loop3A_402, %parallel_loop3A_403, %parallel_loop3A_404] {strides = array<i32>} : memref<61x4x128xf32, #tpu.memory_space<vmem>>, vector<16xf32>,
      %parallel_loop3A_406 = arith.cmpf oge, %parallel_loop3A_405, %get3A_26 : vector<16xf32>
      %parallel_loop3A_407 = arith.cmpf ole, %parallel_loop3A_405, %get3A_42 : vector<16xf32>
      %parallel_loop3A_408 = arith.andi %parallel_loop3A_406, %parallel_loop3A_407 : vector<16xi1>
      %parallel_loop3A_409 = arith.xori %parallel_loop3A_408, %ne3A_156 : vector<16xi1>
      %parallel_loop3A_410 = arith.constant 16 : i32
      %parallel_loop3A_411 = arith.muli %parallel_loop3A_398, %parallel_loop3A_410 : i32
      %parallel_loop3A_412 = arith.constant 1 : i32
      %parallel_loop3A_413 = arith.index_cast %parallel_loop3A_382 : i32 to index
      %parallel_loop3A_414 = arith.index_cast %parallel_loop3A_412 : i32 to index
      %parallel_loop3A_415 = arith.index_cast %parallel_loop3A_411 : i32 to index
      %parallel_loop3A_416 = tpu.vector_load %arg7[%parallel_loop3A_413, %parallel_loop3A_414, %parallel_loop3A_415] {strides = array<i32>} : memref<61x4x128xf32, #tpu.memory_space<vmem>>, vector<16xf32>,
      %parallel_loop3A_417 = arith.cmpf oge, %parallel_loop3A_416, %get3A_30 : vector<16xf32>
      %parallel_loop3A_418 = arith.cmpf ole, %parallel_loop3A_416, %get3A_46 : vector<16xf32>
      %parallel_loop3A_419 = arith.andi %parallel_loop3A_417, %parallel_loop3A_418 : vector<16xi1>
      %parallel_loop3A_420 = arith.xori %parallel_loop3A_419, %ne3A_159 : vector<16xi1>
      %parallel_loop3A_421 = arith.andi %parallel_loop3A_409, %parallel_loop3A_420 : vector<16xi1>
      %parallel_loop3A_422 = arith.constant 16 : i32
      %parallel_loop3A_423 = arith.muli %parallel_loop3A_398, %parallel_loop3A_422 : i32
      %parallel_loop3A_424 = arith.constant 2 : i32
      %parallel_loop3A_425 = arith.index_cast %parallel_loop3A_382 : i32 to index
      %parallel_loop3A_426 = arith.index_cast %parallel_loop3A_424 : i32 to index
      %parallel_loop3A_427 = arith.index_cast %parallel_loop3A_423 : i32 to index
      %parallel_loop3A_428 = tpu.vector_load %arg7[%parallel_loop3A_425, %parallel_loop3A_426, %parallel_loop3A_427] {strides = array<i32>} : memref<61x4x128xf32, #tpu.memory_space<vmem>>, vector<16xf32>,
      %parallel_loop3A_429 = arith.cmpf oge, %parallel_loop3A_428, %get3A_34 : vector<16xf32>
      %parallel_loop3A_430 = arith.cmpf ole, %parallel_loop3A_428, %get3A_50 : vector<16xf32>
      %parallel_loop3A_431 = arith.andi %parallel_loop3A_429, %parallel_loop3A_430 : vector<16xi1>
      %parallel_loop3A_432 = arith.xori %parallel_loop3A_431, %ne3A_162 : vector<16xi1>
      %parallel_loop3A_433 = arith.andi %parallel_loop3A_421, %parallel_loop3A_432 : vector<16xi1>
      %parallel_loop3A_434 = arith.constant 16 : i32
      %parallel_loop3A_435 = arith.muli %parallel_loop3A_398, %parallel_loop3A_434 : i32
      %parallel_loop3A_436 = arith.constant 3 : i32
      %parallel_loop3A_437 = arith.index_cast %parallel_loop3A_382 : i32 to index
      %parallel_loop3A_438 = arith.index_cast %parallel_loop3A_436 : i32 to index
      %parallel_loop3A_439 = arith.index_cast %parallel_loop3A_435 : i32 to index
      %parallel_loop3A_440 = tpu.vector_load %arg7[%parallel_loop3A_437, %parallel_loop3A_438, %parallel_loop3A_439] {strides = array<i32>} : memref<61x4x128xf32, #tpu.memory_space<vmem>>, vector<16xf32>,
      %parallel_loop3A_441 = arith.cmpf oge, %parallel_loop3A_440, %get3A_38 : vector<16xf32>
      %parallel_loop3A_442 = arith.cmpf ole, %parallel_loop3A_440, %get3A_54 : vector<16xf32>
      %parallel_loop3A_443 = arith.andi %parallel_loop3A_441, %parallel_loop3A_442 : vector<16xi1>
      %parallel_loop3A_444 = arith.xori %parallel_loop3A_443, %ne3A_165 : vector<16xi1>
      %parallel_loop3A_445 = arith.andi %parallel_loop3A_433, %parallel_loop3A_444 : vector<16xi1>
      %parallel_loop3A_446 = arith.constant 1.000000e+00 : f32
      %parallel_loop3A_447 = arith.constant 0.000000e+00 : f32
      %parallel_loop3A_448 = vector.broadcast %parallel_loop3A_446 : f32 to vector<16xf32>
      %parallel_loop3A_449 = vector.broadcast %parallel_loop3A_447 : f32 to vector<16xf32>
      %parallel_loop3A_450 = arith.select %parallel_loop3A_445, %parallel_loop3A_448, %parallel_loop3A_449 : vector<16xi1>, vector<16xf32>
      %parallel_loop3A_451 = arith.constant 16 : i32
      %parallel_loop3A_452 = arith.muli %parallel_loop3A_358, %parallel_loop3A_451 : i32
      %parallel_loop3A_453 = arith.index_cast %parallel_loop3A_452 : i32 to index
      %parallel_loop3A_454 = tpu.vector_load %arg8[%parallel_loop3A_453] {strides = array<i32>} : memref<7808xf32, #tpu.memory_space<vmem>>, vector<16xf32>,
      tpu.vector_store %arg8[%parallel_loop3A_453], %parallel_loop3A_450 {strides = array<i32>} : memref<7808xf32, #tpu.memory_space<vmem>>, vector<16xf32>,
    } {sc.loop_unroll_factor = 4 : i64, sc.parallel_access}
    %add3A_169 = arith.constant 122 : i32
    %add3A_170 = arith.addi %add3A_4, %add3A_169 : i32
    %mul3A_171 = arith.constant 128 : i32
    %mul3A_172 = arith.muli %add3A_170, %mul3A_171 : i32
    %dma_start3A_173 = tpu.memref_slice %arg4[%mul3A_172] : memref<2000000xf32, #tpu.memory_space<hbm>> -> memref<7808xf32, #tpu.memory_space<hbm>>
    %dma_start3A_174 = tpu.memref_slice %arg4[%mul3A_172] : memref<2000000xf32, #tpu.memory_space<hbm>> -> memref<7808xf32, #tpu.memory_space<hbm>>
    tpu.enqueue_dma source(%arg8 : memref<7808xf32, #tpu.memory_space<vmem>>) target(%dma_start3A_174 : memref<7808xf32, #tpu.memory_space<hbm>>) target_semaphore(%arg16 : memref<!tpu.dma_semaphore, #tpu.memory_space<semaphore_mem>>)
    %add3A_175 = arith.constant 305 : i32
    %add3A_176 = arith.addi %add3A_4, %add3A_175 : i32
    %dma_start3A_177 = arith.constant 0 : i32
    %dma_start3A_178 = arith.constant 0 : i32
    %dma_start3A_179 = tpu.memref_slice %arg2[%add3A_176, %dma_start3A_177, %dma_start3A_178] : memref<15625x4x128xf32, #tpu.memory_space<hbm>> -> memref<61x4x128xf32, #tpu.memory_space<hbm>>
    %dma_start3A_180 = arith.constant 0 : i32
    %dma_start3A_181 = arith.constant 0 : i32
    %dma_start3A_182 = tpu.memref_slice %arg2[%add3A_176, %dma_start3A_180, %dma_start3A_181] : memref<15625x4x128xf32, #tpu.memory_space<hbm>> -> memref<61x4x128xf32, #tpu.memory_space<hbm>>
    tpu.enqueue_dma source(%dma_start3A_182 : memref<61x4x128xf32, #tpu.memory_space<hbm>>) target(%arg7 : memref<61x4x128xf32, #tpu.memory_space<vmem>>) target_semaphore(%arg15 : memref<!tpu.dma_semaphore, #tpu.memory_space<semaphore_mem>>)
    %dma_wait3A_183 = arith.constant 0 : i32
    %dma_wait3A_184 = arith.constant 0 : i32
    %dma_wait3A_185 = tpu.memref_slice %arg2[%add3A_104, %dma_wait3A_183, %dma_wait3A_184] : memref<15625x4x128xf32, #tpu.memory_space<hbm>> -> memref<61x4x128xf32, #tpu.memory_space<hbm>>
    %dma_wait3A_186 = arith.constant 0 : i32
    %dma_wait3A_187 = arith.constant 0 : i32
    %dma_wait3A_188 = tpu.memref_slice %arg2[%add3A_104, %dma_wait3A_186, %dma_wait3A_187] : memref<15625x4x128xf32, #tpu.memory_space<hbm>> -> memref<61x4x128xf32, #tpu.memory_space<hbm>>
    tpu.wait_dma2 semaphore(%arg13 : memref<!tpu.dma_semaphore, #tpu.memory_space<semaphore_mem>>) src(%dma_wait3A_188 : memref<61x4x128xf32, #tpu.memory_space<hbm>>) dst(%arg5 : memref<61x4x128xf32, #tpu.memory_space<vmem>>)
    %dma_wait3A_189 = tpu.memref_slice %arg4[%mul3A_135] : memref<2000000xf32, #tpu.memory_space<hbm>> -> memref<7808xf32, #tpu.memory_space<hbm>>
    %dma_wait3A_190 = tpu.memref_slice %arg4[%mul3A_135] : memref<2000000xf32, #tpu.memory_space<hbm>> -> memref<7808xf32, #tpu.memory_space<hbm>>
    tpu.wait_dma2 semaphore(%arg17 : memref<!tpu.dma_semaphore, #tpu.memory_space<semaphore_mem>>) src(%arg9 : memref<7808xf32, #tpu.memory_space<vmem>>) dst(%dma_wait3A_190 : memref<7808xf32, #tpu.memory_space<hbm>>)
    %ne3A_191 = arith.constant 0.000000e+00 : f32
    %ne3A_192 = vector.broadcast %ne3A_191 : f32 to vector<16xf32>
    %ne3A_193 = arith.cmpf one, %get3A_58, %ne3A_192 : vector<16xf32>
    %ne3A_194 = arith.constant 0.000000e+00 : f32
    %ne3A_195 = vector.broadcast %ne3A_194 : f32 to vector<16xf32>
    %ne3A_196 = arith.cmpf one, %get3A_62, %ne3A_195 : vector<16xf32>
    %ne3A_197 = arith.constant 0.000000e+00 : f32
    %ne3A_198 = vector.broadcast %ne3A_197 : f32 to vector<16xf32>
    %ne3A_199 = arith.cmpf one, %get3A_66, %ne3A_198 : vector<16xf32>
    %ne3A_200 = arith.constant 0.000000e+00 : f32
    %ne3A_201 = vector.broadcast %ne3A_200 : f32 to vector<16xf32>
    %ne3A_202 = arith.cmpf one, %get3A_70, %ne3A_201 : vector<16xf32>
    %parallel_loop3A_203 = arith.constant 0 : i32
    %parallel_loop3A_204 = arith.constant 488 : i32
    %parallel_loop3A_205 = arith.constant 1 : i32
    scf.for %parallel_loop3A_358 = %parallel_loop3A_203 to %parallel_loop3A_204 step %parallel_loop3A_205  : i32 {
      %parallel_loop3A_359 = arith.constant 8 : i32
      %parallel_loop3A_360 = arith.divsi %parallel_loop3A_358, %parallel_loop3A_359 : i32
      %parallel_loop3A_361 = arith.constant 0 : i32
      %parallel_loop3A_362 = arith.cmpi sgt, %parallel_loop3A_358, %parallel_loop3A_361 : i32
      %parallel_loop3A_363 = arith.extui %parallel_loop3A_362 : i1 to i32
      %parallel_loop3A_364 = arith.constant 0 : i32
      %parallel_loop3A_365 = arith.cmpi slt, %parallel_loop3A_358, %parallel_loop3A_364 : i32
      %parallel_loop3A_366 = arith.extui %parallel_loop3A_365 : i1 to i32
      %parallel_loop3A_367 = arith.subi %parallel_loop3A_363, %parallel_loop3A_366 : i32
      %parallel_loop3A_368 = arith.constant 0 : i32
      %parallel_loop3A_369 = arith.cmpi sgt, %parallel_loop3A_359, %parallel_loop3A_368 : i32
      %parallel_loop3A_370 = arith.extui %parallel_loop3A_369 : i1 to i32
      %parallel_loop3A_371 = arith.constant 0 : i32
      %parallel_loop3A_372 = arith.cmpi slt, %parallel_loop3A_359, %parallel_loop3A_371 : i32
      %parallel_loop3A_373 = arith.extui %parallel_loop3A_372 : i1 to i32
      %parallel_loop3A_374 = arith.subi %parallel_loop3A_370, %parallel_loop3A_373 : i32
      %parallel_loop3A_375 = arith.cmpi ne, %parallel_loop3A_367, %parallel_loop3A_374 : i32
      %parallel_loop3A_376 = arith.remsi %parallel_loop3A_358, %parallel_loop3A_359 : i32
      %parallel_loop3A_377 = arith.constant 0 : i32
      %parallel_loop3A_378 = arith.cmpi ne, %parallel_loop3A_376, %parallel_loop3A_377 : i32
      %parallel_loop3A_379 = arith.andi %parallel_loop3A_375, %parallel_loop3A_378 : i1
      %parallel_loop3A_380 = arith.constant 1 : i32
      %parallel_loop3A_381 = arith.subi %parallel_loop3A_360, %parallel_loop3A_380 : i32
      %parallel_loop3A_382 = arith.select %parallel_loop3A_379, %parallel_loop3A_381, %parallel_loop3A_360 : i32
      %parallel_loop3A_383 = arith.constant 8 : i32
      %parallel_loop3A_384 = arith.constant 0 : i32
      %parallel_loop3A_385 = arith.cmpi eq, %parallel_loop3A_383, %parallel_loop3A_384 : i32
      %parallel_loop3A_386 = arith.constant 1 : i32
      %parallel_loop3A_387 = arith.select %parallel_loop3A_385, %parallel_loop3A_386, %parallel_loop3A_383 : i32
      %parallel_loop3A_388 = arith.remsi %parallel_loop3A_358, %parallel_loop3A_387 : i32
      %parallel_loop3A_389 = arith.constant 0 : i32
      %parallel_loop3A_390 = arith.cmpi ne, %parallel_loop3A_388, %parallel_loop3A_389 : i32
      %parallel_loop3A_391 = arith.constant 0 : i32
      %parallel_loop3A_392 = arith.cmpi slt, %parallel_loop3A_388, %parallel_loop3A_391 : i32
      %parallel_loop3A_393 = arith.constant 0 : i32
      %parallel_loop3A_394 = arith.cmpi slt, %parallel_loop3A_387, %parallel_loop3A_393 : i32
      %parallel_loop3A_395 = arith.xori %parallel_loop3A_392, %parallel_loop3A_394 : i1
      %parallel_loop3A_396 = arith.andi %parallel_loop3A_395, %parallel_loop3A_390 : i1
      %parallel_loop3A_397 = arith.addi %parallel_loop3A_388, %parallel_loop3A_387 : i32
      %parallel_loop3A_398 = arith.select %parallel_loop3A_396, %parallel_loop3A_397, %parallel_loop3A_388 : i32
      %parallel_loop3A_399 = arith.constant 16 : i32
      %parallel_loop3A_400 = arith.muli %parallel_loop3A_398, %parallel_loop3A_399 : i32
      %parallel_loop3A_401 = arith.constant 0 : i32
      %parallel_loop3A_402 = arith.index_cast %parallel_loop3A_382 : i32 to index
      %parallel_loop3A_403 = arith.index_cast %parallel_loop3A_401 : i32 to index
      %parallel_loop3A_404 = arith.index_cast %parallel_loop3A_400 : i32 to index
      %parallel_loop3A_405 = tpu.vector_load %arg5[%parallel_loop3A_402, %parallel_loop3A_403, %parallel_loop3A_404] {strides = array<i32>} : memref<61x4x128xf32, #tpu.memory_space<vmem>>, vector<16xf32>,
      %parallel_loop3A_406 = arith.cmpf oge, %parallel_loop3A_405, %get3A_26 : vector<16xf32>
      %parallel_loop3A_407 = arith.cmpf ole, %parallel_loop3A_405, %get3A_42 : vector<16xf32>
      %parallel_loop3A_408 = arith.andi %parallel_loop3A_406, %parallel_loop3A_407 : vector<16xi1>
      %parallel_loop3A_409 = arith.xori %parallel_loop3A_408, %ne3A_193 : vector<16xi1>
      %parallel_loop3A_410 = arith.constant 16 : i32
      %parallel_loop3A_411 = arith.muli %parallel_loop3A_398, %parallel_loop3A_410 : i32
      %parallel_loop3A_412 = arith.constant 1 : i32
      %parallel_loop3A_413 = arith.index_cast %parallel_loop3A_382 : i32 to index
      %parallel_loop3A_414 = arith.index_cast %parallel_loop3A_412 : i32 to index
      %parallel_loop3A_415 = arith.index_cast %parallel_loop3A_411 : i32 to index
      %parallel_loop3A_416 = tpu.vector_load %arg5[%parallel_loop3A_413, %parallel_loop3A_414, %parallel_loop3A_415] {strides = array<i32>} : memref<61x4x128xf32, #tpu.memory_space<vmem>>, vector<16xf32>,
      %parallel_loop3A_417 = arith.cmpf oge, %parallel_loop3A_416, %get3A_30 : vector<16xf32>
      %parallel_loop3A_418 = arith.cmpf ole, %parallel_loop3A_416, %get3A_46 : vector<16xf32>
      %parallel_loop3A_419 = arith.andi %parallel_loop3A_417, %parallel_loop3A_418 : vector<16xi1>
      %parallel_loop3A_420 = arith.xori %parallel_loop3A_419, %ne3A_196 : vector<16xi1>
      %parallel_loop3A_421 = arith.andi %parallel_loop3A_409, %parallel_loop3A_420 : vector<16xi1>
      %parallel_loop3A_422 = arith.constant 16 : i32
      %parallel_loop3A_423 = arith.muli %parallel_loop3A_398, %parallel_loop3A_422 : i32
      %parallel_loop3A_424 = arith.constant 2 : i32
      %parallel_loop3A_425 = arith.index_cast %parallel_loop3A_382 : i32 to index
      %parallel_loop3A_426 = arith.index_cast %parallel_loop3A_424 : i32 to index
      %parallel_loop3A_427 = arith.index_cast %parallel_loop3A_423 : i32 to index
      %parallel_loop3A_428 = tpu.vector_load %arg5[%parallel_loop3A_425, %parallel_loop3A_426, %parallel_loop3A_427] {strides = array<i32>} : memref<61x4x128xf32, #tpu.memory_space<vmem>>, vector<16xf32>,
      %parallel_loop3A_429 = arith.cmpf oge, %parallel_loop3A_428, %get3A_34 : vector<16xf32>
      %parallel_loop3A_430 = arith.cmpf ole, %parallel_loop3A_428, %get3A_50 : vector<16xf32>
      %parallel_loop3A_431 = arith.andi %parallel_loop3A_429, %parallel_loop3A_430 : vector<16xi1>
      %parallel_loop3A_432 = arith.xori %parallel_loop3A_431, %ne3A_199 : vector<16xi1>
      %parallel_loop3A_433 = arith.andi %parallel_loop3A_421, %parallel_loop3A_432 : vector<16xi1>
      %parallel_loop3A_434 = arith.constant 16 : i32
      %parallel_loop3A_435 = arith.muli %parallel_loop3A_398, %parallel_loop3A_434 : i32
      %parallel_loop3A_436 = arith.constant 3 : i32
      %parallel_loop3A_437 = arith.index_cast %parallel_loop3A_382 : i32 to index
      %parallel_loop3A_438 = arith.index_cast %parallel_loop3A_436 : i32 to index
      %parallel_loop3A_439 = arith.index_cast %parallel_loop3A_435 : i32 to index
      %parallel_loop3A_440 = tpu.vector_load %arg5[%parallel_loop3A_437, %parallel_loop3A_438, %parallel_loop3A_439] {strides = array<i32>} : memref<61x4x128xf32, #tpu.memory_space<vmem>>, vector<16xf32>,
      %parallel_loop3A_441 = arith.cmpf oge, %parallel_loop3A_440, %get3A_38 : vector<16xf32>
      %parallel_loop3A_442 = arith.cmpf ole, %parallel_loop3A_440, %get3A_54 : vector<16xf32>
      %parallel_loop3A_443 = arith.andi %parallel_loop3A_441, %parallel_loop3A_442 : vector<16xi1>
      %parallel_loop3A_444 = arith.xori %parallel_loop3A_443, %ne3A_202 : vector<16xi1>
      %parallel_loop3A_445 = arith.andi %parallel_loop3A_433, %parallel_loop3A_444 : vector<16xi1>
      %parallel_loop3A_446 = arith.constant 1.000000e+00 : f32
      %parallel_loop3A_447 = arith.constant 0.000000e+00 : f32
      %parallel_loop3A_448 = vector.broadcast %parallel_loop3A_446 : f32 to vector<16xf32>
      %parallel_loop3A_449 = vector.broadcast %parallel_loop3A_447 : f32 to vector<16xf32>
      %parallel_loop3A_450 = arith.select %parallel_loop3A_445, %parallel_loop3A_448, %parallel_loop3A_449 : vector<16xi1>, vector<16xf32>
      %parallel_loop3A_451 = arith.constant 16 : i32
      %parallel_loop3A_452 = arith.muli %parallel_loop3A_358, %parallel_loop3A_451 : i32
      %parallel_loop3A_453 = arith.index_cast %parallel_loop3A_452 : i32 to index
      %parallel_loop3A_454 = tpu.vector_load %arg9[%parallel_loop3A_453] {strides = array<i32>} : memref<7808xf32, #tpu.memory_space<vmem>>, vector<16xf32>,
      tpu.vector_store %arg9[%parallel_loop3A_453], %parallel_loop3A_450 {strides = array<i32>} : memref<7808xf32, #tpu.memory_space<vmem>>, vector<16xf32>,
    } {sc.loop_unroll_factor = 4 : i64, sc.parallel_access}
    %add3A_206 = arith.constant 183 : i32
    %add3A_207 = arith.addi %add3A_4, %add3A_206 : i32
    %mul3A_208 = arith.constant 128 : i32
    %mul3A_209 = arith.muli %add3A_207, %mul3A_208 : i32
    %dma_start3A_210 = tpu.memref_slice %arg4[%mul3A_209] : memref<2000000xf32, #tpu.memory_space<hbm>> -> memref<7808xf32, #tpu.memory_space<hbm>>
    %dma_start3A_211 = tpu.memref_slice %arg4[%mul3A_209] : memref<2000000xf32, #tpu.memory_space<hbm>> -> memref<7808xf32, #tpu.memory_space<hbm>>
    tpu.enqueue_dma source(%arg9 : memref<7808xf32, #tpu.memory_space<vmem>>) target(%dma_start3A_211 : memref<7808xf32, #tpu.memory_space<hbm>>) target_semaphore(%arg17 : memref<!tpu.dma_semaphore, #tpu.memory_space<semaphore_mem>>)
    %add3A_212 = arith.constant 366 : i32
    %add3A_213 = arith.addi %add3A_4, %add3A_212 : i32
    %dma_start3A_214 = arith.constant 0 : i32
    %dma_start3A_215 = arith.constant 0 : i32
    %dma_start3A_216 = tpu.memref_slice %arg2[%add3A_213, %dma_start3A_214, %dma_start3A_215] : memref<15625x4x128xf32, #tpu.memory_space<hbm>> -> memref<61x4x128xf32, #tpu.memory_space<hbm>>
    %dma_start3A_217 = arith.constant 0 : i32
    %dma_start3A_218 = arith.constant 0 : i32
    %dma_start3A_219 = tpu.memref_slice %arg2[%add3A_213, %dma_start3A_217, %dma_start3A_218] : memref<15625x4x128xf32, #tpu.memory_space<hbm>> -> memref<61x4x128xf32, #tpu.memory_space<hbm>>
    tpu.enqueue_dma source(%dma_start3A_219 : memref<61x4x128xf32, #tpu.memory_space<hbm>>) target(%arg5 : memref<61x4x128xf32, #tpu.memory_space<vmem>>) target_semaphore(%arg13 : memref<!tpu.dma_semaphore, #tpu.memory_space<semaphore_mem>>)
    %dma_wait3A_220 = arith.constant 0 : i32
    %dma_wait3A_221 = arith.constant 0 : i32
    %dma_wait3A_222 = tpu.memref_slice %arg2[%add3A_139, %dma_wait3A_220, %dma_wait3A_221] : memref<15625x4x128xf32, #tpu.memory_space<hbm>> -> memref<61x4x128xf32, #tpu.memory_space<hbm>>
    %dma_wait3A_223 = arith.constant 0 : i32
    %dma_wait3A_224 = arith.constant 0 : i32
    %dma_wait3A_225 = tpu.memref_slice %arg2[%add3A_139, %dma_wait3A_223, %dma_wait3A_224] : memref<15625x4x128xf32, #tpu.memory_space<hbm>> -> memref<61x4x128xf32, #tpu.memory_space<hbm>>
    tpu.wait_dma2 semaphore(%arg14 : memref<!tpu.dma_semaphore, #tpu.memory_space<semaphore_mem>>) src(%dma_wait3A_225 : memref<61x4x128xf32, #tpu.memory_space<hbm>>) dst(%arg6 : memref<61x4x128xf32, #tpu.memory_space<vmem>>)
    %dma_wait3A_226 = tpu.memref_slice %arg4[%mul3A_172] : memref<2000000xf32, #tpu.memory_space<hbm>> -> memref<7808xf32, #tpu.memory_space<hbm>>
    %dma_wait3A_227 = tpu.memref_slice %arg4[%mul3A_172] : memref<2000000xf32, #tpu.memory_space<hbm>> -> memref<7808xf32, #tpu.memory_space<hbm>>
    tpu.wait_dma2 semaphore(%arg16 : memref<!tpu.dma_semaphore, #tpu.memory_space<semaphore_mem>>) src(%arg8 : memref<7808xf32, #tpu.memory_space<vmem>>) dst(%dma_wait3A_227 : memref<7808xf32, #tpu.memory_space<hbm>>)
    %ne3A_228 = arith.constant 0.000000e+00 : f32
    %ne3A_229 = vector.broadcast %ne3A_228 : f32 to vector<16xf32>
    %ne3A_230 = arith.cmpf one, %get3A_58, %ne3A_229 : vector<16xf32>
    %ne3A_231 = arith.constant 0.000000e+00 : f32
    %ne3A_232 = vector.broadcast %ne3A_231 : f32 to vector<16xf32>
    %ne3A_233 = arith.cmpf one, %get3A_62, %ne3A_232 : vector<16xf32>
    %ne3A_234 = arith.constant 0.000000e+00 : f32
    %ne3A_235 = vector.broadcast %ne3A_234 : f32 to vector<16xf32>
    %ne3A_236 = arith.cmpf one, %get3A_66, %ne3A_235 : vector<16xf32>
    %ne3A_237 = arith.constant 0.000000e+00 : f32
    %ne3A_238 = vector.broadcast %ne3A_237 : f32 to vector<16xf32>
    %ne3A_239 = arith.cmpf one, %get3A_70, %ne3A_238 : vector<16xf32>
    %parallel_loop3A_240 = arith.constant 0 : i32
    %parallel_loop3A_241 = arith.constant 488 : i32
    %parallel_loop3A_242 = arith.constant 1 : i32
    scf.for %parallel_loop3A_358 = %parallel_loop3A_240 to %parallel_loop3A_241 step %parallel_loop3A_242  : i32 {
      %parallel_loop3A_359 = arith.constant 8 : i32
      %parallel_loop3A_360 = arith.divsi %parallel_loop3A_358, %parallel_loop3A_359 : i32
      %parallel_loop3A_361 = arith.constant 0 : i32
      %parallel_loop3A_362 = arith.cmpi sgt, %parallel_loop3A_358, %parallel_loop3A_361 : i32
      %parallel_loop3A_363 = arith.extui %parallel_loop3A_362 : i1 to i32
      %parallel_loop3A_364 = arith.constant 0 : i32
      %parallel_loop3A_365 = arith.cmpi slt, %parallel_loop3A_358, %parallel_loop3A_364 : i32
      %parallel_loop3A_366 = arith.extui %parallel_loop3A_365 : i1 to i32
      %parallel_loop3A_367 = arith.subi %parallel_loop3A_363, %parallel_loop3A_366 : i32
      %parallel_loop3A_368 = arith.constant 0 : i32
      %parallel_loop3A_369 = arith.cmpi sgt, %parallel_loop3A_359, %parallel_loop3A_368 : i32
      %parallel_loop3A_370 = arith.extui %parallel_loop3A_369 : i1 to i32
      %parallel_loop3A_371 = arith.constant 0 : i32
      %parallel_loop3A_372 = arith.cmpi slt, %parallel_loop3A_359, %parallel_loop3A_371 : i32
      %parallel_loop3A_373 = arith.extui %parallel_loop3A_372 : i1 to i32
      %parallel_loop3A_374 = arith.subi %parallel_loop3A_370, %parallel_loop3A_373 : i32
      %parallel_loop3A_375 = arith.cmpi ne, %parallel_loop3A_367, %parallel_loop3A_374 : i32
      %parallel_loop3A_376 = arith.remsi %parallel_loop3A_358, %parallel_loop3A_359 : i32
      %parallel_loop3A_377 = arith.constant 0 : i32
      %parallel_loop3A_378 = arith.cmpi ne, %parallel_loop3A_376, %parallel_loop3A_377 : i32
      %parallel_loop3A_379 = arith.andi %parallel_loop3A_375, %parallel_loop3A_378 : i1
      %parallel_loop3A_380 = arith.constant 1 : i32
      %parallel_loop3A_381 = arith.subi %parallel_loop3A_360, %parallel_loop3A_380 : i32
      %parallel_loop3A_382 = arith.select %parallel_loop3A_379, %parallel_loop3A_381, %parallel_loop3A_360 : i32
      %parallel_loop3A_383 = arith.constant 8 : i32
      %parallel_loop3A_384 = arith.constant 0 : i32
      %parallel_loop3A_385 = arith.cmpi eq, %parallel_loop3A_383, %parallel_loop3A_384 : i32
      %parallel_loop3A_386 = arith.constant 1 : i32
      %parallel_loop3A_387 = arith.select %parallel_loop3A_385, %parallel_loop3A_386, %parallel_loop3A_383 : i32
      %parallel_loop3A_388 = arith.remsi %parallel_loop3A_358, %parallel_loop3A_387 : i32
      %parallel_loop3A_389 = arith.constant 0 : i32
      %parallel_loop3A_390 = arith.cmpi ne, %parallel_loop3A_388, %parallel_loop3A_389 : i32
      %parallel_loop3A_391 = arith.constant 0 : i32
      %parallel_loop3A_392 = arith.cmpi slt, %parallel_loop3A_388, %parallel_loop3A_391 : i32
      %parallel_loop3A_393 = arith.constant 0 : i32
      %parallel_loop3A_394 = arith.cmpi slt, %parallel_loop3A_387, %parallel_loop3A_393 : i32
      %parallel_loop3A_395 = arith.xori %parallel_loop3A_392, %parallel_loop3A_394 : i1
      %parallel_loop3A_396 = arith.andi %parallel_loop3A_395, %parallel_loop3A_390 : i1
      %parallel_loop3A_397 = arith.addi %parallel_loop3A_388, %parallel_loop3A_387 : i32
      %parallel_loop3A_398 = arith.select %parallel_loop3A_396, %parallel_loop3A_397, %parallel_loop3A_388 : i32
      %parallel_loop3A_399 = arith.constant 16 : i32
      %parallel_loop3A_400 = arith.muli %parallel_loop3A_398, %parallel_loop3A_399 : i32
      %parallel_loop3A_401 = arith.constant 0 : i32
      %parallel_loop3A_402 = arith.index_cast %parallel_loop3A_382 : i32 to index
      %parallel_loop3A_403 = arith.index_cast %parallel_loop3A_401 : i32 to index
      %parallel_loop3A_404 = arith.index_cast %parallel_loop3A_400 : i32 to index
      %parallel_loop3A_405 = tpu.vector_load %arg6[%parallel_loop3A_402, %parallel_loop3A_403, %parallel_loop3A_404] {strides = array<i32>} : memref<61x4x128xf32, #tpu.memory_space<vmem>>, vector<16xf32>,
      %parallel_loop3A_406 = arith.cmpf oge, %parallel_loop3A_405, %get3A_26 : vector<16xf32>
      %parallel_loop3A_407 = arith.cmpf ole, %parallel_loop3A_405, %get3A_42 : vector<16xf32>
      %parallel_loop3A_408 = arith.andi %parallel_loop3A_406, %parallel_loop3A_407 : vector<16xi1>
      %parallel_loop3A_409 = arith.xori %parallel_loop3A_408, %ne3A_230 : vector<16xi1>
      %parallel_loop3A_410 = arith.constant 16 : i32
      %parallel_loop3A_411 = arith.muli %parallel_loop3A_398, %parallel_loop3A_410 : i32
      %parallel_loop3A_412 = arith.constant 1 : i32
      %parallel_loop3A_413 = arith.index_cast %parallel_loop3A_382 : i32 to index
      %parallel_loop3A_414 = arith.index_cast %parallel_loop3A_412 : i32 to index
      %parallel_loop3A_415 = arith.index_cast %parallel_loop3A_411 : i32 to index
      %parallel_loop3A_416 = tpu.vector_load %arg6[%parallel_loop3A_413, %parallel_loop3A_414, %parallel_loop3A_415] {strides = array<i32>} : memref<61x4x128xf32, #tpu.memory_space<vmem>>, vector<16xf32>,
      %parallel_loop3A_417 = arith.cmpf oge, %parallel_loop3A_416, %get3A_30 : vector<16xf32>
      %parallel_loop3A_418 = arith.cmpf ole, %parallel_loop3A_416, %get3A_46 : vector<16xf32>
      %parallel_loop3A_419 = arith.andi %parallel_loop3A_417, %parallel_loop3A_418 : vector<16xi1>
      %parallel_loop3A_420 = arith.xori %parallel_loop3A_419, %ne3A_233 : vector<16xi1>
      %parallel_loop3A_421 = arith.andi %parallel_loop3A_409, %parallel_loop3A_420 : vector<16xi1>
      %parallel_loop3A_422 = arith.constant 16 : i32
      %parallel_loop3A_423 = arith.muli %parallel_loop3A_398, %parallel_loop3A_422 : i32
      %parallel_loop3A_424 = arith.constant 2 : i32
      %parallel_loop3A_425 = arith.index_cast %parallel_loop3A_382 : i32 to index
      %parallel_loop3A_426 = arith.index_cast %parallel_loop3A_424 : i32 to index
      %parallel_loop3A_427 = arith.index_cast %parallel_loop3A_423 : i32 to index
      %parallel_loop3A_428 = tpu.vector_load %arg6[%parallel_loop3A_425, %parallel_loop3A_426, %parallel_loop3A_427] {strides = array<i32>} : memref<61x4x128xf32, #tpu.memory_space<vmem>>, vector<16xf32>,
      %parallel_loop3A_429 = arith.cmpf oge, %parallel_loop3A_428, %get3A_34 : vector<16xf32>
      %parallel_loop3A_430 = arith.cmpf ole, %parallel_loop3A_428, %get3A_50 : vector<16xf32>
      %parallel_loop3A_431 = arith.andi %parallel_loop3A_429, %parallel_loop3A_430 : vector<16xi1>
      %parallel_loop3A_432 = arith.xori %parallel_loop3A_431, %ne3A_236 : vector<16xi1>
      %parallel_loop3A_433 = arith.andi %parallel_loop3A_421, %parallel_loop3A_432 : vector<16xi1>
      %parallel_loop3A_434 = arith.constant 16 : i32
      %parallel_loop3A_435 = arith.muli %parallel_loop3A_398, %parallel_loop3A_434 : i32
      %parallel_loop3A_436 = arith.constant 3 : i32
      %parallel_loop3A_437 = arith.index_cast %parallel_loop3A_382 : i32 to index
      %parallel_loop3A_438 = arith.index_cast %parallel_loop3A_436 : i32 to index
      %parallel_loop3A_439 = arith.index_cast %parallel_loop3A_435 : i32 to index
      %parallel_loop3A_440 = tpu.vector_load %arg6[%parallel_loop3A_437, %parallel_loop3A_438, %parallel_loop3A_439] {strides = array<i32>} : memref<61x4x128xf32, #tpu.memory_space<vmem>>, vector<16xf32>,
      %parallel_loop3A_441 = arith.cmpf oge, %parallel_loop3A_440, %get3A_38 : vector<16xf32>
      %parallel_loop3A_442 = arith.cmpf ole, %parallel_loop3A_440, %get3A_54 : vector<16xf32>
      %parallel_loop3A_443 = arith.andi %parallel_loop3A_441, %parallel_loop3A_442 : vector<16xi1>
      %parallel_loop3A_444 = arith.xori %parallel_loop3A_443, %ne3A_239 : vector<16xi1>
      %parallel_loop3A_445 = arith.andi %parallel_loop3A_433, %parallel_loop3A_444 : vector<16xi1>
      %parallel_loop3A_446 = arith.constant 1.000000e+00 : f32
      %parallel_loop3A_447 = arith.constant 0.000000e+00 : f32
      %parallel_loop3A_448 = vector.broadcast %parallel_loop3A_446 : f32 to vector<16xf32>
      %parallel_loop3A_449 = vector.broadcast %parallel_loop3A_447 : f32 to vector<16xf32>
      %parallel_loop3A_450 = arith.select %parallel_loop3A_445, %parallel_loop3A_448, %parallel_loop3A_449 : vector<16xi1>, vector<16xf32>
      %parallel_loop3A_451 = arith.constant 16 : i32
      %parallel_loop3A_452 = arith.muli %parallel_loop3A_358, %parallel_loop3A_451 : i32
      %parallel_loop3A_453 = arith.index_cast %parallel_loop3A_452 : i32 to index
      %parallel_loop3A_454 = tpu.vector_load %arg8[%parallel_loop3A_453] {strides = array<i32>} : memref<7808xf32, #tpu.memory_space<vmem>>, vector<16xf32>,
      tpu.vector_store %arg8[%parallel_loop3A_453], %parallel_loop3A_450 {strides = array<i32>} : memref<7808xf32, #tpu.memory_space<vmem>>, vector<16xf32>,
    } {sc.loop_unroll_factor = 4 : i64, sc.parallel_access}
    %add3A_243 = arith.constant 244 : i32
    %add3A_244 = arith.addi %add3A_4, %add3A_243 : i32
    %mul3A_245 = arith.constant 128 : i32
    %mul3A_246 = arith.muli %add3A_244, %mul3A_245 : i32
    %dma_start3A_247 = tpu.memref_slice %arg4[%mul3A_246] : memref<2000000xf32, #tpu.memory_space<hbm>> -> memref<7808xf32, #tpu.memory_space<hbm>>
    %dma_start3A_248 = tpu.memref_slice %arg4[%mul3A_246] : memref<2000000xf32, #tpu.memory_space<hbm>> -> memref<7808xf32, #tpu.memory_space<hbm>>
    tpu.enqueue_dma source(%arg8 : memref<7808xf32, #tpu.memory_space<vmem>>) target(%dma_start3A_248 : memref<7808xf32, #tpu.memory_space<hbm>>) target_semaphore(%arg16 : memref<!tpu.dma_semaphore, #tpu.memory_space<semaphore_mem>>)
    %add3A_249 = arith.constant 427 : i32
    %add3A_250 = arith.addi %add3A_4, %add3A_249 : i32
    %dma_start3A_251 = arith.constant 0 : i32
    %dma_start3A_252 = arith.constant 0 : i32
    %dma_start3A_253 = tpu.memref_slice %arg2[%add3A_250, %dma_start3A_251, %dma_start3A_252] : memref<15625x4x128xf32, #tpu.memory_space<hbm>> -> memref<61x4x128xf32, #tpu.memory_space<hbm>>
    %dma_start3A_254 = arith.constant 0 : i32
    %dma_start3A_255 = arith.constant 0 : i32
    %dma_start3A_256 = tpu.memref_slice %arg2[%add3A_250, %dma_start3A_254, %dma_start3A_255] : memref<15625x4x128xf32, #tpu.memory_space<hbm>> -> memref<61x4x128xf32, #tpu.memory_space<hbm>>
    tpu.enqueue_dma source(%dma_start3A_256 : memref<61x4x128xf32, #tpu.memory_space<hbm>>) target(%arg6 : memref<61x4x128xf32, #tpu.memory_space<vmem>>) target_semaphore(%arg14 : memref<!tpu.dma_semaphore, #tpu.memory_space<semaphore_mem>>)
    %dma_wait3A_257 = arith.constant 0 : i32
    %dma_wait3A_258 = arith.constant 0 : i32
    %dma_wait3A_259 = tpu.memref_slice %arg2[%add3A_176, %dma_wait3A_257, %dma_wait3A_258] : memref<15625x4x128xf32, #tpu.memory_space<hbm>> -> memref<61x4x128xf32, #tpu.memory_space<hbm>>
    %dma_wait3A_260 = arith.constant 0 : i32
    %dma_wait3A_261 = arith.constant 0 : i32
    %dma_wait3A_262 = tpu.memref_slice %arg2[%add3A_176, %dma_wait3A_260, %dma_wait3A_261] : memref<15625x4x128xf32, #tpu.memory_space<hbm>> -> memref<61x4x128xf32, #tpu.memory_space<hbm>>
    tpu.wait_dma2 semaphore(%arg15 : memref<!tpu.dma_semaphore, #tpu.memory_space<semaphore_mem>>) src(%dma_wait3A_262 : memref<61x4x128xf32, #tpu.memory_space<hbm>>) dst(%arg7 : memref<61x4x128xf32, #tpu.memory_space<vmem>>)
    %dma_wait3A_263 = tpu.memref_slice %arg4[%mul3A_209] : memref<2000000xf32, #tpu.memory_space<hbm>> -> memref<7808xf32, #tpu.memory_space<hbm>>
    %dma_wait3A_264 = tpu.memref_slice %arg4[%mul3A_209] : memref<2000000xf32, #tpu.memory_space<hbm>> -> memref<7808xf32, #tpu.memory_space<hbm>>
    tpu.wait_dma2 semaphore(%arg17 : memref<!tpu.dma_semaphore, #tpu.memory_space<semaphore_mem>>) src(%arg9 : memref<7808xf32, #tpu.memory_space<vmem>>) dst(%dma_wait3A_264 : memref<7808xf32, #tpu.memory_space<hbm>>)
    %ne3A_265 = arith.constant 0.000000e+00 : f32
    %ne3A_266 = vector.broadcast %ne3A_265 : f32 to vector<16xf32>
    %ne3A_267 = arith.cmpf one, %get3A_58, %ne3A_266 : vector<16xf32>
    %ne3A_268 = arith.constant 0.000000e+00 : f32
    %ne3A_269 = vector.broadcast %ne3A_268 : f32 to vector<16xf32>
    %ne3A_270 = arith.cmpf one, %get3A_62, %ne3A_269 : vector<16xf32>
    %ne3A_271 = arith.constant 0.000000e+00 : f32
    %ne3A_272 = vector.broadcast %ne3A_271 : f32 to vector<16xf32>
    %ne3A_273 = arith.cmpf one, %get3A_66, %ne3A_272 : vector<16xf32>
    %ne3A_274 = arith.constant 0.000000e+00 : f32
    %ne3A_275 = vector.broadcast %ne3A_274 : f32 to vector<16xf32>
    %ne3A_276 = arith.cmpf one, %get3A_70, %ne3A_275 : vector<16xf32>
    %parallel_loop3A_277 = arith.constant 0 : i32
    %parallel_loop3A_278 = arith.constant 488 : i32
    %parallel_loop3A_279 = arith.constant 1 : i32
    scf.for %parallel_loop3A_358 = %parallel_loop3A_277 to %parallel_loop3A_278 step %parallel_loop3A_279  : i32 {
      %parallel_loop3A_359 = arith.constant 8 : i32
      %parallel_loop3A_360 = arith.divsi %parallel_loop3A_358, %parallel_loop3A_359 : i32
      %parallel_loop3A_361 = arith.constant 0 : i32
      %parallel_loop3A_362 = arith.cmpi sgt, %parallel_loop3A_358, %parallel_loop3A_361 : i32
      %parallel_loop3A_363 = arith.extui %parallel_loop3A_362 : i1 to i32
      %parallel_loop3A_364 = arith.constant 0 : i32
      %parallel_loop3A_365 = arith.cmpi slt, %parallel_loop3A_358, %parallel_loop3A_364 : i32
      %parallel_loop3A_366 = arith.extui %parallel_loop3A_365 : i1 to i32
      %parallel_loop3A_367 = arith.subi %parallel_loop3A_363, %parallel_loop3A_366 : i32
      %parallel_loop3A_368 = arith.constant 0 : i32
      %parallel_loop3A_369 = arith.cmpi sgt, %parallel_loop3A_359, %parallel_loop3A_368 : i32
      %parallel_loop3A_370 = arith.extui %parallel_loop3A_369 : i1 to i32
      %parallel_loop3A_371 = arith.constant 0 : i32
      %parallel_loop3A_372 = arith.cmpi slt, %parallel_loop3A_359, %parallel_loop3A_371 : i32
      %parallel_loop3A_373 = arith.extui %parallel_loop3A_372 : i1 to i32
      %parallel_loop3A_374 = arith.subi %parallel_loop3A_370, %parallel_loop3A_373 : i32
      %parallel_loop3A_375 = arith.cmpi ne, %parallel_loop3A_367, %parallel_loop3A_374 : i32
      %parallel_loop3A_376 = arith.remsi %parallel_loop3A_358, %parallel_loop3A_359 : i32
      %parallel_loop3A_377 = arith.constant 0 : i32
      %parallel_loop3A_378 = arith.cmpi ne, %parallel_loop3A_376, %parallel_loop3A_377 : i32
      %parallel_loop3A_379 = arith.andi %parallel_loop3A_375, %parallel_loop3A_378 : i1
      %parallel_loop3A_380 = arith.constant 1 : i32
      %parallel_loop3A_381 = arith.subi %parallel_loop3A_360, %parallel_loop3A_380 : i32
      %parallel_loop3A_382 = arith.select %parallel_loop3A_379, %parallel_loop3A_381, %parallel_loop3A_360 : i32
      %parallel_loop3A_383 = arith.constant 8 : i32
      %parallel_loop3A_384 = arith.constant 0 : i32
      %parallel_loop3A_385 = arith.cmpi eq, %parallel_loop3A_383, %parallel_loop3A_384 : i32
      %parallel_loop3A_386 = arith.constant 1 : i32
      %parallel_loop3A_387 = arith.select %parallel_loop3A_385, %parallel_loop3A_386, %parallel_loop3A_383 : i32
      %parallel_loop3A_388 = arith.remsi %parallel_loop3A_358, %parallel_loop3A_387 : i32
      %parallel_loop3A_389 = arith.constant 0 : i32
      %parallel_loop3A_390 = arith.cmpi ne, %parallel_loop3A_388, %parallel_loop3A_389 : i32
      %parallel_loop3A_391 = arith.constant 0 : i32
      %parallel_loop3A_392 = arith.cmpi slt, %parallel_loop3A_388, %parallel_loop3A_391 : i32
      %parallel_loop3A_393 = arith.constant 0 : i32
      %parallel_loop3A_394 = arith.cmpi slt, %parallel_loop3A_387, %parallel_loop3A_393 : i32
      %parallel_loop3A_395 = arith.xori %parallel_loop3A_392, %parallel_loop3A_394 : i1
      %parallel_loop3A_396 = arith.andi %parallel_loop3A_395, %parallel_loop3A_390 : i1
      %parallel_loop3A_397 = arith.addi %parallel_loop3A_388, %parallel_loop3A_387 : i32
      %parallel_loop3A_398 = arith.select %parallel_loop3A_396, %parallel_loop3A_397, %parallel_loop3A_388 : i32
      %parallel_loop3A_399 = arith.constant 16 : i32
      %parallel_loop3A_400 = arith.muli %parallel_loop3A_398, %parallel_loop3A_399 : i32
      %parallel_loop3A_401 = arith.constant 0 : i32
      %parallel_loop3A_402 = arith.index_cast %parallel_loop3A_382 : i32 to index
      %parallel_loop3A_403 = arith.index_cast %parallel_loop3A_401 : i32 to index
      %parallel_loop3A_404 = arith.index_cast %parallel_loop3A_400 : i32 to index
      %parallel_loop3A_405 = tpu.vector_load %arg7[%parallel_loop3A_402, %parallel_loop3A_403, %parallel_loop3A_404] {strides = array<i32>} : memref<61x4x128xf32, #tpu.memory_space<vmem>>, vector<16xf32>,
      %parallel_loop3A_406 = arith.cmpf oge, %parallel_loop3A_405, %get3A_26 : vector<16xf32>
      %parallel_loop3A_407 = arith.cmpf ole, %parallel_loop3A_405, %get3A_42 : vector<16xf32>
      %parallel_loop3A_408 = arith.andi %parallel_loop3A_406, %parallel_loop3A_407 : vector<16xi1>
      %parallel_loop3A_409 = arith.xori %parallel_loop3A_408, %ne3A_267 : vector<16xi1>
      %parallel_loop3A_410 = arith.constant 16 : i32
      %parallel_loop3A_411 = arith.muli %parallel_loop3A_398, %parallel_loop3A_410 : i32
      %parallel_loop3A_412 = arith.constant 1 : i32
      %parallel_loop3A_413 = arith.index_cast %parallel_loop3A_382 : i32 to index
      %parallel_loop3A_414 = arith.index_cast %parallel_loop3A_412 : i32 to index
      %parallel_loop3A_415 = arith.index_cast %parallel_loop3A_411 : i32 to index
      %parallel_loop3A_416 = tpu.vector_load %arg7[%parallel_loop3A_413, %parallel_loop3A_414, %parallel_loop3A_415] {strides = array<i32>} : memref<61x4x128xf32, #tpu.memory_space<vmem>>, vector<16xf32>,
      %parallel_loop3A_417 = arith.cmpf oge, %parallel_loop3A_416, %get3A_30 : vector<16xf32>
      %parallel_loop3A_418 = arith.cmpf ole, %parallel_loop3A_416, %get3A_46 : vector<16xf32>
      %parallel_loop3A_419 = arith.andi %parallel_loop3A_417, %parallel_loop3A_418 : vector<16xi1>
      %parallel_loop3A_420 = arith.xori %parallel_loop3A_419, %ne3A_270 : vector<16xi1>
      %parallel_loop3A_421 = arith.andi %parallel_loop3A_409, %parallel_loop3A_420 : vector<16xi1>
      %parallel_loop3A_422 = arith.constant 16 : i32
      %parallel_loop3A_423 = arith.muli %parallel_loop3A_398, %parallel_loop3A_422 : i32
      %parallel_loop3A_424 = arith.constant 2 : i32
      %parallel_loop3A_425 = arith.index_cast %parallel_loop3A_382 : i32 to index
      %parallel_loop3A_426 = arith.index_cast %parallel_loop3A_424 : i32 to index
      %parallel_loop3A_427 = arith.index_cast %parallel_loop3A_423 : i32 to index
      %parallel_loop3A_428 = tpu.vector_load %arg7[%parallel_loop3A_425, %parallel_loop3A_426, %parallel_loop3A_427] {strides = array<i32>} : memref<61x4x128xf32, #tpu.memory_space<vmem>>, vector<16xf32>,
      %parallel_loop3A_429 = arith.cmpf oge, %parallel_loop3A_428, %get3A_34 : vector<16xf32>
      %parallel_loop3A_430 = arith.cmpf ole, %parallel_loop3A_428, %get3A_50 : vector<16xf32>
      %parallel_loop3A_431 = arith.andi %parallel_loop3A_429, %parallel_loop3A_430 : vector<16xi1>
      %parallel_loop3A_432 = arith.xori %parallel_loop3A_431, %ne3A_273 : vector<16xi1>
      %parallel_loop3A_433 = arith.andi %parallel_loop3A_421, %parallel_loop3A_432 : vector<16xi1>
      %parallel_loop3A_434 = arith.constant 16 : i32
      %parallel_loop3A_435 = arith.muli %parallel_loop3A_398, %parallel_loop3A_434 : i32
      %parallel_loop3A_436 = arith.constant 3 : i32
      %parallel_loop3A_437 = arith.index_cast %parallel_loop3A_382 : i32 to index
      %parallel_loop3A_438 = arith.index_cast %parallel_loop3A_436 : i32 to index
      %parallel_loop3A_439 = arith.index_cast %parallel_loop3A_435 : i32 to index
      %parallel_loop3A_440 = tpu.vector_load %arg7[%parallel_loop3A_437, %parallel_loop3A_438, %parallel_loop3A_439] {strides = array<i32>} : memref<61x4x128xf32, #tpu.memory_space<vmem>>, vector<16xf32>,
      %parallel_loop3A_441 = arith.cmpf oge, %parallel_loop3A_440, %get3A_38 : vector<16xf32>
      %parallel_loop3A_442 = arith.cmpf ole, %parallel_loop3A_440, %get3A_54 : vector<16xf32>
      %parallel_loop3A_443 = arith.andi %parallel_loop3A_441, %parallel_loop3A_442 : vector<16xi1>
      %parallel_loop3A_444 = arith.xori %parallel_loop3A_443, %ne3A_276 : vector<16xi1>
      %parallel_loop3A_445 = arith.andi %parallel_loop3A_433, %parallel_loop3A_444 : vector<16xi1>
      %parallel_loop3A_446 = arith.constant 1.000000e+00 : f32
      %parallel_loop3A_447 = arith.constant 0.000000e+00 : f32
      %parallel_loop3A_448 = vector.broadcast %parallel_loop3A_446 : f32 to vector<16xf32>
      %parallel_loop3A_449 = vector.broadcast %parallel_loop3A_447 : f32 to vector<16xf32>
      %parallel_loop3A_450 = arith.select %parallel_loop3A_445, %parallel_loop3A_448, %parallel_loop3A_449 : vector<16xi1>, vector<16xf32>
      %parallel_loop3A_451 = arith.constant 16 : i32
      %parallel_loop3A_452 = arith.muli %parallel_loop3A_358, %parallel_loop3A_451 : i32
      %parallel_loop3A_453 = arith.index_cast %parallel_loop3A_452 : i32 to index
      %parallel_loop3A_454 = tpu.vector_load %arg9[%parallel_loop3A_453] {strides = array<i32>} : memref<7808xf32, #tpu.memory_space<vmem>>, vector<16xf32>,
      tpu.vector_store %arg9[%parallel_loop3A_453], %parallel_loop3A_450 {strides = array<i32>} : memref<7808xf32, #tpu.memory_space<vmem>>, vector<16xf32>,
    } {sc.loop_unroll_factor = 4 : i64, sc.parallel_access}
    %add3A_280 = arith.constant 305 : i32
    %add3A_281 = arith.addi %add3A_4, %add3A_280 : i32
    %mul3A_282 = arith.constant 128 : i32
    %mul3A_283 = arith.muli %add3A_281, %mul3A_282 : i32
    %dma_start3A_284 = tpu.memref_slice %arg4[%mul3A_283] : memref<2000000xf32, #tpu.memory_space<hbm>> -> memref<7808xf32, #tpu.memory_space<hbm>>
    %dma_start3A_285 = tpu.memref_slice %arg4[%mul3A_283] : memref<2000000xf32, #tpu.memory_space<hbm>> -> memref<7808xf32, #tpu.memory_space<hbm>>
    tpu.enqueue_dma source(%arg9 : memref<7808xf32, #tpu.memory_space<vmem>>) target(%dma_start3A_285 : memref<7808xf32, #tpu.memory_space<hbm>>) target_semaphore(%arg17 : memref<!tpu.dma_semaphore, #tpu.memory_space<semaphore_mem>>)
    %dma_wait3A_286 = arith.constant 0 : i32
    %dma_wait3A_287 = arith.constant 0 : i32
    %dma_wait3A_288 = tpu.memref_slice %arg2[%add3A_213, %dma_wait3A_286, %dma_wait3A_287] : memref<15625x4x128xf32, #tpu.memory_space<hbm>> -> memref<61x4x128xf32, #tpu.memory_space<hbm>>
    %dma_wait3A_289 = arith.constant 0 : i32
    %dma_wait3A_290 = arith.constant 0 : i32
    %dma_wait3A_291 = tpu.memref_slice %arg2[%add3A_213, %dma_wait3A_289, %dma_wait3A_290] : memref<15625x4x128xf32, #tpu.memory_space<hbm>> -> memref<61x4x128xf32, #tpu.memory_space<hbm>>
    tpu.wait_dma2 semaphore(%arg13 : memref<!tpu.dma_semaphore, #tpu.memory_space<semaphore_mem>>) src(%dma_wait3A_291 : memref<61x4x128xf32, #tpu.memory_space<hbm>>) dst(%arg5 : memref<61x4x128xf32, #tpu.memory_space<vmem>>)
    %dma_wait3A_292 = tpu.memref_slice %arg4[%mul3A_246] : memref<2000000xf32, #tpu.memory_space<hbm>> -> memref<7808xf32, #tpu.memory_space<hbm>>
    %dma_wait3A_293 = tpu.memref_slice %arg4[%mul3A_246] : memref<2000000xf32, #tpu.memory_space<hbm>> -> memref<7808xf32, #tpu.memory_space<hbm>>
    tpu.wait_dma2 semaphore(%arg16 : memref<!tpu.dma_semaphore, #tpu.memory_space<semaphore_mem>>) src(%arg8 : memref<7808xf32, #tpu.memory_space<vmem>>) dst(%dma_wait3A_293 : memref<7808xf32, #tpu.memory_space<hbm>>)
    %ne3A_294 = arith.constant 0.000000e+00 : f32
    %ne3A_295 = vector.broadcast %ne3A_294 : f32 to vector<16xf32>
    %ne3A_296 = arith.cmpf one, %get3A_58, %ne3A_295 : vector<16xf32>
    %ne3A_297 = arith.constant 0.000000e+00 : f32
    %ne3A_298 = vector.broadcast %ne3A_297 : f32 to vector<16xf32>
    %ne3A_299 = arith.cmpf one, %get3A_62, %ne3A_298 : vector<16xf32>
    %ne3A_300 = arith.constant 0.000000e+00 : f32
    %ne3A_301 = vector.broadcast %ne3A_300 : f32 to vector<16xf32>
    %ne3A_302 = arith.cmpf one, %get3A_66, %ne3A_301 : vector<16xf32>
    %ne3A_303 = arith.constant 0.000000e+00 : f32
    %ne3A_304 = vector.broadcast %ne3A_303 : f32 to vector<16xf32>
    %ne3A_305 = arith.cmpf one, %get3A_70, %ne3A_304 : vector<16xf32>
    %parallel_loop3A_306 = arith.constant 0 : i32
    %parallel_loop3A_307 = arith.constant 488 : i32
    %parallel_loop3A_308 = arith.constant 1 : i32
    scf.for %parallel_loop3A_358 = %parallel_loop3A_306 to %parallel_loop3A_307 step %parallel_loop3A_308  : i32 {
      %parallel_loop3A_359 = arith.constant 8 : i32
      %parallel_loop3A_360 = arith.divsi %parallel_loop3A_358, %parallel_loop3A_359 : i32
      %parallel_loop3A_361 = arith.constant 0 : i32
      %parallel_loop3A_362 = arith.cmpi sgt, %parallel_loop3A_358, %parallel_loop3A_361 : i32
      %parallel_loop3A_363 = arith.extui %parallel_loop3A_362 : i1 to i32
      %parallel_loop3A_364 = arith.constant 0 : i32
      %parallel_loop3A_365 = arith.cmpi slt, %parallel_loop3A_358, %parallel_loop3A_364 : i32
      %parallel_loop3A_366 = arith.extui %parallel_loop3A_365 : i1 to i32
      %parallel_loop3A_367 = arith.subi %parallel_loop3A_363, %parallel_loop3A_366 : i32
      %parallel_loop3A_368 = arith.constant 0 : i32
      %parallel_loop3A_369 = arith.cmpi sgt, %parallel_loop3A_359, %parallel_loop3A_368 : i32
      %parallel_loop3A_370 = arith.extui %parallel_loop3A_369 : i1 to i32
      %parallel_loop3A_371 = arith.constant 0 : i32
      %parallel_loop3A_372 = arith.cmpi slt, %parallel_loop3A_359, %parallel_loop3A_371 : i32
      %parallel_loop3A_373 = arith.extui %parallel_loop3A_372 : i1 to i32
      %parallel_loop3A_374 = arith.subi %parallel_loop3A_370, %parallel_loop3A_373 : i32
      %parallel_loop3A_375 = arith.cmpi ne, %parallel_loop3A_367, %parallel_loop3A_374 : i32
      %parallel_loop3A_376 = arith.remsi %parallel_loop3A_358, %parallel_loop3A_359 : i32
      %parallel_loop3A_377 = arith.constant 0 : i32
      %parallel_loop3A_378 = arith.cmpi ne, %parallel_loop3A_376, %parallel_loop3A_377 : i32
      %parallel_loop3A_379 = arith.andi %parallel_loop3A_375, %parallel_loop3A_378 : i1
      %parallel_loop3A_380 = arith.constant 1 : i32
      %parallel_loop3A_381 = arith.subi %parallel_loop3A_360, %parallel_loop3A_380 : i32
      %parallel_loop3A_382 = arith.select %parallel_loop3A_379, %parallel_loop3A_381, %parallel_loop3A_360 : i32
      %parallel_loop3A_383 = arith.constant 8 : i32
      %parallel_loop3A_384 = arith.constant 0 : i32
      %parallel_loop3A_385 = arith.cmpi eq, %parallel_loop3A_383, %parallel_loop3A_384 : i32
      %parallel_loop3A_386 = arith.constant 1 : i32
      %parallel_loop3A_387 = arith.select %parallel_loop3A_385, %parallel_loop3A_386, %parallel_loop3A_383 : i32
      %parallel_loop3A_388 = arith.remsi %parallel_loop3A_358, %parallel_loop3A_387 : i32
      %parallel_loop3A_389 = arith.constant 0 : i32
      %parallel_loop3A_390 = arith.cmpi ne, %parallel_loop3A_388, %parallel_loop3A_389 : i32
      %parallel_loop3A_391 = arith.constant 0 : i32
      %parallel_loop3A_392 = arith.cmpi slt, %parallel_loop3A_388, %parallel_loop3A_391 : i32
      %parallel_loop3A_393 = arith.constant 0 : i32
      %parallel_loop3A_394 = arith.cmpi slt, %parallel_loop3A_387, %parallel_loop3A_393 : i32
      %parallel_loop3A_395 = arith.xori %parallel_loop3A_392, %parallel_loop3A_394 : i1
      %parallel_loop3A_396 = arith.andi %parallel_loop3A_395, %parallel_loop3A_390 : i1
      %parallel_loop3A_397 = arith.addi %parallel_loop3A_388, %parallel_loop3A_387 : i32
      %parallel_loop3A_398 = arith.select %parallel_loop3A_396, %parallel_loop3A_397, %parallel_loop3A_388 : i32
      %parallel_loop3A_399 = arith.constant 16 : i32
      %parallel_loop3A_400 = arith.muli %parallel_loop3A_398, %parallel_loop3A_399 : i32
      %parallel_loop3A_401 = arith.constant 0 : i32
      %parallel_loop3A_402 = arith.index_cast %parallel_loop3A_382 : i32 to index
      %parallel_loop3A_403 = arith.index_cast %parallel_loop3A_401 : i32 to index
      %parallel_loop3A_404 = arith.index_cast %parallel_loop3A_400 : i32 to index
      %parallel_loop3A_405 = tpu.vector_load %arg5[%parallel_loop3A_402, %parallel_loop3A_403, %parallel_loop3A_404] {strides = array<i32>} : memref<61x4x128xf32, #tpu.memory_space<vmem>>, vector<16xf32>,
      %parallel_loop3A_406 = arith.cmpf oge, %parallel_loop3A_405, %get3A_26 : vector<16xf32>
      %parallel_loop3A_407 = arith.cmpf ole, %parallel_loop3A_405, %get3A_42 : vector<16xf32>
      %parallel_loop3A_408 = arith.andi %parallel_loop3A_406, %parallel_loop3A_407 : vector<16xi1>
      %parallel_loop3A_409 = arith.xori %parallel_loop3A_408, %ne3A_296 : vector<16xi1>
      %parallel_loop3A_410 = arith.constant 16 : i32
      %parallel_loop3A_411 = arith.muli %parallel_loop3A_398, %parallel_loop3A_410 : i32
      %parallel_loop3A_412 = arith.constant 1 : i32
      %parallel_loop3A_413 = arith.index_cast %parallel_loop3A_382 : i32 to index
      %parallel_loop3A_414 = arith.index_cast %parallel_loop3A_412 : i32 to index
      %parallel_loop3A_415 = arith.index_cast %parallel_loop3A_411 : i32 to index
      %parallel_loop3A_416 = tpu.vector_load %arg5[%parallel_loop3A_413, %parallel_loop3A_414, %parallel_loop3A_415] {strides = array<i32>} : memref<61x4x128xf32, #tpu.memory_space<vmem>>, vector<16xf32>,
      %parallel_loop3A_417 = arith.cmpf oge, %parallel_loop3A_416, %get3A_30 : vector<16xf32>
      %parallel_loop3A_418 = arith.cmpf ole, %parallel_loop3A_416, %get3A_46 : vector<16xf32>
      %parallel_loop3A_419 = arith.andi %parallel_loop3A_417, %parallel_loop3A_418 : vector<16xi1>
      %parallel_loop3A_420 = arith.xori %parallel_loop3A_419, %ne3A_299 : vector<16xi1>
      %parallel_loop3A_421 = arith.andi %parallel_loop3A_409, %parallel_loop3A_420 : vector<16xi1>
      %parallel_loop3A_422 = arith.constant 16 : i32
      %parallel_loop3A_423 = arith.muli %parallel_loop3A_398, %parallel_loop3A_422 : i32
      %parallel_loop3A_424 = arith.constant 2 : i32
      %parallel_loop3A_425 = arith.index_cast %parallel_loop3A_382 : i32 to index
      %parallel_loop3A_426 = arith.index_cast %parallel_loop3A_424 : i32 to index
      %parallel_loop3A_427 = arith.index_cast %parallel_loop3A_423 : i32 to index
      %parallel_loop3A_428 = tpu.vector_load %arg5[%parallel_loop3A_425, %parallel_loop3A_426, %parallel_loop3A_427] {strides = array<i32>} : memref<61x4x128xf32, #tpu.memory_space<vmem>>, vector<16xf32>,
      %parallel_loop3A_429 = arith.cmpf oge, %parallel_loop3A_428, %get3A_34 : vector<16xf32>
      %parallel_loop3A_430 = arith.cmpf ole, %parallel_loop3A_428, %get3A_50 : vector<16xf32>
      %parallel_loop3A_431 = arith.andi %parallel_loop3A_429, %parallel_loop3A_430 : vector<16xi1>
      %parallel_loop3A_432 = arith.xori %parallel_loop3A_431, %ne3A_302 : vector<16xi1>
      %parallel_loop3A_433 = arith.andi %parallel_loop3A_421, %parallel_loop3A_432 : vector<16xi1>
      %parallel_loop3A_434 = arith.constant 16 : i32
      %parallel_loop3A_435 = arith.muli %parallel_loop3A_398, %parallel_loop3A_434 : i32
      %parallel_loop3A_436 = arith.constant 3 : i32
      %parallel_loop3A_437 = arith.index_cast %parallel_loop3A_382 : i32 to index
      %parallel_loop3A_438 = arith.index_cast %parallel_loop3A_436 : i32 to index
      %parallel_loop3A_439 = arith.index_cast %parallel_loop3A_435 : i32 to index
      %parallel_loop3A_440 = tpu.vector_load %arg5[%parallel_loop3A_437, %parallel_loop3A_438, %parallel_loop3A_439] {strides = array<i32>} : memref<61x4x128xf32, #tpu.memory_space<vmem>>, vector<16xf32>,
      %parallel_loop3A_441 = arith.cmpf oge, %parallel_loop3A_440, %get3A_38 : vector<16xf32>
      %parallel_loop3A_442 = arith.cmpf ole, %parallel_loop3A_440, %get3A_54 : vector<16xf32>
      %parallel_loop3A_443 = arith.andi %parallel_loop3A_441, %parallel_loop3A_442 : vector<16xi1>
      %parallel_loop3A_444 = arith.xori %parallel_loop3A_443, %ne3A_305 : vector<16xi1>
      %parallel_loop3A_445 = arith.andi %parallel_loop3A_433, %parallel_loop3A_444 : vector<16xi1>
      %parallel_loop3A_446 = arith.constant 1.000000e+00 : f32
      %parallel_loop3A_447 = arith.constant 0.000000e+00 : f32
      %parallel_loop3A_448 = vector.broadcast %parallel_loop3A_446 : f32 to vector<16xf32>
      %parallel_loop3A_449 = vector.broadcast %parallel_loop3A_447 : f32 to vector<16xf32>
      %parallel_loop3A_450 = arith.select %parallel_loop3A_445, %parallel_loop3A_448, %parallel_loop3A_449 : vector<16xi1>, vector<16xf32>
      %parallel_loop3A_451 = arith.constant 16 : i32
      %parallel_loop3A_452 = arith.muli %parallel_loop3A_358, %parallel_loop3A_451 : i32
      %parallel_loop3A_453 = arith.index_cast %parallel_loop3A_452 : i32 to index
      %parallel_loop3A_454 = tpu.vector_load %arg8[%parallel_loop3A_453] {strides = array<i32>} : memref<7808xf32, #tpu.memory_space<vmem>>, vector<16xf32>,
      tpu.vector_store %arg8[%parallel_loop3A_453], %parallel_loop3A_450 {strides = array<i32>} : memref<7808xf32, #tpu.memory_space<vmem>>, vector<16xf32>,
    } {sc.loop_unroll_factor = 4 : i64, sc.parallel_access}
    %add3A_309 = arith.constant 366 : i32
    %add3A_310 = arith.addi %add3A_4, %add3A_309 : i32
    %mul3A_311 = arith.constant 128 : i32
    %mul3A_312 = arith.muli %add3A_310, %mul3A_311 : i32
    %dma_start3A_313 = tpu.memref_slice %arg4[%mul3A_312] : memref<2000000xf32, #tpu.memory_space<hbm>> -> memref<7808xf32, #tpu.memory_space<hbm>>
    %dma_start3A_314 = tpu.memref_slice %arg4[%mul3A_312] : memref<2000000xf32, #tpu.memory_space<hbm>> -> memref<7808xf32, #tpu.memory_space<hbm>>
    tpu.enqueue_dma source(%arg8 : memref<7808xf32, #tpu.memory_space<vmem>>) target(%dma_start3A_314 : memref<7808xf32, #tpu.memory_space<hbm>>) target_semaphore(%arg16 : memref<!tpu.dma_semaphore, #tpu.memory_space<semaphore_mem>>)
    %dma_wait3A_315 = arith.constant 0 : i32
    %dma_wait3A_316 = arith.constant 0 : i32
    %dma_wait3A_317 = tpu.memref_slice %arg2[%add3A_250, %dma_wait3A_315, %dma_wait3A_316] : memref<15625x4x128xf32, #tpu.memory_space<hbm>> -> memref<61x4x128xf32, #tpu.memory_space<hbm>>
    %dma_wait3A_318 = arith.constant 0 : i32
    %dma_wait3A_319 = arith.constant 0 : i32
    %dma_wait3A_320 = tpu.memref_slice %arg2[%add3A_250, %dma_wait3A_318, %dma_wait3A_319] : memref<15625x4x128xf32, #tpu.memory_space<hbm>> -> memref<61x4x128xf32, #tpu.memory_space<hbm>>
    tpu.wait_dma2 semaphore(%arg14 : memref<!tpu.dma_semaphore, #tpu.memory_space<semaphore_mem>>) src(%dma_wait3A_320 : memref<61x4x128xf32, #tpu.memory_space<hbm>>) dst(%arg6 : memref<61x4x128xf32, #tpu.memory_space<vmem>>)
    %dma_wait3A_321 = tpu.memref_slice %arg4[%mul3A_283] : memref<2000000xf32, #tpu.memory_space<hbm>> -> memref<7808xf32, #tpu.memory_space<hbm>>
    %dma_wait3A_322 = tpu.memref_slice %arg4[%mul3A_283] : memref<2000000xf32, #tpu.memory_space<hbm>> -> memref<7808xf32, #tpu.memory_space<hbm>>
    tpu.wait_dma2 semaphore(%arg17 : memref<!tpu.dma_semaphore, #tpu.memory_space<semaphore_mem>>) src(%arg9 : memref<7808xf32, #tpu.memory_space<vmem>>) dst(%dma_wait3A_322 : memref<7808xf32, #tpu.memory_space<hbm>>)
    %ne3A_323 = arith.constant 0.000000e+00 : f32
    %ne3A_324 = vector.broadcast %ne3A_323 : f32 to vector<16xf32>
    %ne3A_325 = arith.cmpf one, %get3A_58, %ne3A_324 : vector<16xf32>
    %ne3A_326 = arith.constant 0.000000e+00 : f32
    %ne3A_327 = vector.broadcast %ne3A_326 : f32 to vector<16xf32>
    %ne3A_328 = arith.cmpf one, %get3A_62, %ne3A_327 : vector<16xf32>
    %ne3A_329 = arith.constant 0.000000e+00 : f32
    %ne3A_330 = vector.broadcast %ne3A_329 : f32 to vector<16xf32>
    %ne3A_331 = arith.cmpf one, %get3A_66, %ne3A_330 : vector<16xf32>
    %ne3A_332 = arith.constant 0.000000e+00 : f32
    %ne3A_333 = vector.broadcast %ne3A_332 : f32 to vector<16xf32>
    %ne3A_334 = arith.cmpf one, %get3A_70, %ne3A_333 : vector<16xf32>
    %parallel_loop3A_335 = arith.constant 0 : i32
    %parallel_loop3A_336 = arith.constant 488 : i32
    %parallel_loop3A_337 = arith.constant 1 : i32
    scf.for %parallel_loop3A_358 = %parallel_loop3A_335 to %parallel_loop3A_336 step %parallel_loop3A_337  : i32 {
      %parallel_loop3A_359 = arith.constant 8 : i32
      %parallel_loop3A_360 = arith.divsi %parallel_loop3A_358, %parallel_loop3A_359 : i32
      %parallel_loop3A_361 = arith.constant 0 : i32
      %parallel_loop3A_362 = arith.cmpi sgt, %parallel_loop3A_358, %parallel_loop3A_361 : i32
      %parallel_loop3A_363 = arith.extui %parallel_loop3A_362 : i1 to i32
      %parallel_loop3A_364 = arith.constant 0 : i32
      %parallel_loop3A_365 = arith.cmpi slt, %parallel_loop3A_358, %parallel_loop3A_364 : i32
      %parallel_loop3A_366 = arith.extui %parallel_loop3A_365 : i1 to i32
      %parallel_loop3A_367 = arith.subi %parallel_loop3A_363, %parallel_loop3A_366 : i32
      %parallel_loop3A_368 = arith.constant 0 : i32
      %parallel_loop3A_369 = arith.cmpi sgt, %parallel_loop3A_359, %parallel_loop3A_368 : i32
      %parallel_loop3A_370 = arith.extui %parallel_loop3A_369 : i1 to i32
      %parallel_loop3A_371 = arith.constant 0 : i32
      %parallel_loop3A_372 = arith.cmpi slt, %parallel_loop3A_359, %parallel_loop3A_371 : i32
      %parallel_loop3A_373 = arith.extui %parallel_loop3A_372 : i1 to i32
      %parallel_loop3A_374 = arith.subi %parallel_loop3A_370, %parallel_loop3A_373 : i32
      %parallel_loop3A_375 = arith.cmpi ne, %parallel_loop3A_367, %parallel_loop3A_374 : i32
      %parallel_loop3A_376 = arith.remsi %parallel_loop3A_358, %parallel_loop3A_359 : i32
      %parallel_loop3A_377 = arith.constant 0 : i32
      %parallel_loop3A_378 = arith.cmpi ne, %parallel_loop3A_376, %parallel_loop3A_377 : i32
      %parallel_loop3A_379 = arith.andi %parallel_loop3A_375, %parallel_loop3A_378 : i1
      %parallel_loop3A_380 = arith.constant 1 : i32
      %parallel_loop3A_381 = arith.subi %parallel_loop3A_360, %parallel_loop3A_380 : i32
      %parallel_loop3A_382 = arith.select %parallel_loop3A_379, %parallel_loop3A_381, %parallel_loop3A_360 : i32
      %parallel_loop3A_383 = arith.constant 8 : i32
      %parallel_loop3A_384 = arith.constant 0 : i32
      %parallel_loop3A_385 = arith.cmpi eq, %parallel_loop3A_383, %parallel_loop3A_384 : i32
      %parallel_loop3A_386 = arith.constant 1 : i32
      %parallel_loop3A_387 = arith.select %parallel_loop3A_385, %parallel_loop3A_386, %parallel_loop3A_383 : i32
      %parallel_loop3A_388 = arith.remsi %parallel_loop3A_358, %parallel_loop3A_387 : i32
      %parallel_loop3A_389 = arith.constant 0 : i32
      %parallel_loop3A_390 = arith.cmpi ne, %parallel_loop3A_388, %parallel_loop3A_389 : i32
      %parallel_loop3A_391 = arith.constant 0 : i32
      %parallel_loop3A_392 = arith.cmpi slt, %parallel_loop3A_388, %parallel_loop3A_391 : i32
      %parallel_loop3A_393 = arith.constant 0 : i32
      %parallel_loop3A_394 = arith.cmpi slt, %parallel_loop3A_387, %parallel_loop3A_393 : i32
      %parallel_loop3A_395 = arith.xori %parallel_loop3A_392, %parallel_loop3A_394 : i1
      %parallel_loop3A_396 = arith.andi %parallel_loop3A_395, %parallel_loop3A_390 : i1
      %parallel_loop3A_397 = arith.addi %parallel_loop3A_388, %parallel_loop3A_387 : i32
      %parallel_loop3A_398 = arith.select %parallel_loop3A_396, %parallel_loop3A_397, %parallel_loop3A_388 : i32
      %parallel_loop3A_399 = arith.constant 16 : i32
      %parallel_loop3A_400 = arith.muli %parallel_loop3A_398, %parallel_loop3A_399 : i32
      %parallel_loop3A_401 = arith.constant 0 : i32
      %parallel_loop3A_402 = arith.index_cast %parallel_loop3A_382 : i32 to index
      %parallel_loop3A_403 = arith.index_cast %parallel_loop3A_401 : i32 to index
      %parallel_loop3A_404 = arith.index_cast %parallel_loop3A_400 : i32 to index
      %parallel_loop3A_405 = tpu.vector_load %arg6[%parallel_loop3A_402, %parallel_loop3A_403, %parallel_loop3A_404] {strides = array<i32>} : memref<61x4x128xf32, #tpu.memory_space<vmem>>, vector<16xf32>,
      %parallel_loop3A_406 = arith.cmpf oge, %parallel_loop3A_405, %get3A_26 : vector<16xf32>
      %parallel_loop3A_407 = arith.cmpf ole, %parallel_loop3A_405, %get3A_42 : vector<16xf32>
      %parallel_loop3A_408 = arith.andi %parallel_loop3A_406, %parallel_loop3A_407 : vector<16xi1>
      %parallel_loop3A_409 = arith.xori %parallel_loop3A_408, %ne3A_325 : vector<16xi1>
      %parallel_loop3A_410 = arith.constant 16 : i32
      %parallel_loop3A_411 = arith.muli %parallel_loop3A_398, %parallel_loop3A_410 : i32
      %parallel_loop3A_412 = arith.constant 1 : i32
      %parallel_loop3A_413 = arith.index_cast %parallel_loop3A_382 : i32 to index
      %parallel_loop3A_414 = arith.index_cast %parallel_loop3A_412 : i32 to index
      %parallel_loop3A_415 = arith.index_cast %parallel_loop3A_411 : i32 to index
      %parallel_loop3A_416 = tpu.vector_load %arg6[%parallel_loop3A_413, %parallel_loop3A_414, %parallel_loop3A_415] {strides = array<i32>} : memref<61x4x128xf32, #tpu.memory_space<vmem>>, vector<16xf32>,
      %parallel_loop3A_417 = arith.cmpf oge, %parallel_loop3A_416, %get3A_30 : vector<16xf32>
      %parallel_loop3A_418 = arith.cmpf ole, %parallel_loop3A_416, %get3A_46 : vector<16xf32>
      %parallel_loop3A_419 = arith.andi %parallel_loop3A_417, %parallel_loop3A_418 : vector<16xi1>
      %parallel_loop3A_420 = arith.xori %parallel_loop3A_419, %ne3A_328 : vector<16xi1>
      %parallel_loop3A_421 = arith.andi %parallel_loop3A_409, %parallel_loop3A_420 : vector<16xi1>
      %parallel_loop3A_422 = arith.constant 16 : i32
      %parallel_loop3A_423 = arith.muli %parallel_loop3A_398, %parallel_loop3A_422 : i32
      %parallel_loop3A_424 = arith.constant 2 : i32
      %parallel_loop3A_425 = arith.index_cast %parallel_loop3A_382 : i32 to index
      %parallel_loop3A_426 = arith.index_cast %parallel_loop3A_424 : i32 to index
      %parallel_loop3A_427 = arith.index_cast %parallel_loop3A_423 : i32 to index
      %parallel_loop3A_428 = tpu.vector_load %arg6[%parallel_loop3A_425, %parallel_loop3A_426, %parallel_loop3A_427] {strides = array<i32>} : memref<61x4x128xf32, #tpu.memory_space<vmem>>, vector<16xf32>,
      %parallel_loop3A_429 = arith.cmpf oge, %parallel_loop3A_428, %get3A_34 : vector<16xf32>
      %parallel_loop3A_430 = arith.cmpf ole, %parallel_loop3A_428, %get3A_50 : vector<16xf32>
      %parallel_loop3A_431 = arith.andi %parallel_loop3A_429, %parallel_loop3A_430 : vector<16xi1>
      %parallel_loop3A_432 = arith.xori %parallel_loop3A_431, %ne3A_331 : vector<16xi1>
      %parallel_loop3A_433 = arith.andi %parallel_loop3A_421, %parallel_loop3A_432 : vector<16xi1>
      %parallel_loop3A_434 = arith.constant 16 : i32
      %parallel_loop3A_435 = arith.muli %parallel_loop3A_398, %parallel_loop3A_434 : i32
      %parallel_loop3A_436 = arith.constant 3 : i32
      %parallel_loop3A_437 = arith.index_cast %parallel_loop3A_382 : i32 to index
      %parallel_loop3A_438 = arith.index_cast %parallel_loop3A_436 : i32 to index
      %parallel_loop3A_439 = arith.index_cast %parallel_loop3A_435 : i32 to index
      %parallel_loop3A_440 = tpu.vector_load %arg6[%parallel_loop3A_437, %parallel_loop3A_438, %parallel_loop3A_439] {strides = array<i32>} : memref<61x4x128xf32, #tpu.memory_space<vmem>>, vector<16xf32>,
      %parallel_loop3A_441 = arith.cmpf oge, %parallel_loop3A_440, %get3A_38 : vector<16xf32>
      %parallel_loop3A_442 = arith.cmpf ole, %parallel_loop3A_440, %get3A_54 : vector<16xf32>
      %parallel_loop3A_443 = arith.andi %parallel_loop3A_441, %parallel_loop3A_442 : vector<16xi1>
      %parallel_loop3A_444 = arith.xori %parallel_loop3A_443, %ne3A_334 : vector<16xi1>
      %parallel_loop3A_445 = arith.andi %parallel_loop3A_433, %parallel_loop3A_444 : vector<16xi1>
      %parallel_loop3A_446 = arith.constant 1.000000e+00 : f32
      %parallel_loop3A_447 = arith.constant 0.000000e+00 : f32
      %parallel_loop3A_448 = vector.broadcast %parallel_loop3A_446 : f32 to vector<16xf32>
      %parallel_loop3A_449 = vector.broadcast %parallel_loop3A_447 : f32 to vector<16xf32>
      %parallel_loop3A_450 = arith.select %parallel_loop3A_445, %parallel_loop3A_448, %parallel_loop3A_449 : vector<16xi1>, vector<16xf32>
      %parallel_loop3A_451 = arith.constant 16 : i32
      %parallel_loop3A_452 = arith.muli %parallel_loop3A_358, %parallel_loop3A_451 : i32
      %parallel_loop3A_453 = arith.index_cast %parallel_loop3A_452 : i32 to index
      %parallel_loop3A_454 = tpu.vector_load %arg9[%parallel_loop3A_453] {strides = array<i32>} : memref<7808xf32, #tpu.memory_space<vmem>>, vector<16xf32>,
      tpu.vector_store %arg9[%parallel_loop3A_453], %parallel_loop3A_450 {strides = array<i32>} : memref<7808xf32, #tpu.memory_space<vmem>>, vector<16xf32>,
    } {sc.loop_unroll_factor = 4 : i64, sc.parallel_access}
    %add3A_338 = arith.constant 427 : i32
    %add3A_339 = arith.addi %add3A_4, %add3A_338 : i32
    %mul3A_340 = arith.constant 128 : i32
    %mul3A_341 = arith.muli %add3A_339, %mul3A_340 : i32
    %dma_start3A_342 = tpu.memref_slice %arg4[%mul3A_341] : memref<2000000xf32, #tpu.memory_space<hbm>> -> memref<7808xf32, #tpu.memory_space<hbm>>
    %dma_start3A_343 = tpu.memref_slice %arg4[%mul3A_341] : memref<2000000xf32, #tpu.memory_space<hbm>> -> memref<7808xf32, #tpu.memory_space<hbm>>
    tpu.enqueue_dma source(%arg9 : memref<7808xf32, #tpu.memory_space<vmem>>) target(%dma_start3A_343 : memref<7808xf32, #tpu.memory_space<hbm>>) target_semaphore(%arg17 : memref<!tpu.dma_semaphore, #tpu.memory_space<semaphore_mem>>)
    %lt3A_344 = arith.constant 9 : i32
    %lt3A_345 = arith.cmpi slt, %add3A, %lt3A_344 : i32
    %convert_element_type3A_346 = arith.extui %lt3A_345 : i1 to i32
    %cond3A_347 = arith.constant 0 : i32
    %cond3A_348 = arith.cmpi ne, %convert_element_type3A_346, %cond3A_347 : i32
    scf.if %cond3A_348 {
      %dma_wait3A_358 = arith.constant 0 : i32
      %dma_wait3A_359 = arith.constant 0 : i32
      %dma_wait3A_360 = tpu.memref_slice %arg2[%add3A_6, %dma_wait3A_358, %dma_wait3A_359] : memref<15625x4x128xf32, #tpu.memory_space<hbm>> -> memref<1x4x128xf32, #tpu.memory_space<hbm>>
      %dma_wait3A_361 = arith.constant 0 : i32
      %dma_wait3A_362 = arith.constant 0 : i32
      %dma_wait3A_363 = tpu.memref_slice %arg2[%add3A_6, %dma_wait3A_361, %dma_wait3A_362] : memref<15625x4x128xf32, #tpu.memory_space<hbm>> -> memref<1x4x128xf32, #tpu.memory_space<hbm>>
      tpu.wait_dma2 semaphore(%arg18 : memref<!tpu.dma_semaphore, #tpu.memory_space<semaphore_mem>>) src(%dma_wait3A_363 : memref<1x4x128xf32, #tpu.memory_space<hbm>>) dst(%arg11 : memref<1x4x128xf32, #tpu.memory_space<vmem>>)
      %ne3A_364 = arith.constant 0.000000e+00 : f32
      %ne3A_365 = vector.broadcast %ne3A_364 : f32 to vector<16xf32>
      %ne3A_366 = arith.cmpf one, %get3A_58, %ne3A_365 : vector<16xf32>
      %ne3A_367 = arith.constant 0.000000e+00 : f32
      %ne3A_368 = vector.broadcast %ne3A_367 : f32 to vector<16xf32>
      %ne3A_369 = arith.cmpf one, %get3A_62, %ne3A_368 : vector<16xf32>
      %ne3A_370 = arith.constant 0.000000e+00 : f32
      %ne3A_371 = vector.broadcast %ne3A_370 : f32 to vector<16xf32>
      %ne3A_372 = arith.cmpf one, %get3A_66, %ne3A_371 : vector<16xf32>
      %ne3A_373 = arith.constant 0.000000e+00 : f32
      %ne3A_374 = vector.broadcast %ne3A_373 : f32 to vector<16xf32>
      %ne3A_375 = arith.cmpf one, %get3A_70, %ne3A_374 : vector<16xf32>
      %parallel_loop3A_376 = arith.constant 0 : i32
      %parallel_loop3A_377 = arith.constant 8 : i32
      %parallel_loop3A_378 = arith.constant 1 : i32
      scf.for %parallel_loop3A_383 = %parallel_loop3A_376 to %parallel_loop3A_377 step %parallel_loop3A_378  : i32 {
        %parallel_loop3A_384 = arith.constant 8 : i32
        %parallel_loop3A_385 = arith.divsi %parallel_loop3A_383, %parallel_loop3A_384 : i32
        %parallel_loop3A_386 = arith.constant 0 : i32
        %parallel_loop3A_387 = arith.cmpi sgt, %parallel_loop3A_383, %parallel_loop3A_386 : i32
        %parallel_loop3A_388 = arith.extui %parallel_loop3A_387 : i1 to i32
        %parallel_loop3A_389 = arith.constant 0 : i32
        %parallel_loop3A_390 = arith.cmpi slt, %parallel_loop3A_383, %parallel_loop3A_389 : i32
        %parallel_loop3A_391 = arith.extui %parallel_loop3A_390 : i1 to i32
        %parallel_loop3A_392 = arith.subi %parallel_loop3A_388, %parallel_loop3A_391 : i32
        %parallel_loop3A_393 = arith.constant 0 : i32
        %parallel_loop3A_394 = arith.cmpi sgt, %parallel_loop3A_384, %parallel_loop3A_393 : i32
        %parallel_loop3A_395 = arith.extui %parallel_loop3A_394 : i1 to i32
        %parallel_loop3A_396 = arith.constant 0 : i32
        %parallel_loop3A_397 = arith.cmpi slt, %parallel_loop3A_384, %parallel_loop3A_396 : i32
        %parallel_loop3A_398 = arith.extui %parallel_loop3A_397 : i1 to i32
        %parallel_loop3A_399 = arith.subi %parallel_loop3A_395, %parallel_loop3A_398 : i32
        %parallel_loop3A_400 = arith.cmpi ne, %parallel_loop3A_392, %parallel_loop3A_399 : i32
        %parallel_loop3A_401 = arith.remsi %parallel_loop3A_383, %parallel_loop3A_384 : i32
        %parallel_loop3A_402 = arith.constant 0 : i32
        %parallel_loop3A_403 = arith.cmpi ne, %parallel_loop3A_401, %parallel_loop3A_402 : i32
        %parallel_loop3A_404 = arith.andi %parallel_loop3A_400, %parallel_loop3A_403 : i1
        %parallel_loop3A_405 = arith.constant 1 : i32
        %parallel_loop3A_406 = arith.subi %parallel_loop3A_385, %parallel_loop3A_405 : i32
        %parallel_loop3A_407 = arith.select %parallel_loop3A_404, %parallel_loop3A_406, %parallel_loop3A_385 : i32
        %parallel_loop3A_408 = arith.constant 8 : i32
        %parallel_loop3A_409 = arith.constant 0 : i32
        %parallel_loop3A_410 = arith.cmpi eq, %parallel_loop3A_408, %parallel_loop3A_409 : i32
        %parallel_loop3A_411 = arith.constant 1 : i32
        %parallel_loop3A_412 = arith.select %parallel_loop3A_410, %parallel_loop3A_411, %parallel_loop3A_408 : i32
        %parallel_loop3A_413 = arith.remsi %parallel_loop3A_383, %parallel_loop3A_412 : i32
        %parallel_loop3A_414 = arith.constant 0 : i32
        %parallel_loop3A_415 = arith.cmpi ne, %parallel_loop3A_413, %parallel_loop3A_414 : i32
        %parallel_loop3A_416 = arith.constant 0 : i32
        %parallel_loop3A_417 = arith.cmpi slt, %parallel_loop3A_413, %parallel_loop3A_416 : i32
        %parallel_loop3A_418 = arith.constant 0 : i32
        %parallel_loop3A_419 = arith.cmpi slt, %parallel_loop3A_412, %parallel_loop3A_418 : i32
        %parallel_loop3A_420 = arith.xori %parallel_loop3A_417, %parallel_loop3A_419 : i1
        %parallel_loop3A_421 = arith.andi %parallel_loop3A_420, %parallel_loop3A_415 : i1
        %parallel_loop3A_422 = arith.addi %parallel_loop3A_413, %parallel_loop3A_412 : i32
        %parallel_loop3A_423 = arith.select %parallel_loop3A_421, %parallel_loop3A_422, %parallel_loop3A_413 : i32
        %parallel_loop3A_424 = arith.constant 16 : i32
        %parallel_loop3A_425 = arith.muli %parallel_loop3A_423, %parallel_loop3A_424 : i32
        %parallel_loop3A_426 = arith.constant 0 : i32
        %parallel_loop3A_427 = arith.index_cast %parallel_loop3A_407 : i32 to index
        %parallel_loop3A_428 = arith.index_cast %parallel_loop3A_426 : i32 to index
        %parallel_loop3A_429 = arith.index_cast %parallel_loop3A_425 : i32 to index
        %parallel_loop3A_430 = tpu.vector_load %arg11[%parallel_loop3A_427, %parallel_loop3A_428, %parallel_loop3A_429] {strides = array<i32>} : memref<1x4x128xf32, #tpu.memory_space<vmem>>, vector<16xf32>,
        %parallel_loop3A_431 = arith.cmpf oge, %parallel_loop3A_430, %get3A_26 : vector<16xf32>
        %parallel_loop3A_432 = arith.cmpf ole, %parallel_loop3A_430, %get3A_42 : vector<16xf32>
        %parallel_loop3A_433 = arith.andi %parallel_loop3A_431, %parallel_loop3A_432 : vector<16xi1>
        %parallel_loop3A_434 = arith.xori %parallel_loop3A_433, %ne3A_366 : vector<16xi1>
        %parallel_loop3A_435 = arith.constant 16 : i32
        %parallel_loop3A_436 = arith.muli %parallel_loop3A_423, %parallel_loop3A_435 : i32
        %parallel_loop3A_437 = arith.constant 1 : i32
        %parallel_loop3A_438 = arith.index_cast %parallel_loop3A_407 : i32 to index
        %parallel_loop3A_439 = arith.index_cast %parallel_loop3A_437 : i32 to index
        %parallel_loop3A_440 = arith.index_cast %parallel_loop3A_436 : i32 to index
        %parallel_loop3A_441 = tpu.vector_load %arg11[%parallel_loop3A_438, %parallel_loop3A_439, %parallel_loop3A_440] {strides = array<i32>} : memref<1x4x128xf32, #tpu.memory_space<vmem>>, vector<16xf32>,
        %parallel_loop3A_442 = arith.cmpf oge, %parallel_loop3A_441, %get3A_30 : vector<16xf32>
        %parallel_loop3A_443 = arith.cmpf ole, %parallel_loop3A_441, %get3A_46 : vector<16xf32>
        %parallel_loop3A_444 = arith.andi %parallel_loop3A_442, %parallel_loop3A_443 : vector<16xi1>
        %parallel_loop3A_445 = arith.xori %parallel_loop3A_444, %ne3A_369 : vector<16xi1>
        %parallel_loop3A_446 = arith.andi %parallel_loop3A_434, %parallel_loop3A_445 : vector<16xi1>
        %parallel_loop3A_447 = arith.constant 16 : i32
        %parallel_loop3A_448 = arith.muli %parallel_loop3A_423, %parallel_loop3A_447 : i32
        %parallel_loop3A_449 = arith.constant 2 : i32
        %parallel_loop3A_450 = arith.index_cast %parallel_loop3A_407 : i32 to index
        %parallel_loop3A_451 = arith.index_cast %parallel_loop3A_449 : i32 to index
        %parallel_loop3A_452 = arith.index_cast %parallel_loop3A_448 : i32 to index
        %parallel_loop3A_453 = tpu.vector_load %arg11[%parallel_loop3A_450, %parallel_loop3A_451, %parallel_loop3A_452] {strides = array<i32>} : memref<1x4x128xf32, #tpu.memory_space<vmem>>, vector<16xf32>,
        %parallel_loop3A_454 = arith.cmpf oge, %parallel_loop3A_453, %get3A_34 : vector<16xf32>
        %parallel_loop3A_455 = arith.cmpf ole, %parallel_loop3A_453, %get3A_50 : vector<16xf32>
        %parallel_loop3A_456 = arith.andi %parallel_loop3A_454, %parallel_loop3A_455 : vector<16xi1>
        %parallel_loop3A_457 = arith.xori %parallel_loop3A_456, %ne3A_372 : vector<16xi1>
        %parallel_loop3A_458 = arith.andi %parallel_loop3A_446, %parallel_loop3A_457 : vector<16xi1>
        %parallel_loop3A_459 = arith.constant 16 : i32
        %parallel_loop3A_460 = arith.muli %parallel_loop3A_423, %parallel_loop3A_459 : i32
        %parallel_loop3A_461 = arith.constant 3 : i32
        %parallel_loop3A_462 = arith.index_cast %parallel_loop3A_407 : i32 to index
        %parallel_loop3A_463 = arith.index_cast %parallel_loop3A_461 : i32 to index
        %parallel_loop3A_464 = arith.index_cast %parallel_loop3A_460 : i32 to index
        %parallel_loop3A_465 = tpu.vector_load %arg11[%parallel_loop3A_462, %parallel_loop3A_463, %parallel_loop3A_464] {strides = array<i32>} : memref<1x4x128xf32, #tpu.memory_space<vmem>>, vector<16xf32>,
        %parallel_loop3A_466 = arith.cmpf oge, %parallel_loop3A_465, %get3A_38 : vector<16xf32>
        %parallel_loop3A_467 = arith.cmpf ole, %parallel_loop3A_465, %get3A_54 : vector<16xf32>
        %parallel_loop3A_468 = arith.andi %parallel_loop3A_466, %parallel_loop3A_467 : vector<16xi1>
        %parallel_loop3A_469 = arith.xori %parallel_loop3A_468, %ne3A_375 : vector<16xi1>
        %parallel_loop3A_470 = arith.andi %parallel_loop3A_458, %parallel_loop3A_469 : vector<16xi1>
        %parallel_loop3A_471 = arith.constant 1.000000e+00 : f32
        %parallel_loop3A_472 = arith.constant 0.000000e+00 : f32
        %parallel_loop3A_473 = vector.broadcast %parallel_loop3A_471 : f32 to vector<16xf32>
        %parallel_loop3A_474 = vector.broadcast %parallel_loop3A_472 : f32 to vector<16xf32>
        %parallel_loop3A_475 = arith.select %parallel_loop3A_470, %parallel_loop3A_473, %parallel_loop3A_474 : vector<16xi1>, vector<16xf32>
        %parallel_loop3A_476 = arith.constant 16 : i32
        %parallel_loop3A_477 = arith.muli %parallel_loop3A_383, %parallel_loop3A_476 : i32
        %parallel_loop3A_478 = arith.index_cast %parallel_loop3A_477 : i32 to index
        %parallel_loop3A_479 = tpu.vector_load %arg12[%parallel_loop3A_478] {strides = array<i32>} : memref<128xf32, #tpu.memory_space<vmem>>, vector<16xf32>,
        tpu.vector_store %arg12[%parallel_loop3A_478], %parallel_loop3A_475 {strides = array<i32>} : memref<128xf32, #tpu.memory_space<vmem>>, vector<16xf32>,
      } {sc.loop_unroll_factor = 4 : i64, sc.parallel_access}
      %mul3A_379 = arith.constant 128 : i32
      %mul3A_380 = arith.muli %add3A_6, %mul3A_379 : i32
      %dma_start3A_381 = tpu.memref_slice %arg4[%mul3A_380] : memref<2000000xf32, #tpu.memory_space<hbm>> -> memref<128xf32, #tpu.memory_space<hbm>>
      %dma_start3A_382 = tpu.memref_slice %arg4[%mul3A_380] : memref<2000000xf32, #tpu.memory_space<hbm>> -> memref<128xf32, #tpu.memory_space<hbm>>
      tpu.enqueue_dma source(%arg12 : memref<128xf32, #tpu.memory_space<vmem>>) target(%dma_start3A_382 : memref<128xf32, #tpu.memory_space<hbm>>) target_semaphore(%arg18 : memref<!tpu.dma_semaphore, #tpu.memory_space<semaphore_mem>>)
    } else {
    }
    %dma_wait3A_349 = tpu.memref_slice %arg4[%mul3A_312] : memref<2000000xf32, #tpu.memory_space<hbm>> -> memref<7808xf32, #tpu.memory_space<hbm>>
    %dma_wait3A_350 = tpu.memref_slice %arg4[%mul3A_312] : memref<2000000xf32, #tpu.memory_space<hbm>> -> memref<7808xf32, #tpu.memory_space<hbm>>
    tpu.wait_dma2 semaphore(%arg16 : memref<!tpu.dma_semaphore, #tpu.memory_space<semaphore_mem>>) src(%arg8 : memref<7808xf32, #tpu.memory_space<vmem>>) dst(%dma_wait3A_350 : memref<7808xf32, #tpu.memory_space<hbm>>)
    %dma_wait3A_351 = tpu.memref_slice %arg4[%mul3A_341] : memref<2000000xf32, #tpu.memory_space<hbm>> -> memref<7808xf32, #tpu.memory_space<hbm>>
    %dma_wait3A_352 = tpu.memref_slice %arg4[%mul3A_341] : memref<2000000xf32, #tpu.memory_space<hbm>> -> memref<7808xf32, #tpu.memory_space<hbm>>
    tpu.wait_dma2 semaphore(%arg17 : memref<!tpu.dma_semaphore, #tpu.memory_space<semaphore_mem>>) src(%arg9 : memref<7808xf32, #tpu.memory_space<vmem>>) dst(%dma_wait3A_352 : memref<7808xf32, #tpu.memory_space<hbm>>)
    %lt3A_353 = arith.constant 9 : i32
    %lt3A_354 = arith.cmpi slt, %add3A, %lt3A_353 : i32
    %convert_element_type3A_355 = arith.extui %lt3A_354 : i1 to i32
    %cond3A_356 = arith.constant 0 : i32
    %cond3A_357 = arith.cmpi ne, %convert_element_type3A_355, %cond3A_356 : i32
    scf.if %cond3A_357 {
      %mul3A_358 = arith.constant 128 : i32
      %mul3A_359 = arith.muli %add3A_6, %mul3A_358 : i32
      %dma_wait3A_360 = tpu.memref_slice %arg4[%mul3A_359] : memref<2000000xf32, #tpu.memory_space<hbm>> -> memref<128xf32, #tpu.memory_space<hbm>>
      %dma_wait3A_361 = tpu.memref_slice %arg4[%mul3A_359] : memref<2000000xf32, #tpu.memory_space<hbm>> -> memref<128xf32, #tpu.memory_space<hbm>>
      tpu.wait_dma2 semaphore(%arg18 : memref<!tpu.dma_semaphore, #tpu.memory_space<semaphore_mem>>) src(%arg12 : memref<128xf32, #tpu.memory_space<vmem>>) dst(%dma_wait3A_361 : memref<128xf32, #tpu.memory_space<hbm>>)
    } else {
    }
    return
  }
}

</mosaic_0001>

<sc_bundles>
// kernel: kernel.3.cloned.1.call-start
scs
__scs_entry_jumppad:
0x0: {  	(pc) =	sbr.rel $0x88, $3  }
0x1: {  	(tag) =	ssettag $0x0;
	lr =	simm.s32 $0x1  }
0x2: {  	[smem:$0x3F9E] =	sst lr;
	_ =	strace $0xD0000000  }
0x3: {  	_ = 	snop  }
0x4: {  	_ = 	snop  }
0x5: {  	_ = 	snop  }
0x6: {  	_ = 	snop  }
0x7: {  	_ = 	snop  }
__scs_overlays_trampoline_lowered:
0x8: {  	[smem:$0x3FAD] =	sst s0  }
0x9: {  	[smem:$0x3FAE] =	sst s1  }
0xa: {  	[smem:$0x3FAF] =	sst s2  }
0xb: {  	[smem:$0x3FB0] =	sst s3  }
0xc: {  	[smem:$0x3FB1] =	sst s4  }
0xd: {  	[smem:$0x3FB2] =	sst s5  }
0xe: {  	[smem:$0x3FB3] =	sst s6  }
0xf: {  	[smem:$0x3FB4] =	sst s7  }
0x10: {  	[smem:$0x3FB5] =	sst s8  }
0x11: {  	[smem:$0x3FB6] =	sst s9;
	s0 =	simm.s32 @!p0 $0x0  }
0x12: {  	s1 =	sld [smem:$0x3F9C];
	s0 =	simm.s32 @p0 $0x1  }
0x13: {  	[smem:$0x3FB7] =	sst s0;
	s0 =	simm.s32 @!p1 $0x0  }
0x14: {  	s2 =	sld [smem:$0x3F9B];
	s0 =	simm.s32 @p1 $0x1  }
0x15: {  	[smem:$0x3FB8] =	sst s0;
	s0 =	simm.s32 @!p2 $0x0  }
0x16: {  	s3 =	sld [smem:$0x3FDB];
	s0 =	simm.s32 @p2 $0x1  }
0x17: {  	s4 =	simm.s32 $0x1BF5;
	[smem:$0x3FBA] =	sst s0  }
0x18: {  	s0 =	sld [smem:$0x3F9D];
	_ =	swait.ge [sflag:s4], $0x0  }
0x19: {  	s7 =	sld [smem:$0x3F9E]  }
0x1a: {  	s8 =	sadd.s32 $0xFFFFE003, lr  }
0x1b: {  	s9 =	sadd.s32 $0xFFFFFEF7, lr;
	s5 =	simm.s32 $0xFFFFFFFF;
	p2 =	slt.u32 s8, $0xFFFFF086  }
0x1c: {  	p1 =	slt.u32 s9, $0xF7A;
	s5 =	simm.s32 @!p2 $0x0  }
0x1d: {  	s5 =	simm.s32 @p1 $0x1;
	p0 =	seq.s32 s7, s2  }
0x1e: {  	s7 =	smul.u32 @!p0 $0xF7A, s2;
	p2 =	seq.s32 @!p0 s5, $0x0  }
0x1f: {  	s9 =	smul.u32 $0xF7A, s1;
	s8 =	simm.s32 @!p0 $0x1BF5;
	p2 =	por !p2, p0  }
0x20: {  	[sflag:s8] =	ssyncset.s32 @!p0 $0xFFFFF086;
	s6 =	sadd.s32 @!p0 s3, s7;
	s7 =	simm.s32 @!p0 $0x108  }
0x21: {  	s3 =	sadd.s32 s3, s9;
	s6 =	sadd.s32 @!p0 $0x88, s6;
	s7 =	simm.s32 @p2 $0x1082  }
0x22: {  	[simem:s7], [sflag:s8] =	dma.local @!p0 [hbm:s6], $0xF7A  }
0x23: {  	s9 =	sor.u32 $0xD0000000, s2;
	s6 =	simm.s32 $0x108;
	_ =	swait.ge @!p0 [sflag:s8], $0x0  }
0x24: {  	s3 =	sadd.s32 $0x88, s3;
	s6 =	simm.s32 @!p1 $0x1082;
	[sflag:s4] =	ssyncset.s32 $0xFFFFF086  }
0x25: {  	[simem:s6], [sflag:s4] =	dma.local [hbm:s3], $0xF7A  }
0x26: {  	[smem:$0x3F9E] =	sst s1;
	(tag) =	ssettag s2;
	_ =	strace s9  }
0x27: {  	s1 =	sld [smem:$0x3FAE]  }
0x28: {  	s2 =	sld [smem:$0x3FAF]  }
0x29: {  	s4 =	sld [smem:$0x3FB1]  }
0x2a: {  	p0 =	seq.s32 s5, $0x0;
	s5 =	sld [smem:$0x3FB2]  }
0x2b: {  	s6 =	sld [smem:$0x3FB3]  }
0x2c: {  	s7 =	sld [smem:$0x3FB4]  }
0x2d: {  	s3 =	simm.s32 $0x108;
	s8 =	sld [smem:$0x3FB5]  }
0x2e: {  	s3 =	simm.s32 @!p0 $0x1082;
	s9 =	sld [smem:$0x3FB6]  }
0x2f: {  	lr =	sadd.s32 s0, s3;
	s0 =	sld [smem:$0x3FAD]  }
0x30: {  	s3 =	sld [smem:$0x3FB0]  }
0x31: {  	[smem:$0x3FB9] =	sst s10  }
0x32: {  	s10 =	sld [smem:$0x3FB7];
	_ =	sdelay $0x3  }
0x33: {  	p0 =	seq.s32 s10, $0x1;
	s10 =	sld [smem:$0x3FB9];
	_ =	sdelay $0x3  }
0x34: {  	[smem:$0x3FB9] =	sst s10  }
0x35: {  	s10 =	sld [smem:$0x3FB8];
	_ =	sdelay $0x3  }
0x36: {  	p1 =	seq.s32 s10, $0x1;
	s10 =	sld [smem:$0x3FB9];
	_ =	sdelay $0x3  }
0x37: {  	[smem:$0x3FB9] =	sst s10  }
0x38: {  	s10 =	sld [smem:$0x3FBA]  }
0x39: {  	_ = 	snop;
	(pc) =	sbr.ind lr, $3  }
0x3a: {  	_ = 	snop  }
0x3b: {  	_ = 	snop  }
0x3c: {  	p2 =	seq.s32 s10, $0x1;
	s10 =	sld [smem:$0x3FB9]  }
0x3d: {  	_ =	shalt  }
0x3e: {  	_ =	shalt  }
0x3f: {  	_ =	shalt  }
0x40: {  	_ =	shalt  }
0x41: {  	_ =	shalt  }
0x42: {  	_ =	shalt  }
0x43: {  	_ =	shalt  }
0x44: {  	_ =	shalt  }
0x45: {  	_ =	shalt  }
0x46: {  	_ =	shalt  }
0x47: {  	_ =	shalt  }
0x48: {  	_ =	shalt  }
0x49: {  	_ =	shalt  }
0x4a: {  	_ =	shalt  }
0x4b: {  	_ =	shalt  }
0x4c: {  	_ =	shalt  }
0x4d: {  	_ =	shalt  }
0x4e: {  	_ =	shalt  }
0x4f: {  	_ =	shalt  }
0x50: {  	_ =	shalt  }
0x51: {  	_ =	shalt  }
0x52: {  	_ =	shalt  }
0x53: {  	_ =	shalt  }
0x54: {  	_ =	shalt  }
0x55: {  	_ =	shalt  }
0x56: {  	_ =	shalt  }
0x57: {  	_ =	shalt  }
0x58: {  	_ =	shalt  }
0x59: {  	_ =	shalt  }
0x5a: {  	_ =	shalt  }
0x5b: {  	_ =	shalt  }
0x5c: {  	_ =	shalt  }
0x5d: {  	_ =	shalt  }
0x5e: {  	_ =	shalt  }
0x5f: {  	_ =	shalt  }
0x60: {  	_ =	shalt  }
0x61: {  	_ =	shalt  }
0x62: {  	_ =	shalt  }
0x63: {  	_ =	shalt  }
0x64: {  	_ =	shalt  }
0x65: {  	_ =	shalt  }
0x66: {  	_ =	shalt  }
0x67: {  	_ =	shalt  }
0x68: {  	_ =	shalt  }
0x69: {  	_ =	shalt  }
0x6a: {  	_ =	shalt  }
0x6b: {  	_ =	shalt  }
0x6c: {  	_ =	shalt  }
0x6d: {  	_ =	shalt  }
0x6e: {  	_ =	shalt  }
0x6f: {  	_ =	shalt  }
0x70: {  	_ =	shalt  }
0x71: {  	_ =	shalt  }
0x72: {  	_ =	shalt  }
0x73: {  	_ =	shalt  }
0x74: {  	_ =	shalt  }
0x75: {  	_ =	shalt  }
0x76: {  	_ =	shalt  }
0x77: {  	_ =	shalt  }
0x78: {  	_ =	shalt  }
0x79: {  	_ =	shalt  }
0x7a: {  	_ =	shalt  }
0x7b: {  	_ =	shalt  }
0x7c: {  	_ =	shalt  }
0x7d: {  	_ =	shalt  }
0x7e: {  	_ =	shalt  }
0x7f: {  	_ =	shalt  }
0x80: {  	_ =	shalt  }
0x81: {  	_ =	shalt  }
0x82: {  	_ =	shalt  }
0x83: {  	_ =	shalt  }
0x84: {  	_ =	shalt  }
0x85: {  	_ =	shalt  }
0x86: {  	_ =	shalt  }
0x87: {  	_ =	shalt  }
.Lfunc_end0:
.L_simem_size_0:
called_computation_lowered:
.L_overlay_start_0:
0x88: {  	s2 =	sld [smem:$0x3FD9]  }
0x89: {  	s3 =	sld [smem:$0x3FFE];
	_ =	sdelay $0x1  }
0x8a: {  	s1 =	srdreg.scid  }
0x8b: {  	s0 =	sand.u32 $0x1, s1  }
0x8c: {  	s17 =	sshll.u32 s0, $0xA;
	s2 =	sadd.s32 s3, s2  }
0x8d: {  	s2 =	sadd.s32 s2, s17  }
0x8e: {  	[smem:$0x3FC5] =	sst s2  }
0x8f: {  	_ = 	snop  }
0x90: {  	s2 =	sld [smem:$0x3FC9]  }
0x91: {  	s18 =	sld [smem:$0x3FD0];
	(tm) =	ssettm $0x1  }
0x92: {  	s4 =	sld [smem:$0x3FFB];
	_ =	sdelay $0x3  }
0x93: {  	_ =	strace s4  }
0x94: {  	s4 =	sld [smem:$0x3FFC];
	_ =	sdelay $0x3  }
0x95: {  	_ =	strace s4  }
0x96: {  	s4 =	sld [smem:$0x3FFD];
	_ =	sdelay $0x3  }
0x97: {  	_ =	strace s4  }
0x98: {  	_ =	strace $0x8FFFFFFF  }
0x99: {  	s19 =	sld [smem:$0x3FDB];
	_ =	sdelay $0x1  }
0x9a: {  	s5 =	simm.s32 $_scs_section_size  }
0x9b: {  	s6 =	simm.s32 $_size__tile_overlayer_lowered;
	s7 =	simm.s32 $_tile_overlayer_lowered  }
0x9c: {  	s22 =	simm.s32 $0x1BFF;
	s21 =	sshll.u32 s7, $0x1;
	s4 =	sadd.s32 s5, s19  }
0x9d: {  	s8 =	simm.s32 $0x0;
	s20 =	sshll.u32 s6, $0x1;
	s6 =	sadd.s32 s21, s4  }
0x9e: {  	[timem:s8], [sflag:s22] =	dma.local [hbm:s6], s20  }
0x9f: {  	_ =	swait.ge [sflag:s22], s20  }
0xa0: {  	s5 =	ssub.s32 $0x0, s20;
	[sflag:s22] =	ssyncset.done $0x0  }
0xa1: {  	[sflag:s22] =	ssyncadd.s32 s5;
	_ =	sdelay $0x1  }
0xa2: {  	s23 =	simm.s32 $0x1B8B  }
0xa3: {  	_ =	swait.ge [sflag:s23], $0x1  }
0xa4: {  	[sflag:s23] =	ssyncset.done $0x0  }
0xa5: {  	s25 =	simm.s32 $0x1B8E;
	s24 =	sld [smem:$0x3FFE];
	[sflag:s23] =	ssyncadd.s32 $0xFFFFFFFF  }
0xa6: {  	s26 =	simm.s32 $execute0_lowered;
	[smem:$0x3FD2] =	sst s25  }
0xa7: {  	s6 =	sshll.u32 s26, $0x1;
	_ =	strace $0x80000046;
	[dreg:$0x1] =	wrdreg $0xFFFFFFFF  }
0xa8: {  	s28 =	simm.s32 $_size_execute0_lowered;
	s4 =	sadd.s32 s4, s6;
	[dreg:$0x0] =	wrdreg $0x0  }
0xa9: {  	s6 =	sshll.u32 s28, $0x1;
	[dreg:$0x2] =	wrdreg s4  }
0xaa: {  	[dreg:$0x3] =	wrdreg s6  }
0xab: {  	[dreg:$0x4] =	wrdreg $0xC0  }
0xac: {  	_ =	task [dreg:s8], $0x5FFFF  }
0xad: {  	[dreg:$0x1] =	wrdreg $0xFFFFFFFF  }
0xae: {  	[dreg:$0x0] =	wrdreg $0x60  }
0xaf: {  	[dreg:$0x2] =	wrdreg s2  }
0xb0: {  	[dreg:$0x3] =	wrdreg s24  }
0xb1: {  	[dreg:$0x4] =	wrdreg s18  }
0xb2: {  	[dreg:$0x5] =	wrdreg $0x9  }
0xb3: {  	_ =	task.clear_ibuf [dreg:s8], $0x6FFFF;
	_ =	strace $0x90000046  }
0xb4: {  	s29 =	simm.s32 $0x9;
	_ =	strace $0x80000048  }
0xb5: {  	_ =	swait.ge [sflag:s29], $0x1  }
0xb6: {  	[sflag:s29] =	ssyncadd.s32 $0xFFFFFFFF  }
0xb7: {  	_ =	strace $0x90000048  }
0xb8: {  	_ =	sfence  }
0xb9: {  	s30 =	sld [smem:$0x0];
	_ =	sdelay $0x2  }
0xba: {  	s31 =	sshll.u32 s1, $0xD;
	s1 =	sshrl.u32 s1, $0x2  }
0xbb: {  	s3 =	sand.u32 $0x4000, s31;
	s1 =	sadd.s32 s1, s30  }
0xbc: {  	s0 =	sor.u32 s3, s0;
	s1 =	sshll.u32 s1, $0x11  }
0xbd: {  	s0 =	sor.u32 s1, s0  }
0xbe: {  	s0 =	sadd.s32 $0x8F2B, s0  }
0xbf: {  	[sflag:s0] =	ssyncadd.remote.s32 $0x1  }
0xc0: {  	_ =	sfence.sel $0xFFFF  }
0xc1: {  	[dreg:$0x0] =	wrdreg $0xFFFFFFFF;
	(pc) =	sbr.abs _section_cstart, $3  }
0xc2: {  	[dreg:$0x1] =	wrdreg $0xFFFFFFFF  }
0xc3: {  	_ =	task.clear_ibuf [dreg:s8], $0x2FFFF;
	_ =	strace $0x9FFFFFFF  }
0xc4: {  	(tm) =	ssettm $0x7FFFFFFF  }
0xc5: {  	_ =	shalt  }
tec
execute0_lowered:
.L_overlay_start_1:
0x0: {  	(tag) =	ssettag $0x1  }
0x1: {  	s3 =	rddreg [dreg:$0x0];
	s0 =	srdreg.scid  }
0x2: {  	s1 =	stileid.u32;
	s4 =	rddreg [dreg:$0x1];
	s2 =	simm.s32 $0x0  }
0x3: {  	s28 =	simm.s32 $0x1;
	s29 =	simm.s32 $0x16E00;
	s30 =	simm.s32 $0x2  }
0x4: {  	s5 =	sand.u32 $0x1, s0;
	s13 =	sshll.u32 s1, $0x1;
	s1 =	rddreg [dreg:$0x2]  }
0x5: {  	s31 =	simm.s32 $0x18C80;
	[smem:$0x7FF] =	sst s2;
	s0 =	sor.u32 s5, s13  }
0x6: {  	s4 =	sadd.s32 $0x600, s4;
	_ =	strace $0x80000047;
	s6 =	smul.u32 $0x1E8, s0  }
0x7: {  	[dreg:$0x4] =	wrdreg s4;
	s14 =	ssub.s32 $0x2, s5;
	s7 =	smin.u32 s0, $0x9  }
0x8: {  	s15 =	sshrl.u32 s14, $0x1;
	p0 =	sgt.u32 s0, $0x8;
	s6 =	sadd.s32 s7, s6  }
0x9: {  	s0 =	simm.s32 $0x4;
	s4 =	ssub.s32 s14, s15;
	s5 =	sadd.s32 $0x1E8, s6  }
0xa: {  	s9 =	sadd.s32 $0x3D, s6;
	s18 =	sshll.u32 s6, $0x6;
	s10 =	sadd.s32 $0x7A, s6  }
0xb: {  	s20 =	sshll.u32 s6, $0x4;
	s12 =	sadd.s32 $0xB7, s6;
	s24 =	sadd.s32 $0xF4, s6  }
0xc: {  	s11 =	sadd.s32 $0x131, s6;
	s8 =	sshll.u32 s5, $0x6;
	s17 =	sshll.u32 s9, $0x6  }
0xd: {  	s19 =	sshll.u32 s10, $0x6;
	s21 =	sadd.s32 s1, s20;
	s22 =	sshll.u32 s12, $0x6  }
0xe: {  	s23 =	sshll.u32 s9, $0x4;
	s26 =	sshll.u32 s24, $0x6;
	s15 =	sshll.u32 s10, $0x4  }
0xf: {  	s13 =	sshll.u32 s12, $0x4;
	s9 =	sshll.u32 s24, $0x4;
	s5 =	sshll.u32 s5, $0x4  }
0x10: {  	s16 =	sadd.s32 s3, s8;
	s7 =	sand.u32 $0x1FFFFFC0, s17;
	s8 =	sadd.s32 s3, s18  }
0x11: {  	[dreg:$0x9] =	wrdreg s21;
	s25 =	sand.u32 $0x1FFFFFF0, s23;
	s17 =	sand.u32 $0x1FFFFFF0, s13  }
0x12: {  	s18 =	sadd.s32 $0x16E, s6;
	s6 =	sadd.s32 $0x1AB, s6;
	[dreg:$0x5] =	wrdreg s16  }
0x13: {  	s20 =	sand.u32 $0x1FFFFFF0, s9;
	[dreg:$0x6] =	wrdreg s8;
	s7 =	sadd.s32 s3, s7  }
0x14: {  	s8 =	sand.u32 $0x1FFFFFC0, s26;
	s16 =	sshll.u32 s11, $0x6;
	s14 =	sadd.s32 s1, s17  }
0x15: {  	s21 =	sshll.u32 s6, $0x6;
	s24 =	sshll.u32 s18, $0x4;
	s6 =	sshll.u32 s6, $0x4  }
0x16: {  	[dreg:$0x7] =	wrdreg s7;
	s7 =	sand.u32 $0x1FFFFFC0, s19;
	s10 =	sand.u32 $0x1FFFFFC0, s16  }
0x17: {  	s19 =	sshll.u32 s18, $0x6;
	s16 =	sadd.s32 s1, s20;
	s26 =	sand.u32 $0x1FFFFFF0, s6  }
0x18: {  	s7 =	sadd.s32 s3, s7;
	s13 =	sadd.s32 s3, s10;
	s20 =	sadd.s32 s1, s26  }
0x19: {  	[dreg:$0x8] =	wrdreg s7;
	s7 =	sand.u32 $0x1FFFFFC0, s22;
	s22 =	sand.u32 $0x1FFFFFC0, s21  }
0x1a: {  	s21 =	simm.s32 $0x6;
	s7 =	sadd.s32 s3, s7;
	s17 =	sadd.s32 s3, s22  }
0x1b: {  	s22 =	smax.u32 s4, $0x1;
	[dreg:$0xa] =	wrdreg s7;
	s7 =	sadd.s32 s1, s25  }
0x1c: {  	s25 =	sand.u32 $0x1FFFFFF0, s24;
	[dreg:$0xb] =	wrdreg s7;
	s7 =	sadd.s32 s3, s8  }
0x1d: {  	s24 =	simm.s32 $0x5;
	s8 =	sshll.u32 s11, $0x4;
	[dreg:$0xc] =	wrdreg s7  }
.Ltmp0:
0x1e: {  	s7 =	sand.u32 $0x1FFFFFF0, s15;
	s23 =	sand.u32 $0x1FFFFFF0, s8;
	(pc) =	sbr.rel .LBB2_1-.Ltmp0, $4  }
0x1f: {  	s7 =	sadd.s32 s1, s7;
	s18 =	sadd.s32 s1, s23;
	s23 =	simm.s32 $0x7A00  }
0x20: {  	[dreg:$0xd] =	wrdreg s7;
	s7 =	sand.u32 $0x1FFFFFC0, s19;
	s19 =	sadd.s32 s1, s25  }
0x21: {  	s1 =	sadd.s32 s1, s5;
	s25 =	simm.s32 $0x7;
	s15 =	sadd.s32 s3, s7  }
0x22: {  	v0 =	vimm.f32 $0.0e+00;
	[dreg:$0xe] =	wrdreg s1;
	s1 =	simm.s32 $0x3;
	s3 =	simm.s32 $0x0  }
.LBB2_21:
0x23: {  	_ =	swait.ge [sflag:s0], $0x1E80  }
0x24: {  	[sflag:s0] =	ssyncset.done $0x0  }
0x25: {  	[sflag:s0] =	ssyncadd.s32 $0xFFFFE180  }
0x26: {  	_ =	swait.ge [sflag:s24], $0x1E80  }
0x27: {  	[sflag:s24] =	ssyncset.done $0x0  }
0x28: {  	[sflag:s24] =	ssyncadd.s32 $0xFFFFE180  }
.LBB2_22:
0x29: {  	s3 =	sadd.s32 $0x1, s3  }
0x2a: {  	p1 =	sne.s32 s3, s22  }
.Ltmp1:
0x2b: {  	_ = 	snop;
	(pc) =	sbr.rel @!p1 .LBB2_23-.Ltmp1, $1  }
0x2c: {  	_ =	sdelay $0x3  }
.LBB2_1:
0x2d: {  	s4 =	simm.s32 @!p0 $0x0;
	s5 =	simm.s32 @!p0 $0x1B300;
	s6 =	rddreg [dreg:$0x5]  }
0x2e: {  	[tilespmem:s5], [sflag:$0x6] =	stream.linear.gather @!p0 [hbm4b:s6+s4], $0x200, $0x38;
	[tilespmem:$0x1B580] =	vst v63  }
0x2f: {  	s12 =	rddreg [dreg:$0x6]  }
0x30: {  	[tilespmem:s2], [sflag:$0x1] =	stream.linear.gather [hbm4b:s12+s2], $0x7A00, $0x38;
	[tilespmem:$0x1B580] =	vst v63  }
0x31: {  	s26 =	rddreg [dreg:$0x7]  }
0x32: {  	[tilespmem:s23], [sflag:$0x2] =	stream.linear.gather [hbm4b:s26+s2], $0x7A00, $0x38;
	[tilespmem:$0x1B580] =	vst v63  }
0x33: {  	s5 =	rddreg [dreg:$0x4];
	s6 =	simm.s32 $0x1AB00  }
0x34: {  	[tilespmem:s6], [sflag:$0x7] =	stream.linear.gather [hbm4b:s5+s2], $0x600, $0x38;
	[tilespmem:$0x1B580] =	vst v63  }
0x35: {  	_ =	swait.ge [sflag:s25], $0x600  }
0x36: {  	[sflag:s25] =	ssyncset.done $0x0  }
0x37: {  	[sflag:s25] =	ssyncadd.s32 $0xFFFFFA00  }
0x38: {  	v1 =	vld [tilespmem:$0x1AB00]  }
0x39: {  	v2 =	vld [tilespmem:$0x1AB80]  }
0x3a: {  	v3 =	vld [tilespmem:$0x1AC00]  }
0x3b: {  	v4 =	vld [tilespmem:$0x1AC80]  }
0x3c: {  	v5 =	vld [tilespmem:$0x1AD00]  }
0x3d: {  	v6 =	vld [tilespmem:$0x1AD80]  }
0x3e: {  	v7 =	vld [tilespmem:$0x1AE00]  }
0x3f: {  	v8 =	vld [tilespmem:$0x1AE80]  }
0x40: {  	v9 =	vld [tilespmem:$0x1B080]  }
0x41: {  	v10 =	vld [tilespmem:$0x1B000]  }
0x42: {  	s8 =	simm.s32 $0xF400;
	s7 =	rddreg [dreg:$0x8];
	v11 =	vld [tilespmem:$0x1AF80]  }
0x43: {  	v12 =	vld [tilespmem:$0x1AF00];
	[tilespmem:s8], [sflag:$0x3] =	stream.linear.gather [hbm4b:s7+s2], $0x7A00, $0x38  }
0x44: {  	s9 =	simm.s32 $0x20;
	_ =	swait.ge [sflag:s28], $0x7A00  }
0x45: {  	s10 =	sand.u32 $0x7E00, s2;
	s4 =	sand.u32 $0x60, s9;
	[sflag:s28] =	ssyncset.done $0x0  }
0x46: {  	s4 =	sor.u32 s4, s10;
	[sflag:s28] =	ssyncadd.s32 $0xFFFF8600  }
0x47: {  	v13 =	vld [tilespmem:s4+$0x180]  }
0x48: {  	v14 =	vld [tilespmem:s4+$0x100]  }
0x49: {  	v58 =	vimm.s32 $0x0;
	v59 =	vimm.s32 $0x0;
	s26 =	simm.s32 $0x10;
	v15 =	vld [tilespmem:s4+$0x0]  }
0x4a: {  	s6 =	sand.u32 $0x50, s26;
	s7 =	simm.s32 $0x30;
	vm0 =	vlt.f32 v9, $0.0e+00;
	vm1 =	vgt.f32 v9, $0.0e+00;
	vm2 =	vlt.f32 v10, $0.0e+00  }
0x4b: {  	s6 =	sor.u32 s6, s10;
	s7 =	sand.u32 $0x70, s7;
	vm3 =	vgt.f32 v10, $0.0e+00;
	v9 =	vld [tilespmem:s4+$0x80];
	vm4 =	vlt.f32 v12, $0.0e+00;
	vm5 =	vgt.f32 v12, $0.0e+00  }
0x4c: {  	s11 =	simm.s32 $0x0;
	s7 =	sor.u32 s7, s10;
	v55 =	vld [tilespmem:s6+$0x0];
	vm12 =	vmor vm3, vm2;
	vm2 =	vlt.f32 v11, $0.0e+00;
	vm3 =	vgt.f32 v11, $0.0e+00  }
0x4d: {  	s12 =	sand.u32 $0x40, s11;
	v56 =	vld [tilespmem:s7+$0x0];
	vm11 =	vmor vm1, vm0;
	vm1 =	vmor vm5, vm4;
	vm0 =	vmor vm3, vm2  }
0x4e: {  	v57 =	vld [tilespmem:s7+$0x80];
	s4 =	sor.u32 s12, s10;
	vm4 =	vge.f32 v13, v4;
	vm5 =	vge.f32 v15, v1;
	vm6 =	vge.f32 v14, v3  }
0x4f: {  	v10 =	vld [tilespmem:s4+$0x0];
	vm7 =	vle.f32 v13, v8;
	vm8 =	vle.f32 v15, v5;
	v15 =	vsel vm12, $0xFFFFFFFF, v58  }
0x50: {  	v11 =	vld [tilespmem:s4+$0x80];
	vm9 =	vge.f32 v9, v2;
	vm10 =	vle.f32 v9, v6;
	vm5 =	vmand vm5, vm8  }
0x51: {  	v9 =	vld [tilespmem:s6+$0x80];
	[tilespmem:$0x1FFA0] =	vst v15;
	v15 =	vsel vm11, $0xFFFFFFFF, v59;
	vm8 =	vmand vm9, vm10;
	vm9 =	vle.f32 v14, v7  }
0x52: {  	vm5 =	vmxor vm1, vm5;
	vm8 =	vmxor vm0, vm8;
	vm6 =	vmand vm6, vm9  }
0x53: {  	vm4 =	vmand vm4, vm7;
	[tilespmem:$0x1FFB0] =	vst v15;
	vm5 =	vmand vm5, vm8;
	vm6 =	vmxor vm12, vm6  }
0x54: {  	vm7 =	vge.f32 v10, v1;
	vm5 =	vmand vm5, vm6;
	vm6 =	vle.f32 v10, v5;
	v10 =	vld [tilespmem:s6+$0x100];
	_ =	sdelay $0x3  }
0x55: {  	vm4 =	vmxor vm11, vm4;
	vm10 =	vge.f32 v9, v2  }
0x56: {  	vm11 =	vle.f32 v9, v6;
	v9 =	vimm.s32 $0x0;
	vm2 =	vle.f32 v10, v7  }
0x57: {  	vm13 =	vle.f32 v56, v5;
	v15 =	vld [tilespmem:s4+$0x100];
	vm12 =	vge.f32 v56, v1;
	v9 =	vsel vm2, $0xFFFFFFFF, v9  }
0x58: {  	v16 =	vld [tilespmem:s7+$0x100];
	vm2 =	vmand vm12, vm13;
	[tilespmem:$0x1FFC0] =	vst v9;
	v9 =	vimm.s32 $0x0  }
0x59: {  	v9 =	vsel vm2, $0xFFFFFFFF, v9  }
0x5a: {  	v61 =	vimm.s32 $0x0;
	vm4 =	vmand vm5, vm4;
	[tilespmem:$0x1FFE0] =	vst v9  }
0x5b: {  	vm8 =	vge.f32 v11, v2;
	vm5 =	vle.f32 v11, v6;
	v11 =	vsel vm4, $0x3F800000, v0;
	v9 =	vld [tilespmem:s4+$0x180];
	s4 =	simm.s32 $0x0  }
0x5c: {  	v63 =	vimm.s32 $0x0;
	v12 =	vsel vm1, $0xFFFFFFFF, v61;
	vm14 =	vge.f32 v57, v2;
	[tilespmem:s4+$0x16E20] =	vst v11  }
0x5d: {  	vm9 =	vge.f32 v55, v1;
	vm6 =	vmand vm7, vm6;
	vm7 =	vle.f32 v57, v6;
	v60 =	vld [tilespmem:$0x1FFC0]  }
0x5e: {  	vm4 =	vle.f32 v55, v5;
	vm5 =	vmand vm8, vm5;
	vm11 =	vmand vm10, vm11;
	v62 =	vld [tilespmem:$0x1FFE0]  }
0x5f: {  	vm6 =	vmxor vm1, vm6;
	vm15 =	vge.f32 v15, v3;
	vm9 =	vmand vm9, vm4  }
0x60: {  	vm4 =	vle.f32 v15, v7;
	vm8 =	vge.f32 v16, v3;
	vm10 =	vmxor vm1, vm9  }
0x61: {  	vm3 =	vge.f32 v10, v3;
	vm13 =	vle.f32 v16, v7;
	vm2 =	vmand vm14, vm7  }
0x62: {  	vm7 =	vmxor vm0, vm5;
	vm14 =	vmand vm15, vm4;
	v10 =	vld [tilespmem:s6+$0x180];
	vm4 =	vnez.u8 v60  }
0x63: {  	v11 =	vld [tilespmem:s7+$0x180];
	[tilespmem:$0x1FFD0] =	vst v12;
	v12 =	vsel vm0, $0xFFFFFFFF, v63;
	vm5 =	vmand vm3, vm4;
	vm3 =	vnez.u8 v62  }
0x64: {  	s5 =	simm.s32 $0x0;
	vm12 =	vmxor vm0, vm11;
	vm11 =	vmxor vm0, vm2;
	s6 =	simm.s32 $0x70;
	s7 =	simm.s32 $0x0;
	[tilespmem:$0x1FFF0] =	vst v12;
	vm9 =	vmxor vm1, vm3  }
.LBB2_2:
0x65: {  	_ =	sdelay $0x1  }
0x66: {  	vm0 =	vge.f32 v10, v4;
	vm1 =	vle.f32 v10, v8;
	v10 =	vld [tilespmem:$0x1FFA0];
	_ =	sdelay $0x1  }
0x67: {  	v13 =	vld [tilespmem:$0x1FFB0]  }
0x68: {  	s9 =	sadd.s32 $0xFFFFFFF0, s6;
	s7 =	sadd.s32 $0x100, s7;
	vm8 =	vmand vm8, vm13;
	vm6 =	vmand vm6, vm7  }
0x69: {  	vm7 =	vmand vm10, vm12;
	s11 =	sand.u32 $0x7E00, s7;
	s9 =	sand.u32 $0x60, s9;
	vm2 =	vge.f32 v9, v4;
	vm15 =	vle.f32 v9, v8  }
0x6a: {  	s26 =	sor.u32 s9, s11;
	vm13 =	vge.f32 v11, v4;
	vm10 =	vle.f32 v11, v8;
	vm12 =	vnez.u8 v10  }
0x6b: {  	v9 =	vld [tilespmem:s26+$0x180];
	vm0 =	vmand vm0, vm1;
	vm4 =	vmxor vm12, vm14;
	vm5 =	vmxor vm12, vm5  }
0x6c: {  	vm4 =	vmand vm6, vm4;
	vm6 =	vmand vm13, vm10;
	vm10 =	vnez.u8 v13  }
0x6d: {  	vm5 =	vmand vm7, vm5;
	vm0 =	vmxor vm10, vm0  }
0x6e: {  	vm9 =	vmand vm9, vm11;
	vm1 =	vmxor vm12, vm8;
	vm0 =	vmand vm5, vm0  }
0x6f: {  	vm1 =	vmand vm9, vm1;
	vm5 =	vmxor vm10, vm6;
	v16 =	vsel vm0, $0x3F800000, v0  }
0x70: {  	vm0 =	vmand vm1, vm5;
	vm1 =	vge.f32 v9, v4;
	vm5 =	vle.f32 v9, v8;
	v9 =	vld [tilespmem:$0x1FFD0]  }
0x71: {  	v12 =	vld [tilespmem:s26+$0x80]  }
0x72: {  	v11 =	vld [tilespmem:s26+$0x0];
	_ =	sdelay $0x1  }
0x73: {  	s10 =	sadd.s32 $0xFFFFFFD0, s6;
	v10 =	vld [tilespmem:s26+$0x100]  }
0x74: {  	s10 =	sand.u32 $0x40, s10;
	vm11 =	vmand vm2, vm15;
	vm3 =	vnez.u8 v9;
	v9 =	vld [tilespmem:$0x1FFF0]  }
0x75: {  	s8 =	sadd.s32 $0xFFFFFFE0, s6;
	s10 =	sor.u32 s10, s11;
	vm7 =	vmxor vm10, vm11  }
0x76: {  	s8 =	sand.u32 $0x50, s8;
	v59 =	vld [tilespmem:s10+$0x0];
	vm8 =	vle.f32 v12, v6;
	vm4 =	vmand vm4, vm7;
	vm6 =	vle.f32 v11, v5  }
0x77: {  	s8 =	sor.u32 s8, s11;
	v14 =	vld [tilespmem:s10+$0x80];
	vm7 =	vge.f32 v12, v2;
	v60 =	vsel vm0, $0x3F800000, v0;
	vm0 =	vge.f32 v11, v1  }
0x78: {  	s12 =	sand.u32 $0x70, s6;
	v18 =	vld [tilespmem:s8+$0x80];
	v15 =	vsel vm4, $0x3F800000, v0;
	vm4 =	vge.f32 v10, v3;
	vm0 =	vmand vm0, vm6  }
0x79: {  	s12 =	sor.u32 s12, s11;
	v17 =	vld [tilespmem:s8+$0x0];
	vm6 =	vmand vm7, vm8;
	vm7 =	vle.f32 v10, v7;
	vm2 =	vnez.u8 v9  }
0x7a: {  	v61 =	vld [tilespmem:s12+$0x0];
	[tilespmem:s4+$0x16E00] =	vst v15;
	vm4 =	vmand vm4, vm7;
	vm0 =	vmxor vm3, vm0;
	vm6 =	vmxor vm2, vm6  }
0x7b: {  	vm1 =	vmand vm1, vm5;
	[tilespmem:s4+$0x16E30] =	vst v60;
	v62 =	vld [tilespmem:s10+$0x100];
	vm4 =	vmxor vm12, vm4;
	vm0 =	vmand vm0, vm6  }
0x7c: {  	v63 =	vimm.s32 $0x0;
	vm1 =	vmxor vm10, vm1;
	v15 =	vld [tilespmem:s12+$0x80];
	vm0 =	vmand vm0, vm4  }
0x7d: {  	vm13 =	vge.f32 v14, v2;
	vm9 =	vle.f32 v18, v6;
	v20 =	vld [tilespmem:s12+$0x100];
	vm0 =	vmand vm0, vm1  }
0x7e: {  	[tilespmem:s4+$0x16E10] =	vst v16;
	vm7 =	vge.f32 v17, v1;
	v11 =	vsel vm0, $0x3F800000, v0;
	vm0 =	vle.f32 v17, v5  }
0x7f: {  	vm11 =	vle.f32 v61, v5;
	vm5 =	vge.f32 v59, v1;
	v19 =	vld [tilespmem:s8+$0x100];
	vm0 =	vmand vm7, vm0  }
0x80: {  	vm8 =	vge.f32 v18, v2;
	vm10 =	vge.f32 v61, v1;
	v12 =	vsel vm0, $0xFFFFFFFF, v63  }
0x81: {  	vm9 =	vmand vm8, vm9;
	vm11 =	vmand vm10, vm11;
	vm14 =	vge.f32 v62, v3;
	[tilespmem:$0x1FF90] =	vst v12  }
0x82: {  	s5 =	sadd.s32 $0x4, s5;
	vm15 =	vle.f32 v62, v7;
	vm12 =	vge.f32 v15, v2;
	vm8 =	vge.f32 v20, v3;
	v12 =	vld [tilespmem:$0x1FF90]  }
0x83: {  	p1 =	slt.u32 s5, $0x1E4;
	vm14 =	vmand vm14, vm15;
	vm4 =	vle.f32 v59, v5;
	vm1 =	vle.f32 v14, v6  }
.Ltmp2:
0x84: {  	vm6 =	vmand vm5, vm4;
	vm5 =	vle.f32 v15, v6;
	vm4 =	vge.f32 v19, v3;
	(pc) =	sbr.rel @p1 .LBB2_2-.Ltmp2, $4  }
0x85: {  	vm13 =	vmand vm13, vm1;
	vm1 =	vle.f32 v19, v7;
	vm6 =	vmxor vm3, vm6  }
0x86: {  	v10 =	vld [tilespmem:s8+$0x180];
	vm7 =	vmxor vm2, vm13;
	vm13 =	vle.f32 v20, v7;
	vm0 =	vmand vm12, vm5  }
0x87: {  	s4 =	sshra.s32 s7, $0x2;
	v9 =	vld [tilespmem:s10+$0x180];
	vm12 =	vmxor vm2, vm9;
	vm9 =	vmxor vm3, vm11;
	vm5 =	vnez.u8 v12  }
0x88: {  	s6 =	sadd.s32 $0x40, s6;
	[tilespmem:s4+$0x16E20] =	vst v11;
	v11 =	vld [tilespmem:s12+$0x180];
	vm11 =	vmxor vm2, vm0;
	vm10 =	vmxor vm3, vm5;
	vm5 =	vmand vm4, vm1  }
0x89: {  	_ =	sdelay $0x2  }
0x8a: {  	vm1 =	vge.f32 v9, v4;
	vm3 =	vle.f32 v9, v8;
	v9 =	vld [tilespmem:$0x1FFA0];
	_ =	sdelay $0x4  }
0x8b: {  	vm2 =	vmand vm6, vm7;
	vm6 =	vmand vm10, vm12;
	vm10 =	vnez.u8 v9;
	v9 =	vld [tilespmem:$0x1FFB0]  }
0x8c: {  	vm0 =	vmand vm8, vm13  }
0x8d: {  	vm8 =	vmand vm9, vm11;
	vm7 =	vge.f32 v10, v4;
	vm9 =	vle.f32 v10, v8  }
0x8e: {  	vm7 =	vmand vm7, vm9;
	vm1 =	vmand vm1, vm3;
	vm3 =	vge.f32 v11, v4  }
0x8f: {  	vm9 =	vle.f32 v11, v8;
	vm4 =	vmxor vm10, vm14;
	vm5 =	vmxor vm10, vm5  }
0x90: {  	vm2 =	vmand vm2, vm4;
	vm4 =	vmand vm6, vm5;
	vm6 =	vnez.u8 v9  }
0x91: {  	vm3 =	vmand vm3, vm9;
	vm0 =	vmxor vm10, vm0;
	vm1 =	vmxor vm6, vm1  }
0x92: {  	vm0 =	vmand vm8, vm0;
	vm5 =	vmxor vm6, vm7;
	vm1 =	vmand vm2, vm1  }
0x93: {  	vm3 =	vmxor vm6, vm3;
	vm2 =	vmand vm4, vm5;
	v9 =	vsel vm1, $0x3F800000, v0  }
0x94: {  	vm0 =	vmand vm0, vm3;
	v10 =	vsel vm2, $0x3F800000, v0;
	[tilespmem:s4+$0x16E00] =	vst v9  }
0x95: {  	v9 =	vsel vm0, $0x3F800000, v0;
	[tilespmem:s4+$0x16E10] =	vst v10  }
0x96: {  	[tilespmem:s4+$0x16E30] =	vst v9  }
0x97: {  	s5 =	simm.s32 $0x0;
	s4 =	rddreg [dreg:$0x9]  }
0x98: {  	[hbm4b:s4+s5] =	stream.linear.scatter [tilespmem:s29], [sflag:$0x4], $0x1E80, $0x38;
	[tilespmem:$0x1B580] =	vst v63  }
0x99: {  	s12 =	rddreg [dreg:$0xa]  }
0x9a: {  	[tilespmem:s5], [sflag:$0x1] =	stream.linear.gather [hbm4b:s12+s5], $0x7A00, $0x38;
	[tilespmem:$0x1B580] =	vst v63  }
0x9b: {  	s4 =	simm.s32 $0x30;
	s5 =	sand.u32 $0x7E00, s5;
	_ =	swait.ge [sflag:s30], $0x7A00  }
0x9c: {  	s6 =	sand.u32 $0x70, s4;
	s5 =	sadd.s32 $0x7A00, s5;
	[sflag:s30] =	ssyncset.done $0x0;
	v58 =	vld [tilespmem:$0x1FFD0]  }
0x9d: {  	s6 =	sor.u32 s6, s5;
	v59 =	vld [tilespmem:$0x1FFF0];
	[sflag:s30] =	ssyncadd.s32 $0xFFFF8600  }
0x9e: {  	v9 =	vld [tilespmem:s6+$0x180]  }
0x9f: {  	s8 =	simm.s32 $0x20;
	v10 =	vld [tilespmem:s6+$0x100]  }
0xa0: {  	s8 =	sand.u32 $0x60, s8;
	v11 =	vld [tilespmem:s6+$0x0]  }
0xa1: {  	s8 =	sor.u32 s8, s5;
	v12 =	vld [tilespmem:s6+$0x80]  }
0xa2: {  	v60 =	vld [tilespmem:s8+$0x0]  }
0xa3: {  	v16 =	vld [tilespmem:s8+$0x100]  }
0xa4: {  	s26 =	simm.s32 $0x0;
	vm7 =	vmmov vm6;
	vm15 =	vnez.u8 v58;
	vm14 =	vnez.u8 v59  }
0xa5: {  	s6 =	sand.u32 $0x40, s26;
	vm0 =	vge.f32 v9, v4;
	vm1 =	vge.f32 v11, v1;
	vm2 =	vge.f32 v10, v3  }
0xa6: {  	s6 =	sor.u32 s6, s5;
	vm3 =	vle.f32 v9, v8;
	vm4 =	vle.f32 v11, v5;
	vm5 =	vge.f32 v12, v2  }
0xa7: {  	s7 =	simm.s32 $0x10;
	v13 =	vld [tilespmem:s6+$0x0];
	vm6 =	vle.f32 v12, v6;
	vm8 =	vge.f32 v60, v1;
	vm9 =	vle.f32 v60, v5  }
0xa8: {  	s7 =	sand.u32 $0x50, s7;
	v14 =	vld [tilespmem:s8+$0x80];
	vm11 =	vge.f32 v16, v3;
	vm13 =	vle.f32 v16, v7;
	vm1 =	vmand vm1, vm4  }
0xa9: {  	s7 =	sor.u32 s7, s5;
	v9 =	vld [tilespmem:s6+$0x80];
	vm4 =	vmand vm5, vm6;
	vm5 =	vle.f32 v10, v7;
	vm0 =	vmand vm0, vm3  }
0xaa: {  	v11 =	vld [tilespmem:s7+$0x0];
	vm1 =	vmxor vm15, vm1;
	vm4 =	vmxor vm14, vm4;
	vm2 =	vmand vm2, vm5  }
0xab: {  	v10 =	vld [tilespmem:s7+$0x80];
	vm8 =	vmand vm8, vm9;
	vm1 =	vmand vm1, vm4;
	vm2 =	vmxor vm10, vm2  }
0xac: {  	vm3 =	vge.f32 v13, v1;
	vm0 =	vmxor vm7, vm0;
	vm1 =	vmand vm1, vm2  }
0xad: {  	v61 =	vld [tilespmem:s6+$0x100];
	vm8 =	vmxor vm15, vm8;
	vm2 =	vle.f32 v13, v5;
	vm0 =	vmand vm1, vm0  }
0xae: {  	s5 =	simm.s32 $0x0;
	vm4 =	vge.f32 v9, v2;
	vm1 =	vle.f32 v9, v6;
	v15 =	vsel vm0, $0x3F800000, v0  }
0xaf: {  	vm5 =	vge.f32 v11, v1;
	v9 =	vld [tilespmem:s7+$0x100];
	vm2 =	vmand vm3, vm2;
	vm3 =	vge.f32 v14, v2;
	[tilespmem:s5+$0x18CB0] =	vst v15  }
0xb0: {  	vm0 =	vle.f32 v11, v5;
	vm6 =	vge.f32 v10, v2;
	vm7 =	vle.f32 v10, v6;
	v62 =	vld [tilespmem:$0x1FFB0]  }
0xb1: {  	vm1 =	vmand vm4, vm1;
	vm4 =	vle.f32 v14, v6;
	vm2 =	vmxor vm15, vm2;
	v63 =	vld [tilespmem:$0x1FFA0]  }
0xb2: {  	vm0 =	vmand vm5, vm0;
	vm10 =	vmand vm6, vm7;
	vm5 =	vge.f32 v61, v3  }
0xb3: {  	vm6 =	vle.f32 v61, v7;
	vm3 =	vmand vm3, vm4;
	vm1 =	vmxor vm14, vm1  }
0xb4: {  	v11 =	vld [tilespmem:s6+$0x180];
	vm4 =	vmand vm5, vm6;
	vm9 =	vge.f32 v9, v3;
	vm12 =	vle.f32 v9, v7  }
0xb5: {  	v10 =	vld [tilespmem:s7+$0x180];
	vm5 =	vmand vm9, vm12;
	vm9 =	vmxor vm15, vm0;
	vm12 =	vmxor vm14, vm10  }
0xb6: {  	s6 =	simm.s32 $0x0;
	s7 =	simm.s32 $0x100;
	v9 =	vld [tilespmem:s8+$0x180];
	vm10 =	vmxor vm14, vm3;
	vm15 =	vnez.u8 v62;
	vm14 =	vnez.u8 v63  }
.LBB2_4:
0xb7: {  	_ =	sdelay $0x1  }
0xb8: {  	v12 =	vimm.s32 $0x0;
	vm3 =	vmand vm11, vm13;
	vm0 =	vge.f32 v11, v4  }
0xb9: {  	v12 =	vsel vm0, $0xFFFFFFFF, v12;
	vm0 =	vle.f32 v11, v8;
	v11 =	vimm.s32 $0x0  }
0xba: {  	[tilespmem:$0x1FF70] =	vst v12;
	v11 =	vsel vm3, $0xFFFFFFFF, v11  }
0xbb: {  	[tilespmem:$0x1FF80] =	vst v11;
	v11 =	vld [tilespmem:$0x1FF70];
	_ =	sdelay $0x3  }
0xbc: {  	vm6 =	vmand vm2, vm1  }
0xbd: {  	s8 =	sand.u32 $0x7E00, s7;
	s4 =	sadd.s32 $0x40, s4;
	vm7 =	vmand vm9, vm12;
	vm4 =	vmxor vm14, vm4;
	vm1 =	vnez.u8 v11;
	v11 =	vld [tilespmem:$0x1FF80]  }
0xbe: {  	vm5 =	vmxor vm14, vm5;
	vm8 =	vmand vm8, vm10;
	s8 =	sadd.s32 $0x7A00, s8;
	s10 =	sand.u32 $0x70, s4;
	vm11 =	vle.f32 v10, v8  }
0xbf: {  	s11 =	sadd.s32 $0xFFFFFFD0, s4;
	s26 =	sor.u32 s10, s8;
	vm13 =	vge.f32 v9, v4;
	vm9 =	vle.f32 v9, v8;
	vm3 =	vge.f32 v10, v4  }
0xc0: {  	s11 =	sand.u32 $0x40, s11;
	v9 =	vld [tilespmem:s26+$0x180];
	vm0 =	vmand vm1, vm0;
	vm1 =	vmand vm3, vm11;
	vm3 =	vmand vm6, vm4  }
0xc1: {  	s9 =	sadd.s32 $0xFFFFFFE0, s4;
	s10 =	sor.u32 s11, s8;
	v56 =	vld [tilespmem:s26+$0x80];
	vm4 =	vmand vm7, vm5;
	vm5 =	vmand vm13, vm9;
	vm0 =	vmxor vm15, vm0  }
0xc2: {  	s9 =	sand.u32 $0x50, s9;
	v13 =	vld [tilespmem:s10+$0x0];
	vm1 =	vmxor vm15, vm1;
	vm0 =	vmand vm3, vm0;
	vm2 =	vnez.u8 v11  }
0xc3: {  	s12 =	sadd.s32 $0xFFFFFFF0, s4;
	s11 =	sor.u32 s9, s8;
	v14 =	vld [tilespmem:s10+$0x80];
	vm1 =	vmand vm4, vm1;
	vm3 =	vmxor vm15, vm5;
	vm2 =	vmxor vm14, vm2  }
0xc4: {  	s12 =	sand.u32 $0x60, s12;
	v18 =	vld [tilespmem:s11+$0x80];
	v15 =	vsel vm0, $0x3F800000, v0;
	v16 =	vsel vm1, $0x3F800000, v0;
	vm2 =	vmand vm8, vm2  }
0xc5: {  	s8 =	sor.u32 s12, s8;
	vm1 =	vge.f32 v9, v4;
	vm0 =	vmand vm2, vm3;
	vm3 =	vle.f32 v9, v8;
	v9 =	vld [tilespmem:$0x1FFD0]  }
0xc6: {  	v58 =	vld [tilespmem:s8+$0x0]  }
0xc7: {  	v10 =	vld [tilespmem:s26+$0x100]  }
0xc8: {  	v11 =	vld [tilespmem:s26+$0x0];
	[tilespmem:s5+$0x18C80] =	vst v15  }
0xc9: {  	vm6 =	vle.f32 v56, v6;
	v60 =	vld [tilespmem:s10+$0x100]  }
0xca: {  	vm11 =	vge.f32 v18, v2;
	vm13 =	vle.f32 v18, v6;
	vm7 =	vnez.u8 v9;
	v9 =	vld [tilespmem:$0x1FFF0]  }
0xcb: {  	vm9 =	vle.f32 v58, v5;
	vm5 =	vge.f32 v56, v2;
	v57 =	vsel vm0, $0x3F800000, v0  }
0xcc: {  	v17 =	vld [tilespmem:s11+$0x0];
	vm8 =	vge.f32 v58, v1;
	vm2 =	vge.f32 v10, v3;
	vm1 =	vmand vm1, vm3;
	[tilespmem:s5+$0x18CA0] =	vst v57  }
0xcd: {  	vm3 =	vge.f32 v13, v1;
	vm0 =	vge.f32 v11, v1;
	vm4 =	vle.f32 v11, v5;
	v59 =	vld [tilespmem:s8+$0x80]  }
0xce: {  	vm1 =	vmxor vm15, vm1;
	vm0 =	vmand vm0, vm4;
	vm4 =	vmand vm5, vm6  }
0xcf: {  	vm5 =	vle.f32 v10, v7;
	vm15 =	vle.f32 v60, v7;
	vm6 =	vnez.u8 v9  }
0xd0: {  	[tilespmem:s5+$0x18C90] =	vst v16;
	vm2 =	vmand vm2, vm5;
	vm0 =	vmxor vm7, vm0;
	vm4 =	vmxor vm6, vm4  }
0xd1: {  	v19 =	vld [tilespmem:s11+$0x100];
	vm5 =	vge.f32 v17, v1;
	vm2 =	vmxor vm14, vm2;
	vm0 =	vmand vm0, vm4  }
0xd2: {  	v20 =	vld [tilespmem:s8+$0x100];
	vm14 =	vge.f32 v60, v3;
	vm10 =	vge.f32 v59, v2;
	vm0 =	vmand vm0, vm2  }
0xd3: {  	vm4 =	vge.f32 v14, v2;
	vm2 =	vle.f32 v13, v5;
	vm0 =	vmand vm0, vm1  }
0xd4: {  	vm1 =	vle.f32 v14, v6;
	vm2 =	vmand vm3, vm2;
	vm3 =	vle.f32 v59, v6  }
0xd5: {  	s6 =	sadd.s32 $0x4, s6;
	v62 =	vld [tilespmem:$0x1FFA0];
	v61 =	vsel vm0, $0x3F800000, v0;
	vm0 =	vle.f32 v17, v5;
	vm1 =	vmand vm4, vm1  }
0xd6: {  	v63 =	vld [tilespmem:$0x1FFB0];
	p1 =	slt.u32 s6, $0x1E4;
	vm4 =	vmand vm11, vm13;
	vm3 =	vmand vm10, vm3;
	vm10 =	vge.f32 v19, v3  }
.Ltmp3:
0xd7: {  	vm11 =	vge.f32 v20, v3;
	vm2 =	vmxor vm7, vm2;
	vm13 =	vle.f32 v20, v7;
	(pc) =	sbr.rel @p1 .LBB2_4-.Ltmp3, $4  }
0xd8: {  	vm12 =	vmand vm5, vm0;
	vm5 =	vmand vm8, vm9;
	vm0 =	vle.f32 v19, v7  }
0xd9: {  	v11 =	vld [tilespmem:s10+$0x180];
	vm1 =	vmxor vm6, vm1;
	vm9 =	vmxor vm7, vm12;
	vm12 =	vmxor vm6, vm4  }
0xda: {  	s5 =	sshra.s32 s7, $0x2;
	v10 =	vld [tilespmem:s11+$0x180];
	vm8 =	vmxor vm7, vm5;
	vm4 =	vmand vm14, vm15;
	vm14 =	vnez.u8 v62  }
0xdb: {  	s7 =	sadd.s32 $0x100, s7;
	v9 =	vld [tilespmem:s8+$0x180];
	[tilespmem:s5+$0x18CB0] =	vst v61;
	vm15 =	vnez.u8 v63;
	vm5 =	vmand vm10, vm0;
	vm10 =	vmxor vm6, vm3  }
0xdc: {  	vm0 =	vmand vm11, vm13  }
0xdd: {  	vm2 =	vmand vm2, vm1;
	vm6 =	vmand vm9, vm12;
	vm8 =	vmand vm8, vm10  }
0xde: {  	vm4 =	vmxor vm14, vm4;
	vm5 =	vmxor vm14, vm5;
	vm0 =	vmxor vm14, vm0  }
0xdf: {  	vm2 =	vmand vm2, vm4;
	vm4 =	vmand vm6, vm5;
	vm11 =	vge.f32 v11, v4  }
0xe0: {  	vm3 =	vle.f32 v11, v8;
	vm0 =	vmand vm8, vm0;
	vm7 =	vge.f32 v10, v4  }
0xe1: {  	vm9 =	vle.f32 v10, v8;
	vm1 =	vmand vm11, vm3;
	vm3 =	vge.f32 v9, v4  }
0xe2: {  	vm7 =	vmand vm7, vm9;
	vm9 =	vle.f32 v9, v8;
	vm1 =	vmxor vm15, vm1  }
0xe3: {  	vm3 =	vmand vm3, vm9;
	vm5 =	vmxor vm15, vm7;
	vm1 =	vmand vm2, vm1  }
0xe4: {  	vm2 =	vmand vm4, vm5;
	vm3 =	vmxor vm15, vm3;
	v9 =	vsel vm1, $0x3F800000, v0  }
0xe5: {  	v10 =	vsel vm2, $0x3F800000, v0;
	vm0 =	vmand vm0, vm3;
	[tilespmem:s5+$0x18C80] =	vst v9  }
0xe6: {  	v9 =	vsel vm0, $0x3F800000, v0;
	[tilespmem:s5+$0x18C90] =	vst v10  }
0xe7: {  	[tilespmem:s5+$0x18CA0] =	vst v9  }
0xe8: {  	s11 =	simm.s32 $0x0;
	s4 =	rddreg [dreg:$0xb]  }
0xe9: {  	[hbm4b:s4+s11] =	stream.linear.scatter [tilespmem:s31], [sflag:$0x5], $0x1E80, $0x38;
	[tilespmem:$0x1B580] =	vst v63  }
0xea: {  	s12 =	rddreg [dreg:$0xc]  }
0xeb: {  	[tilespmem:s23], [sflag:$0x2] =	stream.linear.gather [hbm4b:s12+s11], $0x7A00, $0x38;
	[tilespmem:$0x1B580] =	vst v63  }
0xec: {  	_ =	swait.ge [sflag:s1], $0x7A00  }
0xed: {  	[sflag:s1] =	ssyncset.done $0x0  }
0xee: {  	[sflag:s1] =	ssyncadd.s32 $0xFFFF8600  }
0xef: {  	s5 =	sand.u32 $0x7E00, s11;
	s4 =	simm.s32 $0x30;
	_ =	swait.ge [sflag:s0], $0x1E80  }
0xf0: {  	s5 =	sadd.s32 $0xF400, s5;
	s6 =	sand.u32 $0x70, s4;
	[sflag:s0] =	ssyncset.done $0x0  }
0xf1: {  	s6 =	sor.u32 s6, s5;
	v60 =	vld [tilespmem:$0x1FFD0];
	[sflag:s0] =	ssyncadd.s32 $0xFFFFE180  }
0xf2: {  	v9 =	vld [tilespmem:s6+$0x180]  }
0xf3: {  	s8 =	simm.s32 $0x20;
	v10 =	vld [tilespmem:s6+$0x100]  }
0xf4: {  	s8 =	sand.u32 $0x60, s8;
	v11 =	vld [tilespmem:s6+$0x0]  }
0xf5: {  	s8 =	sor.u32 s8, s5;
	v12 =	vld [tilespmem:s6+$0x80]  }
0xf6: {  	v62 =	vld [tilespmem:s8+$0x0]  }
0xf7: {  	v16 =	vld [tilespmem:s8+$0x100]  }
0xf8: {  	s26 =	simm.s32 $0x0;
	vm10 =	vnez.u8 v60  }
0xf9: {  	v61 =	vld [tilespmem:$0x1FFF0];
	s6 =	sand.u32 $0x40, s26;
	vm0 =	vge.f32 v9, v4;
	vm1 =	vge.f32 v11, v1;
	vm2 =	vge.f32 v10, v3  }
0xfa: {  	s6 =	sor.u32 s6, s5;
	vm3 =	vle.f32 v9, v8;
	vm4 =	vle.f32 v11, v5;
	vm5 =	vge.f32 v12, v2  }
0xfb: {  	s7 =	simm.s32 $0x10;
	v13 =	vld [tilespmem:s6+$0x0];
	vm6 =	vle.f32 v12, v6;
	vm8 =	vge.f32 v62, v1;
	vm9 =	vle.f32 v62, v5  }
0xfc: {  	s7 =	sand.u32 $0x50, s7;
	vm11 =	vge.f32 v16, v3;
	vm13 =	vle.f32 v16, v7;
	vm1 =	vmand vm1, vm4  }
0xfd: {  	s7 =	sor.u32 s7, s5;
	v9 =	vld [tilespmem:s6+$0x80];
	vm4 =	vmand vm5, vm6;
	vm5 =	vle.f32 v10, v7;
	vm6 =	vmmov vm14  }
0xfe: {  	v11 =	vld [tilespmem:s7+$0x0];
	vm14 =	vnez.u8 v61;
	vm0 =	vmand vm0, vm3;
	vm8 =	vmand vm8, vm9  }
0xff: {  	v14 =	vld [tilespmem:s8+$0x80];
	vm1 =	vmxor vm10, vm1;
	vm4 =	vmxor vm14, vm4;
	vm2 =	vmand vm2, vm5  }
0x100: {  	v10 =	vld [tilespmem:s7+$0x80];
	vm3 =	vge.f32 v13, v1;
	vm1 =	vmand vm1, vm4;
	vm2 =	vmxor vm6, vm2  }
0x101: {  	vm0 =	vmxor vm15, vm0;
	vm8 =	vmxor vm10, vm8;
	vm1 =	vmand vm1, vm2  }
0x102: {  	v63 =	vld [tilespmem:s6+$0x100];
	vm2 =	vle.f32 v13, v5;
	vm4 =	vge.f32 v9, v2;
	vm0 =	vmand vm1, vm0  }
0x103: {  	vm1 =	vle.f32 v9, v6;
	vm5 =	vge.f32 v11, v1;
	v9 =	vld [tilespmem:s7+$0x100];
	vm2 =	vmand vm3, vm2  }
0x104: {  	vm3 =	vge.f32 v14, v2;
	v15 =	vsel vm0, $0x3F800000, v0;
	vm0 =	vle.f32 v11, v5  }
0x105: {  	vm6 =	vge.f32 v10, v2;
	vm7 =	vle.f32 v10, v6;
	vm1 =	vmand vm4, vm1  }
0x106: {  	vm4 =	vle.f32 v14, v6;
	vm2 =	vmxor vm10, vm2;
	vm0 =	vmand vm5, vm0  }
0x107: {  	vm7 =	vmand vm6, vm7;
	vm5 =	vge.f32 v63, v3;
	vm6 =	vle.f32 v63, v7  }
0x108: {  	v11 =	vld [tilespmem:s6+$0x180];
	vm3 =	vmand vm3, vm4;
	vm9 =	vge.f32 v9, v3;
	vm12 =	vle.f32 v9, v7  }
0x109: {  	s5 =	simm.s32 $0x0;
	v10 =	vld [tilespmem:s7+$0x180];
	vm1 =	vmxor vm14, vm1;
	vm4 =	vmand vm5, vm6;
	vm5 =	vmand vm9, vm12  }
0x10a: {  	s6 =	simm.s32 $0x0;
	s7 =	simm.s32 $0x100;
	[tilespmem:s5+$0x16E30] =	vst v15;
	v9 =	vld [tilespmem:s8+$0x180];
	vm9 =	vmxor vm10, vm0;
	vm12 =	vmxor vm14, vm7;
	vm10 =	vmxor vm14, vm3  }
.LBB2_6:
0x10b: {  	_ =	sdelay $0x1  }
0x10c: {  	v12 =	vimm.s32 $0x0;
	vm14 =	vmand vm11, vm13;
	vm0 =	vge.f32 v11, v4  }
0x10d: {  	vm3 =	vge.f32 v10, v4;
	vm11 =	vle.f32 v10, v8;
	v10 =	vld [tilespmem:$0x1FFA0];
	v12 =	vsel vm0, $0xFFFFFFFF, v12  }
0x10e: {  	[tilespmem:$0x1FF60] =	vst v12  }
0x10f: {  	vm0 =	vle.f32 v11, v8;
	v11 =	vld [tilespmem:$0x1FF60];
	_ =	sdelay $0x1  }
0x110: {  	s8 =	sand.u32 $0x7E00, s7;
	s4 =	sadd.s32 $0x40, s4;
	vm6 =	vmand vm2, vm1;
	vm7 =	vmand vm9, vm12  }
0x111: {  	vm8 =	vmand vm8, vm10;
	s8 =	sadd.s32 $0xF400, s8;
	s10 =	sand.u32 $0x70, s4;
	vm13 =	vge.f32 v9, v4;
	vm12 =	vnez.u8 v10  }
0x112: {  	s11 =	sadd.s32 $0xFFFFFFD0, s4;
	s26 =	sor.u32 s10, s8;
	vm9 =	vle.f32 v9, v8;
	vm4 =	vmxor vm12, vm4;
	vm2 =	vmxor vm12, vm14  }
0x113: {  	s9 =	sadd.s32 $0xFFFFFFE0, s4;
	s11 =	sand.u32 $0x40, s11;
	v9 =	vld [tilespmem:s26+$0x180];
	vm5 =	vmxor vm12, vm5;
	vm2 =	vmand vm8, vm2;
	vm1 =	vnez.u8 v11  }
0x114: {  	s12 =	sadd.s32 $0xFFFFFFF0, s4;
	s9 =	sand.u32 $0x50, s9;
	s10 =	sor.u32 s11, s8;
	v57 =	vld [tilespmem:s26+$0x80];
	vm0 =	vmand vm1, vm0;
	vm1 =	vmand vm3, vm11;
	vm3 =	vmand vm6, vm4  }
0x115: {  	s12 =	sand.u32 $0x60, s12;
	s11 =	sor.u32 s9, s8;
	v13 =	vld [tilespmem:s10+$0x0];
	vm4 =	vmand vm7, vm5;
	vm0 =	vmxor vm15, vm0;
	vm1 =	vmxor vm15, vm1  }
0x116: {  	s8 =	sor.u32 s12, s8;
	v18 =	vld [tilespmem:s11+$0x80];
	vm5 =	vmand vm13, vm9;
	vm0 =	vmand vm3, vm0;
	vm1 =	vmand vm4, vm1  }
0x117: {  	v59 =	vld [tilespmem:s8+$0x0];
	vm3 =	vmxor vm15, vm5;
	v15 =	vsel vm0, $0x3F800000, v0;
	v16 =	vsel vm1, $0x3F800000, v0  }
0x118: {  	vm0 =	vmand vm2, vm3;
	vm1 =	vge.f32 v9, v4;
	vm3 =	vle.f32 v9, v8;
	v9 =	vld [tilespmem:$0x1FFD0]  }
0x119: {  	v10 =	vld [tilespmem:s26+$0x100]  }
0x11a: {  	v11 =	vld [tilespmem:s26+$0x0]  }
0x11b: {  	v14 =	vld [tilespmem:s10+$0x80]  }
0x11c: {  	v17 =	vld [tilespmem:s11+$0x0];
	vm8 =	vge.f32 v59, v1;
	vm6 =	vle.f32 v57, v6;
	vm11 =	vge.f32 v18, v2  }
0x11d: {  	vm13 =	vle.f32 v18, v6;
	[tilespmem:s5+$0x16E00] =	vst v15;
	v58 =	vsel vm0, $0x3F800000, v0;
	vm7 =	vnez.u8 v9;
	v9 =	vld [tilespmem:$0x1FFF0]  }
0x11e: {  	vm9 =	vle.f32 v59, v5;
	vm5 =	vge.f32 v57, v2;
	vm2 =	vge.f32 v10, v3;
	[tilespmem:s5+$0x16E20] =	vst v58;
	v61 =	vld [tilespmem:s10+$0x100]  }
0x11f: {  	vm0 =	vge.f32 v11, v1;
	vm4 =	vle.f32 v11, v5;
	vm1 =	vmand vm1, vm3;
	v60 =	vld [tilespmem:s8+$0x80]  }
0x120: {  	vm0 =	vmand vm0, vm4;
	vm4 =	vmand vm5, vm6;
	vm5 =	vle.f32 v10, v7  }
0x121: {  	vm3 =	vge.f32 v13, v1;
	vm1 =	vmxor vm15, vm1;
	vm2 =	vmand vm2, vm5  }
0x122: {  	[tilespmem:s5+$0x16E10] =	vst v16;
	vm5 =	vge.f32 v17, v1;
	vm2 =	vmxor vm12, vm2;
	vm6 =	vnez.u8 v9  }
0x123: {  	v19 =	vld [tilespmem:s11+$0x100];
	vm0 =	vmxor vm7, vm0;
	vm14 =	vge.f32 v61, v3;
	vm4 =	vmxor vm6, vm4  }
0x124: {  	v20 =	vld [tilespmem:s8+$0x100];
	vm15 =	vle.f32 v61, v7;
	vm10 =	vge.f32 v60, v2;
	vm0 =	vmand vm0, vm4  }
0x125: {  	vm4 =	vge.f32 v14, v2;
	vm0 =	vmand vm0, vm2;
	vm2 =	vle.f32 v13, v5  }
0x126: {  	vm0 =	vmand vm0, vm1;
	vm1 =	vle.f32 v14, v6;
	vm2 =	vmand vm3, vm2  }
0x127: {  	s6 =	sadd.s32 $0x4, s6;
	vm3 =	vle.f32 v60, v6;
	v62 =	vsel vm0, $0x3F800000, v0;
	vm0 =	vle.f32 v17, v5  }
0x128: {  	v63 =	vld [tilespmem:$0x1FFB0];
	p1 =	slt.u32 s6, $0x1E4;
	vm1 =	vmand vm4, vm1;
	vm4 =	vmand vm11, vm13;
	vm3 =	vmand vm10, vm3  }
.Ltmp4:
0x129: {  	vm10 =	vge.f32 v19, v3;
	vm11 =	vge.f32 v20, v3;
	vm2 =	vmxor vm7, vm2;
	(pc) =	sbr.rel @p1 .LBB2_6-.Ltmp4, $4  }
0x12a: {  	vm13 =	vle.f32 v20, v7;
	vm12 =	vmand vm5, vm0;
	vm5 =	vmand vm8, vm9  }
0x12b: {  	v11 =	vld [tilespmem:s10+$0x180];
	vm0 =	vle.f32 v19, v7;
	vm1 =	vmxor vm6, vm1;
	vm9 =	vmxor vm7, vm12  }
0x12c: {  	s5 =	sshra.s32 s7, $0x2;
	v10 =	vld [tilespmem:s11+$0x180];
	vm12 =	vmxor vm6, vm4;
	vm8 =	vmxor vm7, vm5;
	vm4 =	vmand vm14, vm15  }
0x12d: {  	s7 =	sadd.s32 $0x100, s7;
	v9 =	vld [tilespmem:s8+$0x180];
	[tilespmem:s5+$0x16E30] =	vst v62;
	vm15 =	vnez.u8 v63;
	vm5 =	vmand vm10, vm0;
	vm10 =	vmxor vm6, vm3  }
0x12e: {  	_ = 	snop  }
0x12f: {  	vm0 =	vmand vm11, vm13;
	vm2 =	vmand vm2, vm1  }
0x130: {  	vm6 =	vmand vm9, vm12;
	vm11 =	vge.f32 v11, v4;
	vm3 =	vle.f32 v11, v8  }
0x131: {  	vm7 =	vge.f32 v10, v4;
	vm9 =	vle.f32 v10, v8;
	vm1 =	vmand vm11, vm3  }
0x132: {  	vm3 =	vge.f32 v9, v4;
	vm7 =	vmand vm7, vm9;
	vm9 =	vle.f32 v9, v8;
	v9 =	vld [tilespmem:$0x1FFA0];
	_ =	sdelay $0x4  }
0x133: {  	vm8 =	vmand vm8, vm10;
	vm3 =	vmand vm3, vm9;
	vm10 =	vnez.u8 v9  }
0x134: {  	vm1 =	vmxor vm15, vm1;
	vm3 =	vmxor vm15, vm3;
	vm4 =	vmxor vm10, vm4  }
0x135: {  	vm5 =	vmxor vm10, vm5;
	vm0 =	vmxor vm10, vm0;
	vm2 =	vmand vm2, vm4  }
0x136: {  	vm4 =	vmand vm6, vm5;
	vm5 =	vmxor vm15, vm7;
	vm1 =	vmand vm2, vm1  }
0x137: {  	vm0 =	vmand vm8, vm0;
	vm2 =	vmand vm4, vm5;
	v9 =	vsel vm1, $0x3F800000, v0  }
0x138: {  	vm0 =	vmand vm0, vm3;
	v10 =	vsel vm2, $0x3F800000, v0;
	[tilespmem:s5+$0x16E00] =	vst v9  }
0x139: {  	v9 =	vsel vm0, $0x3F800000, v0;
	[tilespmem:s5+$0x16E10] =	vst v10  }
0x13a: {  	[tilespmem:s5+$0x16E20] =	vst v9  }
0x13b: {  	s4 =	simm.s32 $0x0;
	s5 =	rddreg [dreg:$0xd]  }
0x13c: {  	[hbm4b:s5+s4] =	stream.linear.scatter [tilespmem:s29], [sflag:$0x4], $0x1E80, $0x38;
	[tilespmem:$0x1B580] =	vst v63  }
0x13d: {  	s11 =	simm.s32 $0xF400  }
0x13e: {  	[tilespmem:s11], [sflag:$0x3] =	stream.linear.gather [hbm4b:s13+s4], $0x7A00, $0x38;
	[tilespmem:$0x1B580] =	vst v63  }
0x13f: {  	_ =	swait.ge [sflag:s28], $0x7A00  }
0x140: {  	[sflag:s28] =	ssyncset.done $0x0  }
0x141: {  	[sflag:s28] =	ssyncadd.s32 $0xFFFF8600  }
0x142: {  	s12 =	simm.s32 $0x20;
	_ =	swait.ge [sflag:s24], $0x1E80  }
0x143: {  	s6 =	sand.u32 $0x7E00, s4;
	s5 =	sand.u32 $0x60, s12;
	[sflag:s24] =	ssyncset.done $0x0;
	v59 =	vld [tilespmem:$0x1FFD0]  }
0x144: {  	s5 =	sor.u32 s5, s6;
	v60 =	vld [tilespmem:$0x1FFF0];
	[sflag:s24] =	ssyncadd.s32 $0xFFFFE180  }
0x145: {  	v9 =	vld [tilespmem:s5+$0x180]  }
0x146: {  	s8 =	simm.s32 $0x30;
	v10 =	vld [tilespmem:s5+$0x100]  }
0x147: {  	s8 =	sand.u32 $0x70, s8;
	v11 =	vld [tilespmem:s5+$0x0]  }
0x148: {  	s8 =	sor.u32 s8, s6;
	v12 =	vld [tilespmem:s5+$0x80]  }
0x149: {  	v61 =	vld [tilespmem:s8+$0x0]  }
0x14a: {  	v14 =	vld [tilespmem:s8+$0x80]  }
0x14b: {  	s26 =	simm.s32 $0x0;
	vm3 =	vnez.u8 v59  }
0x14c: {  	s5 =	sand.u32 $0x40, s26;
	vm14 =	vnez.u8 v60;
	vm0 =	vge.f32 v9, v4;
	vm1 =	vge.f32 v11, v1  }
0x14d: {  	s7 =	simm.s32 $0x10;
	s5 =	sor.u32 s5, s6;
	vm2 =	vge.f32 v10, v3;
	vm7 =	vle.f32 v9, v8;
	vm4 =	vle.f32 v11, v5  }
0x14e: {  	s7 =	sand.u32 $0x50, s7;
	v13 =	vld [tilespmem:s5+$0x0];
	vm5 =	vge.f32 v12, v2;
	vm6 =	vle.f32 v12, v6;
	vm8 =	vge.f32 v61, v1  }
0x14f: {  	s7 =	sor.u32 s7, s6;
	v9 =	vld [tilespmem:s5+$0x80];
	vm9 =	vle.f32 v61, v5;
	vm12 =	vge.f32 v14, v2;
	vm1 =	vmand vm1, vm4  }
0x150: {  	v11 =	vld [tilespmem:s7+$0x0];
	vm4 =	vmand vm5, vm6;
	vm5 =	vle.f32 v10, v7;
	vm0 =	vmand vm0, vm7  }
0x151: {  	v62 =	vld [tilespmem:s7+$0x100];
	vm9 =	vmand vm8, vm9;
	vm1 =	vmxor vm3, vm1;
	vm4 =	vmxor vm14, vm4  }
0x152: {  	v10 =	vld [tilespmem:s7+$0x80];
	vm2 =	vmand vm2, vm5;
	vm0 =	vmxor vm15, vm0;
	vm9 =	vmxor vm3, vm9  }
0x153: {  	vm1 =	vmand vm1, vm4;
	vm2 =	vmxor vm10, vm2;
	vm10 =	vge.f32 v13, v1  }
0x154: {  	v15 =	vld [tilespmem:s5+$0x100];
	vm1 =	vmand vm1, vm2;
	vm2 =	vle.f32 v13, v5;
	vm4 =	vge.f32 v9, v2  }
0x155: {  	vm0 =	vmand vm1, vm0;
	vm1 =	vle.f32 v9, v6;
	vm5 =	vge.f32 v11, v1  }
0x156: {  	vm2 =	vmand vm10, vm2;
	vm10 =	vge.f32 v62, v3;
	v9 =	vld [tilespmem:s5+$0x180];
	s5 =	simm.s32 $0x0;
	v16 =	vsel vm0, $0x3F800000, v0  }
0x157: {  	vm0 =	vle.f32 v11, v5;
	vm6 =	vge.f32 v10, v2;
	vm7 =	vle.f32 v10, v6;
	v11 =	vld [tilespmem:s8+$0x100];
	[tilespmem:s5+$0x18CA0] =	vst v16  }
0x158: {  	vm1 =	vmand vm4, vm1;
	vm4 =	vle.f32 v14, v6;
	vm2 =	vmxor vm3, vm2;
	v63 =	vld [tilespmem:$0x1FFB0]  }
0x159: {  	vm0 =	vmand vm5, vm0;
	vm5 =	vge.f32 v15, v3;
	vm11 =	vmand vm6, vm7  }
0x15a: {  	vm6 =	vle.f32 v15, v7;
	vm15 =	vmand vm12, vm4;
	vm12 =	vle.f32 v62, v7  }
0x15b: {  	v10 =	vld [tilespmem:s7+$0x180];
	vm7 =	vmxor vm14, vm1;
	vm4 =	vmand vm5, vm6;
	vm5 =	vmand vm10, vm12  }
0x15c: {  	vm10 =	vmxor vm3, vm0;
	vm12 =	vmxor vm14, vm11;
	vm11 =	vmxor vm14, vm15  }
0x15d: {  	s6 =	simm.s32 $0x0;
	s7 =	simm.s32 $0x70;
	vm8 =	vge.f32 v11, v3;
	vm13 =	vle.f32 v11, v7;
	v11 =	vld [tilespmem:s8+$0x180];
	vm15 =	vnez.u8 v63  }
.LBB2_8:
0x15e: {  	_ =	sdelay $0x1  }
0x15f: {  	vm14 =	vge.f32 v10, v4;
	vm3 =	vle.f32 v10, v8;
	v10 =	vld [tilespmem:$0x1FFA0]  }
0x160: {  	s9 =	sadd.s32 $0xFFFFFFF0, s7;
	s4 =	sadd.s32 $0x100, s4;
	vm8 =	vmand vm8, vm13  }
0x161: {  	vm6 =	vmand vm2, vm7;
	vm7 =	vmand vm10, vm12;
	vm9 =	vmand vm9, vm11;
	s11 =	sand.u32 $0x7E00, s4;
	s9 =	sand.u32 $0x60, s9  }
0x162: {  	s10 =	sadd.s32 $0xFFFFFFD0, s7;
	s12 =	sor.u32 s9, s11;
	vm0 =	vge.f32 v9, v4;
	vm1 =	vle.f32 v9, v8;
	vm13 =	vge.f32 v11, v4  }
0x163: {  	s8 =	sadd.s32 $0xFFFFFFE0, s7;
	s10 =	sand.u32 $0x40, s10;
	v12 =	vld [tilespmem:s12+$0x80];
	vm10 =	vle.f32 v11, v8;
	vm0 =	vmand vm0, vm1;
	vm1 =	vmand vm14, vm3  }
0x164: {  	s8 =	sand.u32 $0x50, s8;
	s10 =	sor.u32 s10, s11;
	v9 =	vld [tilespmem:s12+$0x180];
	vm0 =	vmxor vm15, vm0;
	vm1 =	vmxor vm15, vm1;
	vm12 =	vnez.u8 v10  }
0x165: {  	s26 =	sand.u32 $0x70, s7;
	s8 =	sor.u32 s8, s11;
	v13 =	vld [tilespmem:s10+$0x0];
	vm4 =	vmxor vm12, vm4;
	vm5 =	vmxor vm12, vm5;
	vm2 =	vmxor vm12, vm8  }
0x166: {  	s26 =	sor.u32 s26, s11;
	v18 =	vld [tilespmem:s8+$0x80];
	vm3 =	vmand vm6, vm4;
	vm4 =	vmand vm7, vm5;
	vm5 =	vmand vm13, vm10  }
0x167: {  	v61 =	vld [tilespmem:s26+$0x0];
	vm2 =	vmand vm9, vm2;
	vm0 =	vmand vm3, vm0;
	vm1 =	vmand vm4, vm1  }
0x168: {  	v11 =	vld [tilespmem:s12+$0x0];
	vm3 =	vmxor vm15, vm5;
	v15 =	vsel vm0, $0x3F800000, v0;
	v16 =	vsel vm1, $0x3F800000, v0  }
0x169: {  	vm0 =	vmand vm2, vm3;
	vm1 =	vge.f32 v9, v4;
	vm3 =	vle.f32 v9, v8;
	v9 =	vld [tilespmem:$0x1FFD0]  }
0x16a: {  	v10 =	vld [tilespmem:s12+$0x100]  }
0x16b: {  	v14 =	vld [tilespmem:s10+$0x80]  }
0x16c: {  	v17 =	vld [tilespmem:s8+$0x0];
	vm8 =	vge.f32 v61, v1;
	vm6 =	vle.f32 v12, v6;
	vm7 =	vle.f32 v18, v6;
	[tilespmem:s5+$0x18C90] =	vst v16  }
0x16d: {  	vm9 =	vle.f32 v61, v5;
	vm4 =	vle.f32 v11, v5;
	v60 =	vsel vm0, $0x3F800000, v0;
	v19 =	vld [tilespmem:s8+$0x100]  }
0x16e: {  	vm5 =	vge.f32 v12, v2;
	vm9 =	vmand vm8, vm9;
	[tilespmem:s5+$0x18CB0] =	vst v60;
	vm11 =	vnez.u8 v9;
	v9 =	vld [tilespmem:$0x1FFF0]  }
0x16f: {  	[tilespmem:s5+$0x18C80] =	vst v15;
	vm0 =	vge.f32 v11, v1;
	vm2 =	vge.f32 v10, v3;
	vm1 =	vmand vm1, vm3;
	v15 =	vld [tilespmem:s26+$0x80]  }
0x170: {  	vm0 =	vmand vm0, vm4;
	vm4 =	vmand vm5, vm6;
	vm5 =	vle.f32 v10, v7;
	v20 =	vld [tilespmem:s26+$0x100]  }
0x171: {  	vm3 =	vge.f32 v13, v1;
	vm1 =	vmxor vm15, vm1;
	vm2 =	vmand vm2, vm5  }
0x172: {  	vm5 =	vge.f32 v17, v1;
	vm2 =	vmxor vm12, vm2;
	vm12 =	vge.f32 v18, v2  }
0x173: {  	vm0 =	vmxor vm11, vm0;
	vm9 =	vmxor vm11, vm9;
	vm6 =	vnez.u8 v9  }
0x174: {  	v62 =	vld [tilespmem:s10+$0x100];
	vm14 =	vge.f32 v19, v3;
	vm15 =	vle.f32 v19, v7;
	vm4 =	vmxor vm6, vm4  }
0x175: {  	vm10 =	vge.f32 v15, v2;
	vm8 =	vge.f32 v20, v3;
	vm0 =	vmand vm0, vm4  }
0x176: {  	vm13 =	vle.f32 v20, v7;
	vm4 =	vge.f32 v14, v2;
	vm0 =	vmand vm0, vm2  }
0x177: {  	s6 =	sadd.s32 $0x4, s6;
	vm2 =	vle.f32 v13, v5;
	vm0 =	vmand vm0, vm1;
	vm1 =	vle.f32 v14, v6  }
0x178: {  	v63 =	vld [tilespmem:$0x1FFB0];
	p1 =	slt.u32 s6, $0x1E4;
	vm2 =	vmand vm3, vm2;
	vm3 =	vle.f32 v15, v6;
	v11 =	vsel vm0, $0x3F800000, v0  }
.Ltmp5:
0x179: {  	vm0 =	vle.f32 v17, v5;
	vm1 =	vmand vm4, vm1;
	vm4 =	vge.f32 v62, v3;
	(pc) =	sbr.rel @p1 .LBB2_8-.Ltmp5, $4  }
0x17a: {  	vm3 =	vmand vm10, vm3;
	vm2 =	vmxor vm11, vm2;
	vm0 =	vmand vm5, vm0  }
0x17b: {  	v10 =	vld [tilespmem:s8+$0x180];
	vm5 =	vmand vm12, vm7;
	vm12 =	vle.f32 v62, v7;
	vm7 =	vmxor vm6, vm1  }
0x17c: {  	s5 =	sshra.s32 s4, $0x2;
	v9 =	vld [tilespmem:s10+$0x180];
	vm4 =	vmand vm4, vm12;
	vm10 =	vmxor vm11, vm0;
	vm12 =	vmxor vm6, vm5  }
0x17d: {  	s7 =	sadd.s32 $0x40, s7;
	[tilespmem:s5+$0x18CA0] =	vst v11;
	v11 =	vld [tilespmem:s26+$0x180];
	vm5 =	vmand vm14, vm15;
	vm15 =	vnez.u8 v63;
	vm11 =	vmxor vm6, vm3  }
0x17e: {  	_ =	sdelay $0x2  }
0x17f: {  	vm1 =	vge.f32 v9, v4;
	vm3 =	vle.f32 v9, v8;
	v9 =	vld [tilespmem:$0x1FFA0]  }
0x180: {  	vm0 =	vmand vm8, vm13;
	vm2 =	vmand vm2, vm7  }
0x181: {  	vm8 =	vmand vm9, vm11;
	vm7 =	vge.f32 v10, v4;
	vm9 =	vle.f32 v10, v8  }
0x182: {  	vm7 =	vmand vm7, vm9  }
0x183: {  	vm1 =	vmand vm1, vm3;
	vm3 =	vge.f32 v11, v4;
	vm9 =	vle.f32 v11, v8  }
0x184: {  	vm6 =	vmand vm10, vm12;
	vm3 =	vmand vm3, vm9;
	vm11 =	vnez.u8 v9  }
0x185: {  	vm1 =	vmxor vm15, vm1;
	vm3 =	vmxor vm15, vm3;
	vm4 =	vmxor vm11, vm4  }
0x186: {  	vm5 =	vmxor vm11, vm5;
	vm0 =	vmxor vm11, vm0;
	vm2 =	vmand vm2, vm4  }
0x187: {  	vm4 =	vmand vm6, vm5;
	vm5 =	vmxor vm15, vm7;
	vm1 =	vmand vm2, vm1  }
0x188: {  	vm0 =	vmand vm8, vm0;
	vm2 =	vmand vm4, vm5;
	v9 =	vsel vm1, $0x3F800000, v0  }
0x189: {  	vm0 =	vmand vm0, vm3;
	v10 =	vsel vm2, $0x3F800000, v0;
	[tilespmem:s5+$0x18C80] =	vst v9  }
0x18a: {  	v9 =	vsel vm0, $0x3F800000, v0;
	[tilespmem:s5+$0x18C90] =	vst v10  }
0x18b: {  	s12 =	simm.s32 $0x0;
	[tilespmem:s5+$0x18CB0] =	vst v9  }
0x18c: {  	[hbm4b:s14+s12] =	stream.linear.scatter [tilespmem:s31], [sflag:$0x5], $0x1E80, $0x38;
	[tilespmem:$0x1B580] =	vst v63  }
0x18d: {  	_ = 	snop  }
0x18e: {  	[tilespmem:s12], [sflag:$0x1] =	stream.linear.gather [hbm4b:s15+s12], $0x7A00, $0x38;
	[tilespmem:$0x1B580] =	vst v63  }
0x18f: {  	_ =	swait.ge [sflag:s30], $0x7A00  }
0x190: {  	[sflag:s30] =	ssyncset.done $0x0  }
0x191: {  	[sflag:s30] =	ssyncadd.s32 $0xFFFF8600  }
0x192: {  	s4 =	simm.s32 $0x30;
	s5 =	sand.u32 $0x7E00, s12;
	_ =	swait.ge [sflag:s0], $0x1E80  }
0x193: {  	s6 =	sand.u32 $0x70, s4;
	s5 =	sadd.s32 $0x7A00, s5;
	[sflag:s0] =	ssyncset.done $0x0;
	v60 =	vld [tilespmem:$0x1FFD0]  }
0x194: {  	s6 =	sor.u32 s6, s5;
	v61 =	vld [tilespmem:$0x1FFF0];
	[sflag:s0] =	ssyncadd.s32 $0xFFFFE180  }
0x195: {  	v9 =	vld [tilespmem:s6+$0x180]  }
0x196: {  	s8 =	simm.s32 $0x20;
	v10 =	vld [tilespmem:s6+$0x100]  }
0x197: {  	s8 =	sand.u32 $0x60, s8;
	v11 =	vld [tilespmem:s6+$0x0]  }
0x198: {  	s8 =	sor.u32 s8, s5;
	v12 =	vld [tilespmem:s6+$0x80]  }
0x199: {  	v62 =	vld [tilespmem:s8+$0x0]  }
0x19a: {  	s26 =	simm.s32 $0x0;
	v16 =	vld [tilespmem:s8+$0x100]  }
0x19b: {  	s6 =	sand.u32 $0x40, s26  }
0x19c: {  	s6 =	sor.u32 s6, s5;
	vm10 =	vnez.u8 v60;
	vm14 =	vnez.u8 v61;
	vm0 =	vge.f32 v9, v4  }
0x19d: {  	v13 =	vld [tilespmem:s6+$0x0];
	vm1 =	vge.f32 v11, v1;
	vm2 =	vge.f32 v10, v3;
	vm3 =	vle.f32 v9, v8  }
0x19e: {  	s7 =	simm.s32 $0x10;
	vm4 =	vle.f32 v11, v5;
	vm5 =	vge.f32 v12, v2;
	vm6 =	vle.f32 v12, v6  }
0x19f: {  	s7 =	sand.u32 $0x50, s7;
	vm8 =	vge.f32 v62, v1;
	vm9 =	vle.f32 v62, v5;
	vm13 =	vle.f32 v16, v7  }
0x1a0: {  	s7 =	sor.u32 s7, s5;
	v9 =	vld [tilespmem:s6+$0x80];
	vm1 =	vmand vm1, vm4;
	vm4 =	vmand vm5, vm6;
	vm5 =	vle.f32 v10, v7  }
0x1a1: {  	v11 =	vld [tilespmem:s7+$0x0];
	vm0 =	vmand vm0, vm3;
	vm8 =	vmand vm8, vm9;
	vm1 =	vmxor vm10, vm1  }
0x1a2: {  	v14 =	vld [tilespmem:s8+$0x80];
	vm4 =	vmxor vm14, vm4;
	vm2 =	vmand vm2, vm5;
	vm3 =	vge.f32 v13, v1  }
0x1a3: {  	v10 =	vld [tilespmem:s7+$0x80];
	vm0 =	vmxor vm15, vm0;
	vm1 =	vmand vm1, vm4;
	vm2 =	vmxor vm11, vm2  }
0x1a4: {  	vm8 =	vmxor vm10, vm8;
	vm11 =	vge.f32 v16, v3;
	vm1 =	vmand vm1, vm2  }
0x1a5: {  	v63 =	vld [tilespmem:s6+$0x100];
	vm2 =	vle.f32 v13, v5;
	vm4 =	vge.f32 v9, v2;
	vm0 =	vmand vm1, vm0  }
0x1a6: {  	vm1 =	vle.f32 v9, v6;
	vm5 =	vge.f32 v11, v1;
	v9 =	vld [tilespmem:s7+$0x100];
	vm2 =	vmand vm3, vm2  }
0x1a7: {  	vm3 =	vge.f32 v14, v2;
	v15 =	vsel vm0, $0x3F800000, v0;
	vm0 =	vle.f32 v11, v5  }
0x1a8: {  	vm6 =	vge.f32 v10, v2;
	vm7 =	vle.f32 v10, v6;
	vm1 =	vmand vm4, vm1  }
0x1a9: {  	vm4 =	vle.f32 v14, v6;
	vm2 =	vmxor vm10, vm2;
	vm0 =	vmand vm5, vm0  }
0x1aa: {  	vm7 =	vmand vm6, vm7;
	vm5 =	vge.f32 v63, v3;
	vm6 =	vle.f32 v63, v7  }
0x1ab: {  	v11 =	vld [tilespmem:s6+$0x180];
	vm3 =	vmand vm3, vm4;
	vm9 =	vge.f32 v9, v3;
	vm12 =	vle.f32 v9, v7  }
0x1ac: {  	s5 =	simm.s32 $0x0;
	v10 =	vld [tilespmem:s7+$0x180];
	vm1 =	vmxor vm14, vm1;
	vm4 =	vmand vm5, vm6;
	vm5 =	vmand vm9, vm12  }
0x1ad: {  	s6 =	simm.s32 $0x0;
	s7 =	simm.s32 $0x100;
	[tilespmem:s5+$0x16E30] =	vst v15;
	v9 =	vld [tilespmem:s8+$0x180];
	vm9 =	vmxor vm10, vm0;
	vm12 =	vmxor vm14, vm7;
	vm10 =	vmxor vm14, vm3  }
.LBB2_10:
0x1ae: {  	_ =	sdelay $0x1  }
0x1af: {  	v12 =	vimm.s32 $0x0;
	vm14 =	vmand vm11, vm13;
	vm0 =	vge.f32 v11, v4  }
0x1b0: {  	vm3 =	vge.f32 v10, v4;
	vm11 =	vle.f32 v10, v8;
	v10 =	vld [tilespmem:$0x1FFA0];
	v12 =	vsel vm0, $0xFFFFFFFF, v12  }
0x1b1: {  	[tilespmem:$0x1FF50] =	vst v12  }
0x1b2: {  	vm0 =	vle.f32 v11, v8;
	v11 =	vld [tilespmem:$0x1FF50];
	_ =	sdelay $0x1  }
0x1b3: {  	s8 =	sand.u32 $0x7E00, s7;
	s4 =	sadd.s32 $0x40, s4;
	vm6 =	vmand vm2, vm1;
	vm7 =	vmand vm9, vm12  }
0x1b4: {  	vm8 =	vmand vm8, vm10;
	s8 =	sadd.s32 $0x7A00, s8;
	s10 =	sand.u32 $0x70, s4;
	vm13 =	vge.f32 v9, v4;
	vm12 =	vnez.u8 v10  }
0x1b5: {  	s11 =	sadd.s32 $0xFFFFFFD0, s4;
	s26 =	sor.u32 s10, s8;
	vm9 =	vle.f32 v9, v8;
	vm4 =	vmxor vm12, vm4;
	vm2 =	vmxor vm12, vm14  }
0x1b6: {  	s9 =	sadd.s32 $0xFFFFFFE0, s4;
	s11 =	sand.u32 $0x40, s11;
	v9 =	vld [tilespmem:s26+$0x180];
	vm5 =	vmxor vm12, vm5;
	vm2 =	vmand vm8, vm2;
	vm1 =	vnez.u8 v11  }
0x1b7: {  	s12 =	sadd.s32 $0xFFFFFFF0, s4;
	s9 =	sand.u32 $0x50, s9;
	s10 =	sor.u32 s11, s8;
	v57 =	vld [tilespmem:s26+$0x80];
	vm0 =	vmand vm1, vm0;
	vm1 =	vmand vm3, vm11;
	vm3 =	vmand vm6, vm4  }
0x1b8: {  	s12 =	sand.u32 $0x60, s12;
	s11 =	sor.u32 s9, s8;
	v13 =	vld [tilespmem:s10+$0x0];
	vm4 =	vmand vm7, vm5;
	vm0 =	vmxor vm15, vm0;
	vm1 =	vmxor vm15, vm1  }
0x1b9: {  	s8 =	sor.u32 s12, s8;
	v18 =	vld [tilespmem:s11+$0x80];
	vm5 =	vmand vm13, vm9;
	vm0 =	vmand vm3, vm0;
	vm1 =	vmand vm4, vm1  }
0x1ba: {  	v59 =	vld [tilespmem:s8+$0x0];
	vm3 =	vmxor vm15, vm5;
	v15 =	vsel vm0, $0x3F800000, v0;
	v16 =	vsel vm1, $0x3F800000, v0  }
0x1bb: {  	vm0 =	vmand vm2, vm3;
	vm1 =	vge.f32 v9, v4;
	vm3 =	vle.f32 v9, v8;
	v9 =	vld [tilespmem:$0x1FFD0]  }
0x1bc: {  	v10 =	vld [tilespmem:s26+$0x100]  }
0x1bd: {  	v11 =	vld [tilespmem:s26+$0x0]  }
0x1be: {  	v14 =	vld [tilespmem:s10+$0x80]  }
0x1bf: {  	v17 =	vld [tilespmem:s11+$0x0];
	vm8 =	vge.f32 v59, v1;
	vm6 =	vle.f32 v57, v6;
	vm11 =	vge.f32 v18, v2  }
0x1c0: {  	vm13 =	vle.f32 v18, v6;
	[tilespmem:s5+$0x16E00] =	vst v15;
	v58 =	vsel vm0, $0x3F800000, v0;
	vm7 =	vnez.u8 v9;
	v9 =	vld [tilespmem:$0x1FFF0]  }
0x1c1: {  	vm9 =	vle.f32 v59, v5;
	vm5 =	vge.f32 v57, v2;
	vm2 =	vge.f32 v10, v3;
	[tilespmem:s5+$0x16E20] =	vst v58;
	v61 =	vld [tilespmem:s10+$0x100]  }
0x1c2: {  	vm0 =	vge.f32 v11, v1;
	vm4 =	vle.f32 v11, v5;
	vm1 =	vmand vm1, vm3;
	v60 =	vld [tilespmem:s8+$0x80]  }
0x1c3: {  	vm0 =	vmand vm0, vm4;
	vm4 =	vmand vm5, vm6;
	vm5 =	vle.f32 v10, v7  }
0x1c4: {  	vm3 =	vge.f32 v13, v1;
	vm1 =	vmxor vm15, vm1;
	vm2 =	vmand vm2, vm5  }
0x1c5: {  	[tilespmem:s5+$0x16E10] =	vst v16;
	vm5 =	vge.f32 v17, v1;
	vm2 =	vmxor vm12, vm2;
	vm6 =	vnez.u8 v9  }
0x1c6: {  	v19 =	vld [tilespmem:s11+$0x100];
	vm0 =	vmxor vm7, vm0;
	vm14 =	vge.f32 v61, v3;
	vm4 =	vmxor vm6, vm4  }
0x1c7: {  	v20 =	vld [tilespmem:s8+$0x100];
	vm15 =	vle.f32 v61, v7;
	vm10 =	vge.f32 v60, v2;
	vm0 =	vmand vm0, vm4  }
0x1c8: {  	vm4 =	vge.f32 v14, v2;
	vm0 =	vmand vm0, vm2;
	vm2 =	vle.f32 v13, v5  }
0x1c9: {  	vm0 =	vmand vm0, vm1;
	vm1 =	vle.f32 v14, v6;
	vm2 =	vmand vm3, vm2  }
0x1ca: {  	s6 =	sadd.s32 $0x4, s6;
	vm3 =	vle.f32 v60, v6;
	v62 =	vsel vm0, $0x3F800000, v0;
	vm0 =	vle.f32 v17, v5  }
0x1cb: {  	v63 =	vld [tilespmem:$0x1FFB0];
	p1 =	slt.u32 s6, $0x1E4;
	vm1 =	vmand vm4, vm1;
	vm4 =	vmand vm11, vm13;
	vm3 =	vmand vm10, vm3  }
.Ltmp6:
0x1cc: {  	vm10 =	vge.f32 v19, v3;
	vm11 =	vge.f32 v20, v3;
	vm2 =	vmxor vm7, vm2;
	(pc) =	sbr.rel @p1 .LBB2_10-.Ltmp6, $4  }
0x1cd: {  	vm13 =	vle.f32 v20, v7;
	vm12 =	vmand vm5, vm0;
	vm5 =	vmand vm8, vm9  }
0x1ce: {  	v11 =	vld [tilespmem:s10+$0x180];
	vm0 =	vle.f32 v19, v7;
	vm1 =	vmxor vm6, vm1;
	vm9 =	vmxor vm7, vm12  }
0x1cf: {  	s5 =	sshra.s32 s7, $0x2;
	v10 =	vld [tilespmem:s11+$0x180];
	vm12 =	vmxor vm6, vm4;
	vm8 =	vmxor vm7, vm5;
	vm4 =	vmand vm14, vm15  }
0x1d0: {  	s7 =	sadd.s32 $0x100, s7;
	v9 =	vld [tilespmem:s8+$0x180];
	[tilespmem:s5+$0x16E30] =	vst v62;
	vm15 =	vnez.u8 v63;
	vm5 =	vmand vm10, vm0;
	vm10 =	vmxor vm6, vm3  }
0x1d1: {  	_ = 	snop  }
0x1d2: {  	vm0 =	vmand vm11, vm13;
	vm2 =	vmand vm2, vm1  }
0x1d3: {  	vm6 =	vmand vm9, vm12;
	vm11 =	vge.f32 v11, v4;
	vm3 =	vle.f32 v11, v8  }
0x1d4: {  	vm7 =	vge.f32 v10, v4;
	vm9 =	vle.f32 v10, v8;
	vm1 =	vmand vm11, vm3  }
0x1d5: {  	vm3 =	vge.f32 v9, v4;
	vm7 =	vmand vm7, vm9;
	vm9 =	vle.f32 v9, v8;
	v9 =	vld [tilespmem:$0x1FFA0];
	_ =	sdelay $0x4  }
0x1d6: {  	vm8 =	vmand vm8, vm10;
	vm3 =	vmand vm3, vm9;
	vm11 =	vnez.u8 v9  }
0x1d7: {  	vm1 =	vmxor vm15, vm1;
	vm3 =	vmxor vm15, vm3;
	vm4 =	vmxor vm11, vm4  }
0x1d8: {  	vm5 =	vmxor vm11, vm5;
	vm0 =	vmxor vm11, vm0;
	vm2 =	vmand vm2, vm4  }
0x1d9: {  	vm4 =	vmand vm6, vm5;
	vm5 =	vmxor vm15, vm7;
	vm1 =	vmand vm2, vm1  }
0x1da: {  	vm0 =	vmand vm8, vm0;
	vm2 =	vmand vm4, vm5;
	v9 =	vsel vm1, $0x3F800000, v0  }
0x1db: {  	vm0 =	vmand vm0, vm3;
	v10 =	vsel vm2, $0x3F800000, v0;
	[tilespmem:s5+$0x16E00] =	vst v9  }
0x1dc: {  	v9 =	vsel vm0, $0x3F800000, v0;
	[tilespmem:s5+$0x16E10] =	vst v10  }
0x1dd: {  	s12 =	simm.s32 $0x0;
	[tilespmem:s5+$0x16E20] =	vst v9  }
0x1de: {  	[hbm4b:s16+s12] =	stream.linear.scatter [tilespmem:s29], [sflag:$0x4], $0x1E80, $0x38;
	[tilespmem:$0x1B580] =	vst v63  }
0x1df: {  	_ = 	snop  }
0x1e0: {  	[tilespmem:s23], [sflag:$0x2] =	stream.linear.gather [hbm4b:s17+s12], $0x7A00, $0x38;
	[tilespmem:$0x1B580] =	vst v63  }
0x1e1: {  	_ =	swait.ge [sflag:s1], $0x7A00  }
0x1e2: {  	[sflag:s1] =	ssyncset.done $0x0  }
0x1e3: {  	[sflag:s1] =	ssyncadd.s32 $0xFFFF8600  }
0x1e4: {  	s4 =	simm.s32 $0x30;
	s5 =	sand.u32 $0x7E00, s12;
	_ =	swait.ge [sflag:s24], $0x1E80  }
0x1e5: {  	s6 =	sand.u32 $0x70, s4;
	s5 =	sadd.s32 $0xF400, s5;
	[sflag:s24] =	ssyncset.done $0x0;
	v60 =	vld [tilespmem:$0x1FFD0]  }
0x1e6: {  	s6 =	sor.u32 s6, s5;
	v61 =	vld [tilespmem:$0x1FFF0];
	[sflag:s24] =	ssyncadd.s32 $0xFFFFE180  }
0x1e7: {  	v9 =	vld [tilespmem:s6+$0x180]  }
0x1e8: {  	s8 =	simm.s32 $0x20;
	v10 =	vld [tilespmem:s6+$0x100]  }
0x1e9: {  	s8 =	sand.u32 $0x60, s8;
	v11 =	vld [tilespmem:s6+$0x0]  }
0x1ea: {  	s8 =	sor.u32 s8, s5;
	v12 =	vld [tilespmem:s6+$0x80]  }
0x1eb: {  	v62 =	vld [tilespmem:s8+$0x0]  }
0x1ec: {  	s26 =	simm.s32 $0x0;
	v16 =	vld [tilespmem:s8+$0x100]  }
0x1ed: {  	s6 =	sand.u32 $0x40, s26  }
0x1ee: {  	s6 =	sor.u32 s6, s5;
	vm10 =	vnez.u8 v60;
	vm14 =	vnez.u8 v61;
	vm0 =	vge.f32 v9, v4  }
0x1ef: {  	v13 =	vld [tilespmem:s6+$0x0];
	vm1 =	vge.f32 v11, v1;
	vm2 =	vge.f32 v10, v3;
	vm3 =	vle.f32 v9, v8  }
0x1f0: {  	s7 =	simm.s32 $0x10;
	vm4 =	vle.f32 v11, v5;
	vm5 =	vge.f32 v12, v2;
	vm6 =	vle.f32 v12, v6  }
0x1f1: {  	s7 =	sand.u32 $0x50, s7;
	vm8 =	vge.f32 v62, v1;
	vm9 =	vle.f32 v62, v5;
	vm13 =	vle.f32 v16, v7  }
0x1f2: {  	s7 =	sor.u32 s7, s5;
	v9 =	vld [tilespmem:s6+$0x80];
	vm1 =	vmand vm1, vm4;
	vm4 =	vmand vm5, vm6;
	vm5 =	vle.f32 v10, v7  }
0x1f3: {  	v11 =	vld [tilespmem:s7+$0x0];
	vm0 =	vmand vm0, vm3;
	vm8 =	vmand vm8, vm9;
	vm1 =	vmxor vm10, vm1  }
0x1f4: {  	v14 =	vld [tilespmem:s8+$0x80];
	vm4 =	vmxor vm14, vm4;
	vm2 =	vmand vm2, vm5;
	vm3 =	vge.f32 v13, v1  }
0x1f5: {  	v10 =	vld [tilespmem:s7+$0x80];
	vm0 =	vmxor vm15, vm0;
	vm1 =	vmand vm1, vm4;
	vm2 =	vmxor vm11, vm2  }
0x1f6: {  	vm8 =	vmxor vm10, vm8;
	vm11 =	vge.f32 v16, v3;
	vm1 =	vmand vm1, vm2  }
0x1f7: {  	v63 =	vld [tilespmem:s6+$0x100];
	vm2 =	vle.f32 v13, v5;
	vm4 =	vge.f32 v9, v2;
	vm0 =	vmand vm1, vm0  }
0x1f8: {  	vm1 =	vle.f32 v9, v6;
	vm5 =	vge.f32 v11, v1;
	v9 =	vld [tilespmem:s7+$0x100];
	vm2 =	vmand vm3, vm2  }
0x1f9: {  	vm3 =	vge.f32 v14, v2;
	v15 =	vsel vm0, $0x3F800000, v0;
	vm0 =	vle.f32 v11, v5  }
0x1fa: {  	vm6 =	vge.f32 v10, v2;
	vm7 =	vle.f32 v10, v6;
	vm1 =	vmand vm4, vm1  }
0x1fb: {  	vm4 =	vle.f32 v14, v6;
	vm2 =	vmxor vm10, vm2;
	vm0 =	vmand vm5, vm0  }
0x1fc: {  	vm7 =	vmand vm6, vm7;
	vm5 =	vge.f32 v63, v3;
	vm6 =	vle.f32 v63, v7  }
0x1fd: {  	v11 =	vld [tilespmem:s6+$0x180];
	vm3 =	vmand vm3, vm4;
	vm9 =	vge.f32 v9, v3;
	vm12 =	vle.f32 v9, v7  }
0x1fe: {  	s5 =	simm.s32 $0x0;
	v10 =	vld [tilespmem:s7+$0x180];
	vm1 =	vmxor vm14, vm1;
	vm4 =	vmand vm5, vm6;
	vm5 =	vmand vm9, vm12  }
0x1ff: {  	s6 =	simm.s32 $0x0;
	s7 =	simm.s32 $0x100;
	[tilespmem:s5+$0x18CB0] =	vst v15;
	v9 =	vld [tilespmem:s8+$0x180];
	vm9 =	vmxor vm10, vm0;
	vm12 =	vmxor vm14, vm7;
	vm10 =	vmxor vm14, vm3  }
.LBB2_12:
0x200: {  	_ =	sdelay $0x1  }
0x201: {  	v12 =	vimm.s32 $0x0;
	vm14 =	vmand vm11, vm13;
	vm0 =	vge.f32 v11, v4  }
0x202: {  	vm3 =	vge.f32 v10, v4;
	vm11 =	vle.f32 v10, v8;
	v10 =	vld [tilespmem:$0x1FFA0];
	v12 =	vsel vm0, $0xFFFFFFFF, v12  }
0x203: {  	[tilespmem:$0x1FF40] =	vst v12  }
0x204: {  	vm0 =	vle.f32 v11, v8;
	v11 =	vld [tilespmem:$0x1FF40];
	_ =	sdelay $0x1  }
0x205: {  	s8 =	sand.u32 $0x7E00, s7;
	s4 =	sadd.s32 $0x40, s4;
	vm6 =	vmand vm2, vm1;
	vm7 =	vmand vm9, vm12  }
0x206: {  	vm8 =	vmand vm8, vm10;
	s8 =	sadd.s32 $0xF400, s8;
	s10 =	sand.u32 $0x70, s4;
	vm13 =	vge.f32 v9, v4;
	vm12 =	vnez.u8 v10  }
0x207: {  	s11 =	sadd.s32 $0xFFFFFFD0, s4;
	s26 =	sor.u32 s10, s8;
	vm9 =	vle.f32 v9, v8;
	vm4 =	vmxor vm12, vm4;
	vm2 =	vmxor vm12, vm14  }
0x208: {  	s9 =	sadd.s32 $0xFFFFFFE0, s4;
	s11 =	sand.u32 $0x40, s11;
	v9 =	vld [tilespmem:s26+$0x180];
	vm5 =	vmxor vm12, vm5;
	vm2 =	vmand vm8, vm2;
	vm1 =	vnez.u8 v11  }
0x209: {  	s12 =	sadd.s32 $0xFFFFFFF0, s4;
	s9 =	sand.u32 $0x50, s9;
	s10 =	sor.u32 s11, s8;
	v57 =	vld [tilespmem:s26+$0x80];
	vm0 =	vmand vm1, vm0;
	vm1 =	vmand vm3, vm11;
	vm3 =	vmand vm6, vm4  }
0x20a: {  	s12 =	sand.u32 $0x60, s12;
	s11 =	sor.u32 s9, s8;
	v13 =	vld [tilespmem:s10+$0x0];
	vm4 =	vmand vm7, vm5;
	vm0 =	vmxor vm15, vm0;
	vm1 =	vmxor vm15, vm1  }
0x20b: {  	s8 =	sor.u32 s12, s8;
	v18 =	vld [tilespmem:s11+$0x80];
	vm5 =	vmand vm13, vm9;
	vm0 =	vmand vm3, vm0;
	vm1 =	vmand vm4, vm1  }
0x20c: {  	v59 =	vld [tilespmem:s8+$0x0];
	vm3 =	vmxor vm15, vm5;
	v15 =	vsel vm0, $0x3F800000, v0;
	v16 =	vsel vm1, $0x3F800000, v0  }
0x20d: {  	vm0 =	vmand vm2, vm3;
	vm1 =	vge.f32 v9, v4;
	vm3 =	vle.f32 v9, v8;
	v9 =	vld [tilespmem:$0x1FFD0]  }
0x20e: {  	v10 =	vld [tilespmem:s26+$0x100]  }
0x20f: {  	v11 =	vld [tilespmem:s26+$0x0]  }
0x210: {  	v14 =	vld [tilespmem:s10+$0x80]  }
0x211: {  	v17 =	vld [tilespmem:s11+$0x0];
	vm8 =	vge.f32 v59, v1;
	vm6 =	vle.f32 v57, v6;
	vm11 =	vge.f32 v18, v2  }
0x212: {  	vm13 =	vle.f32 v18, v6;
	[tilespmem:s5+$0x18C80] =	vst v15;
	v58 =	vsel vm0, $0x3F800000, v0;
	vm7 =	vnez.u8 v9;
	v9 =	vld [tilespmem:$0x1FFF0]  }
0x213: {  	vm9 =	vle.f32 v59, v5;
	vm5 =	vge.f32 v57, v2;
	vm2 =	vge.f32 v10, v3;
	[tilespmem:s5+$0x18CA0] =	vst v58;
	v61 =	vld [tilespmem:s10+$0x100]  }
0x214: {  	vm0 =	vge.f32 v11, v1;
	vm4 =	vle.f32 v11, v5;
	vm1 =	vmand vm1, vm3;
	v60 =	vld [tilespmem:s8+$0x80]  }
0x215: {  	vm0 =	vmand vm0, vm4;
	vm4 =	vmand vm5, vm6;
	vm5 =	vle.f32 v10, v7  }
0x216: {  	vm3 =	vge.f32 v13, v1;
	vm1 =	vmxor vm15, vm1;
	vm2 =	vmand vm2, vm5  }
0x217: {  	[tilespmem:s5+$0x18C90] =	vst v16;
	vm5 =	vge.f32 v17, v1;
	vm2 =	vmxor vm12, vm2;
	vm6 =	vnez.u8 v9  }
0x218: {  	v19 =	vld [tilespmem:s11+$0x100];
	vm0 =	vmxor vm7, vm0;
	vm14 =	vge.f32 v61, v3;
	vm4 =	vmxor vm6, vm4  }
0x219: {  	v20 =	vld [tilespmem:s8+$0x100];
	vm15 =	vle.f32 v61, v7;
	vm10 =	vge.f32 v60, v2;
	vm0 =	vmand vm0, vm4  }
0x21a: {  	vm4 =	vge.f32 v14, v2;
	vm0 =	vmand vm0, vm2;
	vm2 =	vle.f32 v13, v5  }
0x21b: {  	vm0 =	vmand vm0, vm1;
	vm1 =	vle.f32 v14, v6;
	vm2 =	vmand vm3, vm2  }
0x21c: {  	s6 =	sadd.s32 $0x4, s6;
	vm3 =	vle.f32 v60, v6;
	v62 =	vsel vm0, $0x3F800000, v0;
	vm0 =	vle.f32 v17, v5  }
0x21d: {  	v63 =	vld [tilespmem:$0x1FFB0];
	p1 =	slt.u32 s6, $0x1E4;
	vm1 =	vmand vm4, vm1;
	vm4 =	vmand vm11, vm13;
	vm3 =	vmand vm10, vm3  }
.Ltmp7:
0x21e: {  	vm10 =	vge.f32 v19, v3;
	vm11 =	vge.f32 v20, v3;
	vm2 =	vmxor vm7, vm2;
	(pc) =	sbr.rel @p1 .LBB2_12-.Ltmp7, $4  }
0x21f: {  	vm13 =	vle.f32 v20, v7;
	vm12 =	vmand vm5, vm0;
	vm5 =	vmand vm8, vm9  }
0x220: {  	v11 =	vld [tilespmem:s10+$0x180];
	vm0 =	vle.f32 v19, v7;
	vm1 =	vmxor vm6, vm1;
	vm9 =	vmxor vm7, vm12  }
0x221: {  	s5 =	sshra.s32 s7, $0x2;
	v10 =	vld [tilespmem:s11+$0x180];
	vm12 =	vmxor vm6, vm4;
	vm8 =	vmxor vm7, vm5;
	vm4 =	vmand vm14, vm15  }
0x222: {  	s7 =	sadd.s32 $0x100, s7;
	v9 =	vld [tilespmem:s8+$0x180];
	[tilespmem:s5+$0x18CB0] =	vst v62;
	vm15 =	vnez.u8 v63;
	vm5 =	vmand vm10, vm0;
	vm10 =	vmxor vm6, vm3  }
0x223: {  	_ = 	snop  }
0x224: {  	vm0 =	vmand vm11, vm13;
	vm2 =	vmand vm2, vm1  }
0x225: {  	vm6 =	vmand vm9, vm12;
	vm11 =	vge.f32 v11, v4;
	vm3 =	vle.f32 v11, v8  }
0x226: {  	vm7 =	vge.f32 v10, v4;
	vm9 =	vle.f32 v10, v8;
	vm1 =	vmand vm11, vm3  }
0x227: {  	vm3 =	vge.f32 v9, v4;
	vm7 =	vmand vm7, vm9;
	vm9 =	vle.f32 v9, v8;
	v9 =	vld [tilespmem:$0x1FFA0];
	_ =	sdelay $0x4  }
0x228: {  	vm8 =	vmand vm8, vm10;
	vm3 =	vmand vm3, vm9;
	vm10 =	vnez.u8 v9  }
0x229: {  	vm1 =	vmxor vm15, vm1;
	vm3 =	vmxor vm15, vm3;
	vm4 =	vmxor vm10, vm4  }
0x22a: {  	vm5 =	vmxor vm10, vm5;
	vm0 =	vmxor vm10, vm0;
	vm2 =	vmand vm2, vm4  }
0x22b: {  	vm4 =	vmand vm6, vm5;
	vm5 =	vmxor vm15, vm7;
	vm1 =	vmand vm2, vm1  }
0x22c: {  	vm0 =	vmand vm8, vm0;
	vm2 =	vmand vm4, vm5;
	v9 =	vsel vm1, $0x3F800000, v0  }
0x22d: {  	vm0 =	vmand vm0, vm3;
	v10 =	vsel vm2, $0x3F800000, v0;
	[tilespmem:s5+$0x18C80] =	vst v9  }
0x22e: {  	v9 =	vsel vm0, $0x3F800000, v0;
	[tilespmem:s5+$0x18C90] =	vst v10  }
0x22f: {  	s4 =	simm.s32 $0x0;
	[tilespmem:s5+$0x18CA0] =	vst v9  }
0x230: {  	[hbm4b:s18+s4] =	stream.linear.scatter [tilespmem:s31], [sflag:$0x5], $0x1E80, $0x38;
	[tilespmem:$0x1B580] =	vst v63  }
0x231: {  	_ =	swait.ge [sflag:s28], $0x7A00  }
0x232: {  	[sflag:s28] =	ssyncset.done $0x0  }
0x233: {  	[sflag:s28] =	ssyncadd.s32 $0xFFFF8600  }
0x234: {  	s12 =	simm.s32 $0x20;
	_ =	swait.ge [sflag:s0], $0x1E80  }
0x235: {  	s6 =	sand.u32 $0x7E00, s4;
	s5 =	sand.u32 $0x60, s12;
	[sflag:s0] =	ssyncset.done $0x0;
	v59 =	vld [tilespmem:$0x1FFD0]  }
0x236: {  	s5 =	sor.u32 s5, s6;
	v60 =	vld [tilespmem:$0x1FFF0];
	[sflag:s0] =	ssyncadd.s32 $0xFFFFE180  }
0x237: {  	v9 =	vld [tilespmem:s5+$0x180]  }
0x238: {  	s8 =	simm.s32 $0x30;
	v10 =	vld [tilespmem:s5+$0x100]  }
0x239: {  	s8 =	sand.u32 $0x70, s8;
	v11 =	vld [tilespmem:s5+$0x0]  }
0x23a: {  	s8 =	sor.u32 s8, s6;
	v12 =	vld [tilespmem:s5+$0x80]  }
0x23b: {  	v61 =	vld [tilespmem:s8+$0x0]  }
0x23c: {  	v14 =	vld [tilespmem:s8+$0x80]  }
0x23d: {  	s26 =	simm.s32 $0x0;
	vm3 =	vnez.u8 v59  }
0x23e: {  	s5 =	sand.u32 $0x40, s26;
	vm14 =	vnez.u8 v60;
	vm0 =	vge.f32 v9, v4;
	vm1 =	vge.f32 v11, v1  }
0x23f: {  	s7 =	simm.s32 $0x10;
	s5 =	sor.u32 s5, s6;
	vm2 =	vge.f32 v10, v3;
	vm7 =	vle.f32 v9, v8;
	vm4 =	vle.f32 v11, v5  }
0x240: {  	s7 =	sand.u32 $0x50, s7;
	v13 =	vld [tilespmem:s5+$0x0];
	vm5 =	vge.f32 v12, v2;
	vm6 =	vle.f32 v12, v6;
	vm8 =	vge.f32 v61, v1  }
0x241: {  	s7 =	sor.u32 s7, s6;
	v9 =	vld [tilespmem:s5+$0x80];
	vm9 =	vle.f32 v61, v5;
	vm12 =	vge.f32 v14, v2;
	vm1 =	vmand vm1, vm4  }
0x242: {  	v11 =	vld [tilespmem:s7+$0x0];
	vm4 =	vmand vm5, vm6;
	vm5 =	vle.f32 v10, v7;
	vm0 =	vmand vm0, vm7  }
0x243: {  	v62 =	vld [tilespmem:s7+$0x100];
	vm9 =	vmand vm8, vm9;
	vm1 =	vmxor vm3, vm1;
	vm4 =	vmxor vm14, vm4  }
0x244: {  	v10 =	vld [tilespmem:s7+$0x80];
	vm2 =	vmand vm2, vm5;
	vm0 =	vmxor vm15, vm0;
	vm9 =	vmxor vm3, vm9  }
0x245: {  	vm1 =	vmand vm1, vm4;
	vm2 =	vmxor vm10, vm2;
	vm10 =	vge.f32 v13, v1  }
0x246: {  	v15 =	vld [tilespmem:s5+$0x100];
	vm1 =	vmand vm1, vm2;
	vm2 =	vle.f32 v13, v5;
	vm4 =	vge.f32 v9, v2  }
0x247: {  	vm0 =	vmand vm1, vm0;
	vm1 =	vle.f32 v9, v6;
	vm5 =	vge.f32 v11, v1  }
0x248: {  	vm2 =	vmand vm10, vm2;
	vm10 =	vge.f32 v62, v3;
	v9 =	vld [tilespmem:s5+$0x180];
	s5 =	simm.s32 $0x0;
	v16 =	vsel vm0, $0x3F800000, v0  }
0x249: {  	vm0 =	vle.f32 v11, v5;
	vm6 =	vge.f32 v10, v2;
	vm7 =	vle.f32 v10, v6;
	v11 =	vld [tilespmem:s8+$0x100];
	[tilespmem:s5+$0x16E20] =	vst v16  }
0x24a: {  	vm1 =	vmand vm4, vm1;
	vm4 =	vle.f32 v14, v6;
	vm2 =	vmxor vm3, vm2;
	v63 =	vld [tilespmem:$0x1FFB0]  }
0x24b: {  	vm0 =	vmand vm5, vm0;
	vm5 =	vge.f32 v15, v3;
	vm11 =	vmand vm6, vm7  }
0x24c: {  	vm6 =	vle.f32 v15, v7;
	vm15 =	vmand vm12, vm4;
	vm12 =	vle.f32 v62, v7  }
0x24d: {  	v10 =	vld [tilespmem:s7+$0x180];
	vm7 =	vmxor vm14, vm1;
	vm4 =	vmand vm5, vm6;
	vm5 =	vmand vm10, vm12  }
0x24e: {  	vm10 =	vmxor vm3, vm0;
	vm12 =	vmxor vm14, vm11;
	vm11 =	vmxor vm14, vm15  }
0x24f: {  	s6 =	simm.s32 $0x0;
	s7 =	simm.s32 $0x70;
	vm8 =	vge.f32 v11, v3;
	vm13 =	vle.f32 v11, v7;
	v11 =	vld [tilespmem:s8+$0x180];
	vm15 =	vnez.u8 v63  }
.LBB2_14:
0x250: {  	_ =	sdelay $0x1  }
0x251: {  	vm14 =	vge.f32 v10, v4;
	vm3 =	vle.f32 v10, v8;
	v10 =	vld [tilespmem:$0x1FFA0]  }
0x252: {  	s9 =	sadd.s32 $0xFFFFFFF0, s7;
	s4 =	sadd.s32 $0x100, s4;
	vm8 =	vmand vm8, vm13  }
0x253: {  	vm6 =	vmand vm2, vm7;
	vm7 =	vmand vm10, vm12;
	vm9 =	vmand vm9, vm11;
	s11 =	sand.u32 $0x7E00, s4;
	s9 =	sand.u32 $0x60, s9  }
0x254: {  	s10 =	sadd.s32 $0xFFFFFFD0, s7;
	s12 =	sor.u32 s9, s11;
	vm0 =	vge.f32 v9, v4;
	vm1 =	vle.f32 v9, v8;
	vm13 =	vge.f32 v11, v4  }
0x255: {  	s8 =	sadd.s32 $0xFFFFFFE0, s7;
	s10 =	sand.u32 $0x40, s10;
	v12 =	vld [tilespmem:s12+$0x80];
	vm10 =	vle.f32 v11, v8;
	vm0 =	vmand vm0, vm1;
	vm1 =	vmand vm14, vm3  }
0x256: {  	s8 =	sand.u32 $0x50, s8;
	s10 =	sor.u32 s10, s11;
	v9 =	vld [tilespmem:s12+$0x180];
	vm0 =	vmxor vm15, vm0;
	vm1 =	vmxor vm15, vm1;
	vm12 =	vnez.u8 v10  }
0x257: {  	s26 =	sand.u32 $0x70, s7;
	s8 =	sor.u32 s8, s11;
	v13 =	vld [tilespmem:s10+$0x0];
	vm4 =	vmxor vm12, vm4;
	vm5 =	vmxor vm12, vm5;
	vm2 =	vmxor vm12, vm8  }
0x258: {  	s26 =	sor.u32 s26, s11;
	v18 =	vld [tilespmem:s8+$0x80];
	vm3 =	vmand vm6, vm4;
	vm4 =	vmand vm7, vm5;
	vm5 =	vmand vm13, vm10  }
0x259: {  	v61 =	vld [tilespmem:s26+$0x0];
	vm2 =	vmand vm9, vm2;
	vm0 =	vmand vm3, vm0;
	vm1 =	vmand vm4, vm1  }
0x25a: {  	v11 =	vld [tilespmem:s12+$0x0];
	vm3 =	vmxor vm15, vm5;
	v15 =	vsel vm0, $0x3F800000, v0;
	v16 =	vsel vm1, $0x3F800000, v0  }
0x25b: {  	vm0 =	vmand vm2, vm3;
	vm1 =	vge.f32 v9, v4;
	vm3 =	vle.f32 v9, v8;
	v9 =	vld [tilespmem:$0x1FFD0]  }
0x25c: {  	v10 =	vld [tilespmem:s12+$0x100]  }
0x25d: {  	v14 =	vld [tilespmem:s10+$0x80]  }
0x25e: {  	v17 =	vld [tilespmem:s8+$0x0];
	vm8 =	vge.f32 v61, v1;
	vm6 =	vle.f32 v12, v6;
	vm7 =	vle.f32 v18, v6;
	[tilespmem:s5+$0x16E10] =	vst v16  }
0x25f: {  	vm9 =	vle.f32 v61, v5;
	vm4 =	vle.f32 v11, v5;
	v60 =	vsel vm0, $0x3F800000, v0;
	v19 =	vld [tilespmem:s8+$0x100]  }
0x260: {  	vm5 =	vge.f32 v12, v2;
	vm9 =	vmand vm8, vm9;
	[tilespmem:s5+$0x16E30] =	vst v60;
	vm11 =	vnez.u8 v9;
	v9 =	vld [tilespmem:$0x1FFF0]  }
0x261: {  	[tilespmem:s5+$0x16E00] =	vst v15;
	vm0 =	vge.f32 v11, v1;
	vm2 =	vge.f32 v10, v3;
	vm1 =	vmand vm1, vm3;
	v15 =	vld [tilespmem:s26+$0x80]  }
0x262: {  	vm0 =	vmand vm0, vm4;
	vm4 =	vmand vm5, vm6;
	vm5 =	vle.f32 v10, v7;
	v20 =	vld [tilespmem:s26+$0x100]  }
0x263: {  	vm3 =	vge.f32 v13, v1;
	vm1 =	vmxor vm15, vm1;
	vm2 =	vmand vm2, vm5  }
0x264: {  	vm5 =	vge.f32 v17, v1;
	vm2 =	vmxor vm12, vm2;
	vm12 =	vge.f32 v18, v2  }
0x265: {  	vm0 =	vmxor vm11, vm0;
	vm9 =	vmxor vm11, vm9;
	vm6 =	vnez.u8 v9  }
0x266: {  	v62 =	vld [tilespmem:s10+$0x100];
	vm14 =	vge.f32 v19, v3;
	vm15 =	vle.f32 v19, v7;
	vm4 =	vmxor vm6, vm4  }
0x267: {  	vm10 =	vge.f32 v15, v2;
	vm8 =	vge.f32 v20, v3;
	vm0 =	vmand vm0, vm4  }
0x268: {  	vm13 =	vle.f32 v20, v7;
	vm4 =	vge.f32 v14, v2;
	vm0 =	vmand vm0, vm2  }
0x269: {  	s6 =	sadd.s32 $0x4, s6;
	vm2 =	vle.f32 v13, v5;
	vm0 =	vmand vm0, vm1;
	vm1 =	vle.f32 v14, v6  }
0x26a: {  	v63 =	vld [tilespmem:$0x1FFB0];
	p1 =	slt.u32 s6, $0x1E4;
	vm2 =	vmand vm3, vm2;
	vm3 =	vle.f32 v15, v6;
	v11 =	vsel vm0, $0x3F800000, v0  }
.Ltmp8:
0x26b: {  	vm0 =	vle.f32 v17, v5;
	vm1 =	vmand vm4, vm1;
	vm4 =	vge.f32 v62, v3;
	(pc) =	sbr.rel @p1 .LBB2_14-.Ltmp8, $4  }
0x26c: {  	vm3 =	vmand vm10, vm3;
	vm2 =	vmxor vm11, vm2;
	vm0 =	vmand vm5, vm0  }
0x26d: {  	v10 =	vld [tilespmem:s8+$0x180];
	vm5 =	vmand vm12, vm7;
	vm12 =	vle.f32 v62, v7;
	vm7 =	vmxor vm6, vm1  }
0x26e: {  	s5 =	sshra.s32 s4, $0x2;
	v9 =	vld [tilespmem:s10+$0x180];
	vm4 =	vmand vm4, vm12;
	vm10 =	vmxor vm11, vm0;
	vm12 =	vmxor vm6, vm5  }
0x26f: {  	s7 =	sadd.s32 $0x40, s7;
	[tilespmem:s5+$0x16E20] =	vst v11;
	v11 =	vld [tilespmem:s26+$0x180];
	vm5 =	vmand vm14, vm15;
	vm15 =	vnez.u8 v63;
	vm11 =	vmxor vm6, vm3  }
0x270: {  	_ =	sdelay $0x2  }
0x271: {  	vm1 =	vge.f32 v9, v4;
	vm3 =	vle.f32 v9, v8;
	v9 =	vld [tilespmem:$0x1FFA0]  }
0x272: {  	vm0 =	vmand vm8, vm13;
	vm2 =	vmand vm2, vm7  }
0x273: {  	vm8 =	vmand vm9, vm11;
	vm7 =	vge.f32 v10, v4;
	vm9 =	vle.f32 v10, v8  }
0x274: {  	vm7 =	vmand vm7, vm9  }
0x275: {  	vm1 =	vmand vm1, vm3;
	vm3 =	vge.f32 v11, v4;
	vm9 =	vle.f32 v11, v8  }
0x276: {  	vm6 =	vmand vm10, vm12;
	vm3 =	vmand vm3, vm9;
	vm10 =	vnez.u8 v9  }
0x277: {  	vm1 =	vmxor vm15, vm1;
	vm3 =	vmxor vm15, vm3;
	vm4 =	vmxor vm10, vm4  }
0x278: {  	vm5 =	vmxor vm10, vm5;
	vm0 =	vmxor vm10, vm0;
	vm2 =	vmand vm2, vm4  }
0x279: {  	vm4 =	vmand vm6, vm5;
	vm5 =	vmxor vm15, vm7;
	vm1 =	vmand vm2, vm1  }
0x27a: {  	vm0 =	vmand vm8, vm0;
	vm2 =	vmand vm4, vm5;
	v9 =	vsel vm1, $0x3F800000, v0  }
0x27b: {  	vm0 =	vmand vm0, vm3;
	v10 =	vsel vm2, $0x3F800000, v0;
	[tilespmem:s5+$0x16E00] =	vst v9  }
0x27c: {  	v9 =	vsel vm0, $0x3F800000, v0;
	[tilespmem:s5+$0x16E10] =	vst v10  }
0x27d: {  	s12 =	simm.s32 $0x0;
	[tilespmem:s5+$0x16E30] =	vst v9  }
0x27e: {  	[hbm4b:s19+s12] =	stream.linear.scatter [tilespmem:s29], [sflag:$0x4], $0x1E80, $0x38;
	[tilespmem:$0x1B580] =	vst v63  }
0x27f: {  	_ =	swait.ge [sflag:s30], $0x7A00  }
0x280: {  	[sflag:s30] =	ssyncset.done $0x0  }
0x281: {  	[sflag:s30] =	ssyncadd.s32 $0xFFFF8600  }
0x282: {  	s4 =	simm.s32 $0x30;
	s5 =	sand.u32 $0x7E00, s12;
	_ =	swait.ge [sflag:s24], $0x1E80  }
0x283: {  	s6 =	sand.u32 $0x70, s4;
	s5 =	sadd.s32 $0x7A00, s5;
	[sflag:s24] =	ssyncset.done $0x0;
	v59 =	vld [tilespmem:$0x1FFD0]  }
0x284: {  	s6 =	sor.u32 s6, s5;
	v60 =	vld [tilespmem:$0x1FFF0];
	[sflag:s24] =	ssyncadd.s32 $0xFFFFE180  }
0x285: {  	v9 =	vld [tilespmem:s6+$0x180]  }
0x286: {  	v10 =	vld [tilespmem:s6+$0x100]  }
0x287: {  	v11 =	vld [tilespmem:s6+$0x0]  }
0x288: {  	v12 =	vld [tilespmem:s6+$0x80]  }
0x289: {  	s26 =	simm.s32 $0x0  }
0x28a: {  	s6 =	sand.u32 $0x40, s26  }
0x28b: {  	s8 =	simm.s32 $0x20;
	s6 =	sor.u32 s6, s5;
	vm7 =	vnez.u8 v59;
	vm3 =	vnez.u8 v60;
	vm0 =	vge.f32 v9, v4  }
0x28c: {  	s7 =	simm.s32 $0x10;
	s8 =	sand.u32 $0x60, s8;
	v13 =	vld [tilespmem:s6+$0x0];
	vm1 =	vge.f32 v11, v1;
	vm2 =	vge.f32 v10, v3;
	vm8 =	vle.f32 v9, v8  }
0x28d: {  	s7 =	sand.u32 $0x50, s7;
	s8 =	sor.u32 s8, s5;
	v9 =	vld [tilespmem:s6+$0x80];
	vm4 =	vle.f32 v11, v5;
	vm5 =	vge.f32 v12, v2;
	vm6 =	vle.f32 v12, v6  }
0x28e: {  	s7 =	sor.u32 s7, s5;
	v14 =	vld [tilespmem:s8+$0x80];
	vm1 =	vmand vm1, vm4;
	vm4 =	vmand vm5, vm6;
	vm5 =	vle.f32 v10, v7  }
0x28f: {  	v10 =	vld [tilespmem:s7+$0x80];
	vm1 =	vmxor vm7, vm1;
	vm4 =	vmxor vm3, vm4;
	vm2 =	vmand vm2, vm5  }
0x290: {  	vm0 =	vmand vm0, vm8;
	vm1 =	vmand vm1, vm4;
	vm2 =	vmxor vm10, vm2  }
0x291: {  	vm0 =	vmxor vm15, vm0;
	vm10 =	vge.f32 v13, v1;
	vm1 =	vmand vm1, vm2  }
0x292: {  	v61 =	vld [tilespmem:s8+$0x0];
	vm2 =	vle.f32 v13, v5;
	vm4 =	vge.f32 v9, v2;
	vm0 =	vmand vm1, vm0  }
0x293: {  	v16 =	vld [tilespmem:s8+$0x100];
	vm1 =	vle.f32 v9, v6;
	vm2 =	vmand vm10, vm2;
	vm10 =	vge.f32 v14, v2  }
0x294: {  	v11 =	vld [tilespmem:s7+$0x0];
	vm6 =	vge.f32 v10, v2;
	vm1 =	vmand vm4, vm1;
	vm4 =	vle.f32 v14, v6  }
0x295: {  	vm11 =	vle.f32 v10, v6;
	v10 =	vimm.s32 $0x0;
	vm4 =	vmand vm10, vm4  }
0x296: {  	v62 =	vld [tilespmem:s6+$0x100];
	v10 =	vsel vm4, $0xFFFFFFFF, v10  }
0x297: {  	s5 =	simm.s32 $0x0;
	v9 =	vld [tilespmem:s7+$0x100];
	v15 =	vsel vm0, $0x3F800000, v0;
	[tilespmem:$0x1FF30] =	vst v10  }
0x298: {  	vm9 =	vle.f32 v61, v5;
	vm12 =	vge.f32 v16, v3;
	[tilespmem:s5+$0x18CB0] =	vst v15  }
0x299: {  	vm8 =	vge.f32 v61, v1;
	vm5 =	vge.f32 v11, v1;
	vm0 =	vle.f32 v11, v5;
	v63 =	vld [tilespmem:$0x1FF30]  }
0x29a: {  	vm13 =	vle.f32 v16, v7;
	vm8 =	vmand vm8, vm9;
	vm0 =	vmand vm5, vm0  }
0x29b: {  	vm11 =	vmand vm6, vm11;
	vm5 =	vge.f32 v62, v3;
	vm6 =	vle.f32 v62, v7  }
0x29c: {  	vm8 =	vmxor vm7, vm8;
	vm4 =	vmand vm5, vm6;
	vm5 =	vmxor vm7, vm2  }
0x29d: {  	vm2 =	vmxor vm3, vm1;
	vm9 =	vge.f32 v9, v3;
	vm10 =	vle.f32 v9, v7;
	v10 =	vld [tilespmem:s6+$0x180]  }
0x29e: {  	v11 =	vld [tilespmem:s7+$0x180];
	vm14 =	vmand vm9, vm10;
	vm10 =	vmxor vm7, vm0;
	vm0 =	vnez.u8 v63  }
0x29f: {  	vm11 =	vmxor vm3, vm11;
	s6 =	simm.s32 $0x0;
	v9 =	vld [tilespmem:s8+$0x180];
	s7 =	simm.s32 $0x100;
	vm7 =	vmmov vm15;
	vm9 =	vmxor vm3, vm0  }
.LBB2_16:
0x2a0: {  	_ =	sdelay $0x1  }
0x2a1: {  	vm3 =	vmand vm12, vm13  }
0x2a2: {  	vm0 =	vge.f32 v10, v4;
	vm1 =	vle.f32 v10, v8;
	v10 =	vimm.s32 $0x0  }
0x2a3: {  	v10 =	vsel vm3, $0xFFFFFFFF, v10  }
0x2a4: {  	[tilespmem:$0x1FF20] =	vst v10;
	v10 =	vld [tilespmem:$0x1FFA0]  }
0x2a5: {  	vm12 =	vle.f32 v11, v8;
	vm3 =	vge.f32 v11, v4;
	v11 =	vld [tilespmem:$0x1FF20]  }
0x2a6: {  	s8 =	sand.u32 $0x7E00, s7;
	s4 =	sadd.s32 $0x40, s4  }
0x2a7: {  	vm5 =	vmand vm5, vm2;
	vm13 =	vmand vm10, vm11;
	s8 =	sadd.s32 $0x7A00, s8;
	s10 =	sand.u32 $0x70, s4  }
0x2a8: {  	vm8 =	vmand vm8, vm9;
	s11 =	sadd.s32 $0xFFFFFFD0, s4;
	s26 =	sor.u32 s10, s8;
	vm15 =	vge.f32 v9, v4;
	vm0 =	vmand vm0, vm1  }
0x2a9: {  	s9 =	sadd.s32 $0xFFFFFFE0, s4;
	s11 =	sand.u32 $0x40, s11;
	v12 =	vld [tilespmem:s26+$0x80];
	vm10 =	vle.f32 v9, v8;
	vm1 =	vmand vm3, vm12;
	vm0 =	vmxor vm7, vm0  }
0x2aa: {  	s12 =	sadd.s32 $0xFFFFFFF0, s4;
	s9 =	sand.u32 $0x50, s9;
	s10 =	sor.u32 s11, s8;
	v9 =	vld [tilespmem:s26+$0x180];
	vm1 =	vmxor vm7, vm1;
	vm11 =	vnez.u8 v10;
	vm2 =	vnez.u8 v11  }
0x2ab: {  	s12 =	sand.u32 $0x60, s12;
	s11 =	sor.u32 s9, s8;
	v13 =	vld [tilespmem:s10+$0x0];
	vm4 =	vmxor vm11, vm4;
	vm6 =	vmxor vm11, vm14;
	vm2 =	vmxor vm11, vm2  }
0x2ac: {  	s8 =	sor.u32 s12, s8;
	v18 =	vld [tilespmem:s11+$0x80];
	vm3 =	vmand vm5, vm4;
	vm4 =	vmand vm13, vm6;
	vm5 =	vmand vm15, vm10  }
0x2ad: {  	v59 =	vld [tilespmem:s8+$0x0];
	vm2 =	vmand vm8, vm2;
	vm0 =	vmand vm3, vm0;
	vm1 =	vmand vm4, vm1  }
0x2ae: {  	v10 =	vld [tilespmem:s26+$0x100];
	vm3 =	vmxor vm7, vm5;
	v15 =	vsel vm0, $0x3F800000, v0;
	v16 =	vsel vm1, $0x3F800000, v0  }
0x2af: {  	vm0 =	vmand vm2, vm3;
	vm1 =	vge.f32 v9, v4;
	vm3 =	vle.f32 v9, v8;
	v9 =	vld [tilespmem:$0x1FFD0]  }
0x2b0: {  	v11 =	vld [tilespmem:s26+$0x0]  }
0x2b1: {  	vm9 =	vmmov vm7;
	v14 =	vld [tilespmem:s10+$0x80]  }
0x2b2: {  	v17 =	vld [tilespmem:s11+$0x0];
	vm12 =	vge.f32 v18, v2;
	vm6 =	vle.f32 v12, v6;
	vm13 =	vle.f32 v18, v6;
	[tilespmem:s5+$0x18C80] =	vst v15  }
0x2b3: {  	vm5 =	vge.f32 v12, v2;
	vm8 =	vge.f32 v59, v1;
	v58 =	vsel vm0, $0x3F800000, v0;
	v61 =	vld [tilespmem:s10+$0x100]  }
0x2b4: {  	vm2 =	vge.f32 v10, v3;
	[tilespmem:s5+$0x18C90] =	vst v16;
	vm1 =	vmand vm1, vm3;
	vm7 =	vnez.u8 v9;
	v9 =	vld [tilespmem:$0x1FFF0]  }
0x2b5: {  	vm3 =	vge.f32 v13, v1;
	vm0 =	vge.f32 v11, v1;
	vm4 =	vle.f32 v11, v5;
	[tilespmem:s5+$0x18CA0] =	vst v58;
	v19 =	vld [tilespmem:s11+$0x100]  }
0x2b6: {  	v60 =	vld [tilespmem:s8+$0x80];
	vm0 =	vmand vm0, vm4;
	vm4 =	vmand vm5, vm6;
	vm5 =	vle.f32 v10, v7  }
0x2b7: {  	vm1 =	vmxor vm9, vm1;
	vm9 =	vle.f32 v59, v5;
	vm2 =	vmand vm2, vm5  }
0x2b8: {  	vm8 =	vmand vm8, vm9;
	vm5 =	vge.f32 v17, v1;
	vm2 =	vmxor vm11, vm2  }
0x2b9: {  	vm0 =	vmxor vm7, vm0;
	vm8 =	vmxor vm7, vm8;
	vm6 =	vnez.u8 v9  }
0x2ba: {  	vm9 =	vge.f32 v61, v3;
	vm14 =	vle.f32 v61, v7;
	vm4 =	vmxor vm6, vm4  }
0x2bb: {  	v20 =	vld [tilespmem:s8+$0x100];
	vm15 =	vge.f32 v19, v3;
	vm10 =	vge.f32 v60, v2;
	vm0 =	vmand vm0, vm4  }
0x2bc: {  	vm4 =	vge.f32 v14, v2;
	vm0 =	vmand vm0, vm2;
	vm2 =	vle.f32 v13, v5  }
0x2bd: {  	s6 =	sadd.s32 $0x4, s6;
	vm0 =	vmand vm0, vm1;
	vm1 =	vle.f32 v14, v6;
	vm2 =	vmand vm3, vm2  }
0x2be: {  	v63 =	vld [tilespmem:$0x1FFB0];
	p1 =	slt.u32 s6, $0x1E4;
	vm3 =	vle.f32 v60, v6;
	v62 =	vsel vm0, $0x3F800000, v0;
	vm0 =	vle.f32 v17, v5  }
.Ltmp9:
0x2bf: {  	vm1 =	vmand vm4, vm1;
	vm4 =	vmand vm12, vm13;
	vm3 =	vmand vm10, vm3;
	(pc) =	sbr.rel @p1 .LBB2_16-.Ltmp9, $4  }
0x2c0: {  	vm12 =	vge.f32 v20, v3;
	vm13 =	vle.f32 v20, v7;
	vm11 =	vmand vm5, vm0  }
0x2c1: {  	v11 =	vld [tilespmem:s11+$0x180];
	vm0 =	vle.f32 v19, v7;
	vm5 =	vmxor vm7, vm2;
	vm2 =	vmxor vm6, vm1  }
0x2c2: {  	s5 =	sshra.s32 s7, $0x2;
	v10 =	vld [tilespmem:s10+$0x180];
	vm10 =	vmxor vm7, vm11;
	vm11 =	vmxor vm6, vm4;
	vm4 =	vmand vm9, vm14  }
0x2c3: {  	s7 =	sadd.s32 $0x100, s7;
	v9 =	vld [tilespmem:s8+$0x180];
	[tilespmem:s5+$0x18CB0] =	vst v62;
	vm7 =	vnez.u8 v63;
	vm14 =	vmand vm15, vm0;
	vm9 =	vmxor vm6, vm3  }
0x2c4: {  	_ =	sdelay $0x2  }
0x2c5: {  	vm15 =	vmand vm12, vm13  }
0x2c6: {  	vm13 =	vmand vm10, vm11;
	vm6 =	vge.f32 v9, v4;
	vm10 =	vle.f32 v9, v8;
	v9 =	vld [tilespmem:$0x1FFA0];
	_ =	sdelay $0x1  }
0x2c7: {  	vm0 =	vge.f32 v10, v4;
	vm1 =	vle.f32 v10, v8;
	v10 =	vimm.s32 $0x0  }
0x2c8: {  	v10 =	vsel vm6, $0xFFFFFFFF, v10  }
0x2c9: {  	[tilespmem:$0x1FF10] =	vst v10  }
0x2ca: {  	vm11 =	vnez.u8 v9;
	v9 =	vld [tilespmem:$0x1FF10]  }
0x2cb: {  	vm5 =	vmand vm5, vm2;
	vm8 =	vmand vm8, vm9  }
0x2cc: {  	vm3 =	vge.f32 v11, v4;
	vm12 =	vle.f32 v11, v8;
	vm0 =	vmand vm0, vm1  }
0x2cd: {  	vm0 =	vmxor vm7, vm0;
	vm4 =	vmxor vm11, vm4;
	vm6 =	vmxor vm11, vm14  }
0x2ce: {  	vm14 =	vmand vm3, vm12;
	vm15 =	vmxor vm11, vm15;
	vm12 =	vmand vm5, vm4  }
0x2cf: {  	vm4 =	vmand vm13, vm6;
	vm1 =	vmxor vm7, vm14;
	vm5 =	vnez.u8 v9  }
0x2d0: {  	vm2 =	vmand vm8, vm15;
	vm1 =	vmand vm4, vm1;
	vm5 =	vmand vm5, vm10  }
.Ltmp10:
0x2d1: {  	vm0 =	vmand vm12, vm0;
	v10 =	vsel vm1, $0x3F800000, v0;
	vm14 =	vmxor vm7, vm5;
	(pc) =	sbr.rel @p0 .LBB2_21-.Ltmp10, $4  }
0x2d2: {  	v9 =	vsel vm0, $0x3F800000, v0;
	[tilespmem:s5+$0x18C90] =	vst v10;
	vm15 =	vmand vm2, vm14  }
0x2d3: {  	[tilespmem:s5+$0x18C80] =	vst v9;
	v9 =	vsel vm15, $0x3F800000, v0  }
0x2d4: {  	[tilespmem:s5+$0x18CA0] =	vst v9  }
0x2d5: {  	[hbm4b:s20+s2] =	stream.linear.scatter [tilespmem:s31], [sflag:$0x5], $0x1E80, $0x38;
	[tilespmem:$0x1B580] =	vst v63  }
0x2d6: {  	_ =	swait.ge [sflag:s21], $0x200  }
0x2d7: {  	v9 =	vld [tilespmem:$0x1FFF0];
	_ =	sdelay $0x4  }
0x2d8: {  	vm9 =	vmmov vm7;
	vm7 =	vnez.u8 v9;
	v9 =	vld [tilespmem:$0x1FFD0];
	_ =	sdelay $0x3  }
0x2d9: {  	[sflag:s21] =	ssyncset.done $0x0  }
0x2da: {  	vm10 =	vmmov vm11;
	s4 =	simm.s32 $0x0;
	p1 =	por $0x1, $0x1;
	[sflag:s21] =	ssyncadd.s32 $0xFFFFFE00;
	vm8 =	vnez.u8 v9  }
.LBB2_19:
0x2db: {  	s4 =	sshra.s32 s4, $0x2  }
0x2dc: {  	v9 =	vld [tilespmem:s4+$0x1B300]  }
0x2dd: {  	v10 =	vld [tilespmem:s4+$0x1B380]  }
0x2de: {  	v11 =	vld [tilespmem:s4+$0x1B400]  }
0x2df: {  	s5 =	sor.u32 $0x10, s4  }
0x2e0: {  	v12 =	vld [tilespmem:s5+$0x1B400]  }
0x2e1: {  	vm0 =	vge.f32 v9, v1;
	vm1 =	vle.f32 v9, v5;
	v9 =	vld [tilespmem:s4+$0x1B480]  }
0x2e2: {  	vm14 =	vge.f32 v10, v2;
	vm2 =	vle.f32 v10, v6;
	v10 =	vld [tilespmem:s5+$0x1B300]  }
0x2e3: {  	vm15 =	vge.f32 v11, v3;
	vm3 =	vle.f32 v11, v7;
	v11 =	vld [tilespmem:s5+$0x1B380]  }
0x2e4: {  	vm0 =	vmand vm0, vm1;
	vm1 =	vmand vm14, vm2  }
0x2e5: {  	vm12 =	vmand vm15, vm3;
	vm0 =	vmxor vm8, vm0;
	vm1 =	vmxor vm7, vm1  }
0x2e6: {  	s6 =	sor.u32 $0x20, s4;
	vm5 =	vle.f32 v12, v7;
	vm0 =	vmand vm0, vm1;
	vm1 =	vmxor vm10, vm12  }
0x2e7: {  	v63 =	vld [tilespmem:s6+$0x1B400];
	vm0 =	vmand vm0, vm1;
	vm13 =	vge.f32 v9, v4;
	vm14 =	vle.f32 v9, v8  }
0x2e8: {  	v9 =	vld [tilespmem:s5+$0x1B480];
	vm12 =	vge.f32 v10, v1;
	vm4 =	vle.f32 v11, v6;
	vm15 =	vmand vm13, vm14  }
0x2e9: {  	vm13 =	vle.f32 v10, v5;
	vm14 =	vge.f32 v11, v2;
	v10 =	vld [tilespmem:s6+$0x1B300];
	vm1 =	vmxor vm9, vm15  }
0x2ea: {  	v11 =	vld [tilespmem:s6+$0x1B380];
	vm2 =	vmand vm12, vm13;
	vm3 =	vmand vm14, vm4;
	vm4 =	vge.f32 v12, v3  }
0x2eb: {  	vm2 =	vmxor vm8, vm2;
	vm3 =	vmxor vm7, vm3;
	vm4 =	vmand vm4, vm5  }
0x2ec: {  	vm2 =	vmand vm2, vm3;
	vm15 =	vmxor vm10, vm4;
	vm4 =	vmand vm0, vm1  }
0x2ed: {  	s7 =	sor.u32 $0x30, s4;
	vm5 =	vge.f32 v9, v4;
	vm6 =	vle.f32 v9, v8;
	vm0 =	vmand vm2, vm15  }
0x2ee: {  	v9 =	vld [tilespmem:s7+$0x1B300];
	vm12 =	vmand vm5, vm6;
	vm13 =	vge.f32 v10, v1;
	vm14 =	vle.f32 v10, v5  }
0x2ef: {  	vm15 =	vge.f32 v11, v2;
	vm5 =	vle.f32 v11, v6;
	v10 =	vld [tilespmem:s7+$0x1B380];
	vm6 =	vle.f32 v63, v7  }
0x2f0: {  	v11 =	vld [tilespmem:s6+$0x1B480];
	vm2 =	vmand vm13, vm14;
	vm3 =	vmand vm15, vm5;
	vm5 =	vge.f32 v63, v3  }
0x2f1: {  	vm1 =	vmxor vm9, vm12;
	vm2 =	vmxor vm8, vm2;
	vm3 =	vmxor vm7, vm3  }
0x2f2: {  	vm0 =	vmand vm0, vm1;
	vm13 =	vmand vm5, vm6;
	vm12 =	vmand vm2, vm3  }
0x2f3: {  	vm2 =	vmxor vm10, vm13;
	vm14 =	vge.f32 v9, v1;
	vm5 =	vle.f32 v9, v5;
	v9 =	vld [tilespmem:s7+$0x1B400]  }
0x2f4: {  	vm1 =	vmand vm12, vm2;
	vm15 =	vge.f32 v10, v2;
	vm6 =	vle.f32 v10, v6;
	v10 =	vld [tilespmem:s7+$0x1B480]  }
0x2f5: {  	vm3 =	vmand vm14, vm5;
	vm5 =	vge.f32 v11, v4;
	vm2 =	vmand vm15, vm6  }
0x2f6: {  	vm6 =	vle.f32 v11, v8;
	vm3 =	vmxor vm8, vm3;
	vm2 =	vmxor vm7, vm2  }
0x2f7: {  	v11 =	vsel vm4, $0x3F800000, v0;
	vm5 =	vmand vm5, vm6;
	vm2 =	vmand vm3, vm2  }
0x2f8: {  	vm12 =	vge.f32 v9, v3;
	vm4 =	vle.f32 v9, v7;
	v9 =	vsel vm0, $0x3F800000, v0  }
0x2f9: {  	p2 =	por p1, p1;
	vm13 =	vmand vm12, vm4;
	vm14 =	vge.f32 v10, v4;
	vm4 =	vle.f32 v10, v8  }
.Ltmp11:
0x2fa: {  	vm3 =	vmand vm14, vm4;
	vm4 =	vmxor vm9, vm5;
	vm0 =	vmxor vm10, vm13;
	(pc) =	sbr.rel @p2 .LBB2_19-.Ltmp11, $4  }
0x2fb: {  	[tilespmem:s4+$0x1B500] =	vst v11;
	vm1 =	vmand vm1, vm4;
	vm0 =	vmand vm2, vm0;
	vm15 =	vmxor vm9, vm3  }
0x2fc: {  	[tilespmem:s5+$0x1B500] =	vst v9;
	v9 =	vsel vm1, $0x3F800000, v0;
	vm0 =	vmand vm0, vm15  }
0x2fd: {  	[tilespmem:s6+$0x1B500] =	vst v9;
	v9 =	vsel vm0, $0x3F800000, v0  }
0x2fe: {  	p1 =	por $0x0, $0x0;
	s4 =	simm.s32 $0x100;
	[tilespmem:s7+$0x1B500] =	vst v9  }
0x2ff: {  	s4 =	rddreg [dreg:$0xe];
	s5 =	simm.s32 $0x1B500  }
0x300: {  	[hbm4b:s4+s2] =	stream.linear.scatter [tilespmem:s5], [sflag:$0x6], $0x80, $0x38;
	[tilespmem:$0x1B580] =	vst v63  }
0x301: {  	_ =	swait.ge [sflag:s0], $0x1E80  }
0x302: {  	[sflag:s0] =	ssyncset.done $0x0  }
0x303: {  	[sflag:s0] =	ssyncadd.s32 $0xFFFFE180  }
0x304: {  	_ =	swait.ge [sflag:s24], $0x1E80  }
.Ltmp12:
0x305: {  	[sflag:s24] =	ssyncset.done $0x0;
	(pc) =	sbr.rel .LBB2_22-.Ltmp12, $4  }
0x306: {  	[sflag:s24] =	ssyncadd.s32 $0xFFFFE180  }
0x307: {  	_ =	swait.ge [sflag:s21], $0x80  }
0x308: {  	[sflag:s21] =	ssyncset.done $0x0  }
0x309: {  	[sflag:s21] =	ssyncadd.s32 $0xFFFFFF80  }
.LBB2_23:
0x30a: {  	_ =	sfence.sel $0x180000  }
0x30b: {  	[bflag:$0x0] =	sbarrier.arrive $0xFFFF  }
0x30c: {  	_ =	strace $0x90000047  }
0x30d: {  	s0 =	stileid.u32;
	[bflag:$0x2] =	sbarrier.arrive $0xFFFF  }
0x30e: {  	p0 =	sne.s32 s0, $0x0;
	s0 =	rddreg [dreg:$0x3]  }
0x30f: {  	s0 =	sadd.s32 @!p0 $0x100000, s0  }
0x310: {  	[sflag:s0] =	ssyncadd.tile.s32 @!p0 $0x1;
	_ =	shalt  }
.Lfunc_end2:
_tile_overlayer_lowered:
.L_overlay_start_2:
0x311: {  	(tag) =	ssettag $0x2  }
0x312: {  	s0 =	rddreg [dreg:$0x0];
	s2 =	stileid.u32  }
0x313: {  	s1 =	rddreg [dreg:$0x1];
	p0 =	sne.s32 s2, $0x0  }
0x314: {  	s3 =	rddreg [dreg:$0x2];
	[bflag:$0x3] =	sbarrier.arrive $0xFFFF;
	s2 =	simm.s32 @!p0 $0x1C07  }
0x315: {  	[timem:s3], [sflag:s2] =	dma.local @!p0 [hbm:s0], s1  }
0x316: {  	s0 =	simm.s32 @!p0 $0x7  }
0x317: {  	_ =	swait.ge @!p0 [sflag:s0], s1  }
0x318: {  	s1 =	ssub.s32 @!p0 $0x0, s1;
	[sflag:s0] =	ssyncset.done @!p0 $0x0  }
0x319: {  	[sflag:s0] =	ssyncadd.s32 @!p0 s1  }
0x31a: {  	[bflag:$0x3] =	sbarrier.arrive $0xFFFF  }
0x31b: {  	_ =	shalt  }

</sc_bundles>
